<compile_context>
chip_gen: v7x
topology: tpu7x:2x2x1
jax: 0.10.2.dev20260603
libtpu: 0.0.44.dev20260713+nightly
codegen_flags: <defaults>
</compile_context>

<pallas_src>
import functools

import jax
import jax.numpy as jnp
import numpy as np
from jax import lax
from jax.experimental import pallas as pl
from jax.experimental.pallas import tpu as pltpu
from jax.experimental.pallas import tpu_sc as plsc

NUM_CLASSES = 80
BATCH = 512
NUM_FG = 128
NUM_BG = 384
IOU_T = 0.5
C_BLK = 1024
GT_PAD = 512
NSUB = 16


def _threefry_uniform(seed, n):
    k1 = np.uint32(seed >> 32)
    k2 = np.uint32(seed & 0xFFFFFFFF)
    ks = [k1, k2, np.uint32(k1 ^ k2 ^ np.uint32(0x1BD11BDA))]
    x0 = np.zeros(n, np.uint32)
    x1 = np.arange(n, dtype=np.uint32)
    rotations = [[13, 15, 26, 6], [17, 29, 16, 24]]

    def rotl(v, d):
        return (v << np.uint32(d)) | (v >> np.uint32(32 - d))

    with np.errstate(over="ignore"):
        x0 = x0 + ks[0]
        x1 = x1 + ks[1]
        for i in range(5):
            for r in rotations[i % 2]:
                x0 = x0 + x1
                x1 = rotl(x1, r)
                x1 = x1 ^ x0
            x0 = x0 + ks[(i + 1) % 3]
            x1 = x1 + ks[(i + 2) % 3] + np.uint32(i + 1)
    bits = x0 ^ x1
    fl = ((bits >> np.uint32(9)) | np.uint32(0x3F800000)).view(np.float32)
    return np.maximum(np.float32(0.0), fl - np.float32(1.0))


@functools.lru_cache(maxsize=None)
def _perm_const(total, npad, gt0_pos):
    rnd = _threefry_uniform(42, total)
    perm = np.argsort(-rnd, kind="stable").astype(np.int32)
    pad = np.full((npad - total,), gt0_pos, np.int32)
    return np.concatenate([perm, pad])




def _match_body(bt_ref, gt_ref, vals_ref, idxs_ref):
    px1 = bt_ref[0:1, :]
    py1 = bt_ref[1:2, :]
    px2 = bt_ref[2:3, :]
    py2 = bt_ref[3:4, :]
    gx1 = gt_ref[:, 0:1]
    gy1 = gt_ref[:, 1:2]
    gx2 = gt_ref[:, 2:3]
    gy2 = gt_ref[:, 3:4]
    area_g = gt_ref[:, 4:5]
    area_p = (px2 - px1) * (py2 - py1)
    w = jnp.clip(jnp.minimum(gx2, px2) - jnp.maximum(gx1, px1), 0.0)
    h = jnp.clip(jnp.minimum(gy2, py2) - jnp.maximum(gy1, py1), 0.0)
    inter = w * h
    iou = inter / (area_g + area_p - inter)
    mx = jnp.max(iou, axis=0, keepdims=True)
    row = jax.lax.broadcasted_iota(jnp.int32, iou.shape, 0)
    idx = jnp.min(
        jnp.where(iou == mx, row, jnp.int32(GT_PAD)), axis=0, keepdims=True
    )
    vals_ref[...] = mx
    idxs_ref[...] = idx


def _match(btp, gtc, npad):
    grid = npad // C_BLK
    return pl.pallas_call(
        _match_body,
        grid=(grid,),
        in_specs=[
            pl.BlockSpec((8, C_BLK), lambda i: (0, i)),
            pl.BlockSpec((GT_PAD, 8), lambda i: (0, 0)),
        ],
        out_specs=[
            pl.BlockSpec((1, C_BLK), lambda i: (0, i)),
            pl.BlockSpec((1, C_BLK), lambda i: (0, i)),
        ],
        out_shape=[
            jax.ShapeDtypeStruct((1, npad), jnp.float32),
            jax.ShapeDtypeStruct((1, npad), jnp.int32),
        ],
    )(btp, gtc)




def _make_sampler(npad, m):
    ch = npad // NSUB
    nv = ch // 16
    ng = ch // 128
    per_w = BATCH // NSUB
    mesh = plsc.VectorSubcoreMesh(core_axis_name="c", subcore_axis_name="s")

    @functools.partial(
        pl.kernel,
        mesh=mesh,
        out_type=[
            jax.ShapeDtypeStruct((9 * BATCH,), jnp.float32),
            jax.ShapeDtypeStruct((BATCH,), jnp.int32),
            jax.ShapeDtypeStruct((BATCH,), jnp.int32),
        ],
        scratch_types=[
            pltpu.VMEM((ch,), jnp.int32),
            pltpu.VMEM((ch,), jnp.float32),
            pltpu.VMEM((16,), jnp.int32),
            pltpu.VMEM((16,), jnp.float32),
            pltpu.VMEM((NSUB, 16), jnp.int32),
            pltpu.VMEM((BATCH + 16,), jnp.int32),
            pltpu.VMEM((2 * 16,), jnp.int32),
            pltpu.VMEM_SHARED((NSUB, 16), jnp.int32),
            pltpu.VMEM_SHARED((NSUB * (BATCH + 16),), jnp.int32),
            pltpu.SemaphoreType.DMA,
        ],
        compiler_params=pltpu.CompilerParams(needs_layout_passes=False),
    )
    def sampler(
        vals_hbm,
        idxs_hbm,
        perm_hbm,
        bflat_hbm,
        gtflat_hbm,
        gtcls_hbm,
        out_t,
        sidx,
        scls,
        pchunk,
        vchunk,
        ibuf,
        fbuf,
        cbuf,
        sel_local,
        rbuf,
        shared,
        sel_rows,
        sem,
    ):
        wid = lax.axis_index("s")
        lane = lax.iota(jnp.int32, 16)

        def gath_f(tbl, idxv):
            pltpu.async_copy(tbl.at[idxv], fbuf, sem).wait()
            return fbuf[...]

        def gath_i(tbl, idxv):
            pltpu.async_copy(tbl.at[idxv], ibuf, sem).wait()
            return ibuf[...]

        pltpu.sync_copy(perm_hbm.at[pl.ds(wid * ch, ch)], pchunk)

        def gather_body(t, _):
            pltpu.async_copy(
                vals_hbm.at[pchunk.at[pl.ds(t * 128, 128)]],
                vchunk.at[pl.ds(t * 128, 128)],
                sem,
            ).wait()
            return 0

        lax.fori_loop(0, ng, gather_body, 0)

        def count_body(i, cp):
            v = vchunk[pl.ds(i * 16, 16)]
            return cp + jnp.sum(jnp.where(v >= IOU_T, 1, 0))

        cp = lax.fori_loop(0, nv, count_body, jnp.int32(0))
        cnt = jnp.where(lane == 0, cp, jnp.where(lane == 1, ch - cp, 0))
        ibuf[...] = cnt
        pltpu.sync_copy(ibuf, shared.at[wid])
        plsc.subcore_barrier()

        pltpu.sync_copy(shared, cbuf)
        acc = jnp.zeros((16,), jnp.int32)
        for r in range(NSUB):
            acc = acc + jnp.where(r < wid, cbuf[r, :], 0)
        fg_base = acc[0]
        bg_base = acc[1]

        zero = jnp.zeros((16,), jnp.int32)
        for k in range((BATCH + 16) // 16):
            sel_local[pl.ds(k * 16, 16)] = zero

        @pl.when(jnp.logical_or(fg_base < NUM_FG, bg_base < NUM_BG))
        def _():
            def scan_body(i, carry):
                cps, cns = carry
                v = vchunk[pl.ds(i * 16, 16)]
                mask = v >= IOU_T
                mi = jnp.where(mask, 1, 0)
                csp = jnp.cumsum(mi)
                csn = jnp.cumsum(1 - mi)
                posd = cps + csp - 1
                negd = cns + csn - 1 + NUM_FG
                sel_pos = jnp.logical_and(mask, posd < NUM_FG)
                sel_neg = jnp.logical_and(~mask, negd < BATCH)
                selm = jnp.logical_or(sel_pos, sel_neg)
                dest = jnp.where(
                    sel_pos, posd, jnp.where(sel_neg, negd, BATCH + lane)
                )
                plsc.store_scatter(
                    sel_local, [dest], wid * ch + i * 16 + lane, mask=selm
                )
                npos = csp[15]
                return (cps + npos, cns + 16 - npos)

            lax.fori_loop(0, nv, scan_body, (fg_base, bg_base))

        pltpu.sync_copy(sel_local, sel_rows.at[pl.ds(wid * (BATCH + 16), BATCH + 16)])
        plsc.subcore_barrier()

        acc0 = zero
        acc1 = zero
        for r in range(NSUB):
            pltpu.sync_copy(
                sel_rows.at[pl.ds(r * (BATCH + 16) + wid * per_w, per_w)], rbuf
            )
            acc0 = acc0 + rbuf[pl.ds(0, 16)]
            acc1 = acc1 + rbuf[pl.ds(16, 16)]
        for b in range(per_w // 16):
            off = wid * per_w + b * 16
            jv = acc0 if b == 0 else acc1
            jv = jnp.clip(jv, 0, npad - 1)
            oidx = gath_i(perm_hbm, jv)
            oidx = jnp.clip(oidx, 0, npad - 1)
            ibuf[...] = oidx
            pltpu.sync_copy(ibuf, sidx.at[pl.ds(off, 16)])
            val = gath_f(vals_hbm, oidx)
            gidx = gath_i(idxs_hbm, oidx)
            gidx = jnp.clip(gidx, 0, GT_PAD - 1)
            gcls = gath_i(gtcls_hbm, gidx)
            cls = jnp.where(val >= IOU_T, gcls, NUM_CLASSES)
            ibuf[...] = cls
            pltpu.sync_copy(ibuf, scls.at[pl.ds(off, 16)])
            for r in range(4):
                bx = gath_f(bflat_hbm, oidx + r * npad)
                fbuf[...] = bx
                pltpu.sync_copy(fbuf, out_t.at[pl.ds(r * BATCH + off, 16)])
            for r in range(4):
                gx = gath_f(gtflat_hbm, gidx + r * GT_PAD)
                fbuf[...] = gx
                pltpu.sync_copy(fbuf, out_t.at[pl.ds((4 + r) * BATCH + off, 16)])
            fbuf[...] = val
            pltpu.sync_copy(fbuf, out_t.at[pl.ds(8 * BATCH + off, 16)])

    return sampler


def kernel(proposal_boxes, gt_boxes, gt_classes):
    n = proposal_boxes.shape[0]
    m = gt_boxes.shape[0]
    total = n + m
    blk = NSUB * 128
    assert blk % C_BLK == 0 or C_BLK % blk == 0
    blk = max(blk, C_BLK)
    npad = ((total + blk - 1) // blk) * blk

    perm = jnp.asarray(_perm_const(total, npad, n))

    boxes_all = jnp.concatenate([proposal_boxes, gt_boxes], axis=0)
    bt = jnp.pad(boxes_all.T, ((0, 4), (0, npad - total)))
    btp = bt

    gt_pad = jnp.zeros((GT_PAD, 8), jnp.float32)
    gt_pad = gt_pad.at[:m, 0:4].set(gt_boxes)
    area_g = (gt_boxes[:, 2] - gt_boxes[:, 0]) * (gt_boxes[:, 3] - gt_boxes[:, 1])
    gtc = gt_pad.at[:m, 4].set(area_g)

    vals_p, idxs_p = _match(btp, gtc, npad)
    vals_p = vals_p.reshape(npad)
    idxs_p = idxs_p.reshape(npad)

    bflat = btp[:4].reshape(4 * npad)
    gtflat = gt_pad[:, 0:4].T.reshape(4 * GT_PAD)
    gtcls = jnp.zeros((GT_PAD,), jnp.int32).at[:m].set(gt_classes)

    sampler = _make_sampler(npad, m)
    out_t, sampled_idxs, sampled_cls = sampler(
        vals_p, idxs_p, perm, bflat, gtflat, gtcls
    )
    return out_t.reshape(9, BATCH).T, sampled_idxs, sampled_cls

# --- scband reference (transcript-rebuilt; emitter-appended) ---
"""Pipeline reference for scband-roiheads-8272107012518 (READ-ONLY COPY).

The authoritative reference and input builder live on the scoring server;
editing this copy changes nothing except your own understanding.
"""

import jax, jax.numpy as jnp
import numpy as np

NUM_CLASSES = 80
BATCH_PER_IMG = 512
POS_FRAC = 0.25
IOU_THRESH = 0.5


def pairwise_iou(gt, pr):
    # gt: [M,4] xyxy, pr: [N,4] xyxy -> [M,N]
    area_g = (gt[:, 2] - gt[:, 0]) * (gt[:, 3] - gt[:, 1])
    area_p = (pr[:, 2] - pr[:, 0]) * (pr[:, 3] - pr[:, 1])
    lt = jnp.maximum(gt[:, None, :2], pr[None, :, :2])
    rb = jnp.minimum(gt[:, None, 2:], pr[None, :, 2:])
    wh = jnp.clip(rb - lt, 0.0)
    inter = wh[..., 0] * wh[..., 1]
    union = area_g[:, None] + area_p[None, :] - inter
    return jnp.where(union > 0, inter / union, 0.0)


def setup_inputs(seed: int = 0):
    key = jax.random.key(seed)
    k1, k2, k3, k4, k5 = jax.random.split(key, 5)
    N, M = 100000, 500
    p_xy = jax.random.uniform(k1, (N, 2)) * 1000.0
    p_wh = jax.random.uniform(k2, (N, 2)) * 100.0 + 1.0
    proposal_boxes = jnp.concatenate([p_xy, p_xy + p_wh], axis=1)
    g_xy = jax.random.uniform(k3, (M, 2)) * 1000.0
    g_wh = jax.random.uniform(k4, (M, 2)) * 100.0 + 1.0
    gt_boxes = jnp.concatenate([g_xy, g_xy + g_wh], axis=1)
    gt_classes = jax.random.randint(k5, (M,), 0, NUM_CLASSES).astype(jnp.int32)
    return {"proposal_boxes": proposal_boxes, "gt_boxes": gt_boxes, "gt_classes": gt_classes}


def reference(proposal_boxes, gt_boxes, gt_classes):
    # proposal_append_gt: append gt boxes so positives exist (as in detectron2)
    boxes_all = jnp.concatenate([proposal_boxes, gt_boxes], axis=0)
    iou = pairwise_iou(gt_boxes, boxes_all)  # [M, N+M]
    matched_vals = jnp.max(iou, axis=0)
    matched_idxs = jnp.argmax(iou, axis=0)
    matched_labels = (matched_vals >= IOU_THRESH).astype(jnp.int32)
    cls = jnp.take(gt_classes, matched_idxs, axis=0)
    cls = jnp.where(matched_labels == 0, NUM_CLASSES, cls)
    pos_mask = cls != NUM_CLASSES
    neg_mask = cls == NUM_CLASSES
    # subsample_labels: random permutation realized as top_k over random priorities
    rnd = jax.random.uniform(jax.random.key(42), (boxes_all.shape[0],))
    num_fg = int(BATCH_PER_IMG * POS_FRAC)
    num_bg = BATCH_PER_IMG - num_fg
    _, fg_idx = jax.lax.top_k(jnp.where(pos_mask, rnd, -1.0), num_fg)
    _, bg_idx = jax.lax.top_k(jnp.where(neg_mask, rnd, -1.0), num_bg)
    sampled_idxs = jnp.concatenate([fg_idx, bg_idx], axis=0)
    sampled_cls = jnp.take(cls, sampled_idxs, axis=0)
    sampled_boxes = jnp.take(boxes_all, sampled_idxs, axis=0)
    sampled_gt = jnp.take(gt_boxes, jnp.take(matched_idxs, sampled_idxs, axis=0), axis=0)
    sampled_iou = jnp.take(matched_vals, sampled_idxs, axis=0)
    out = jnp.concatenate([sampled_boxes, sampled_gt, sampled_iou[:, None]], axis=1)  # [512, 9]
    return out, sampled_idxs, sampled_cls

if __name__ == "__main__":
    import jax
    _d = setup_inputs()
    print(jax.jit(kernel)(*tuple(_d.values())))

</pallas_src>

<mosaic_0001>
#map = affine_map<(d0, d1) -> (0)>
module attributes {stable_mosaic.version = 14 : i64} {
  func.func @sampler(%arg0: i32, %arg1: i32, %arg2: memref<102400xf32, #tpu.memory_space<hbm>>, %arg3: memref<102400xi32, #tpu.memory_space<hbm>>, %arg4: memref<102400xi32, #tpu.memory_space<hbm>>, %arg5: memref<409600xf32, #tpu.memory_space<hbm>>, %arg6: memref<2048xf32, #tpu.memory_space<hbm>>, %arg7: memref<512xi32, #tpu.memory_space<hbm>>, %arg8: memref<4608xf32, #tpu.memory_space<hbm>>, %arg9: memref<512xi32, #tpu.memory_space<hbm>>, %arg10: memref<512xi32, #tpu.memory_space<hbm>>, %arg11: memref<6400xi32, #tpu.memory_space<vmem>>, %arg12: memref<6400xf32, #tpu.memory_space<vmem>>, %arg13: memref<16xi32, #tpu.memory_space<vmem>>, %arg14: memref<16xf32, #tpu.memory_space<vmem>>, %arg15: memref<16x16xi32, #tpu.memory_space<vmem>>, %arg16: memref<528xi32, #tpu.memory_space<vmem>>, %arg17: memref<32xi32, #tpu.memory_space<vmem>>, %arg18: memref<16x16xi32, #tpu.memory_space<vmem_shared>>, %arg19: memref<8448xi32, #tpu.memory_space<vmem_shared>>, %arg20: memref<!tpu.dma_semaphore, #tpu.memory_space<semaphore_mem>>) attributes {dimension_semantics = [#tpu.dimension_semantics<core_parallel>, #tpu.dimension_semantics<subcore_parallel>], iteration_bounds = array<i64: 2, 16>, scalar_prefetch = 0 : i64, scratch_operands = 10 : i64, tpu.core_type = #tpu.core_type<sc_vector_subcore>, window_params = [{transform_indices = #map}, {transform_indices = #map}, {transform_indices = #map}, {transform_indices = #map}, {transform_indices = #map}, {transform_indices = #map}, {transform_indices = #map}, {transform_indices = #map}, {transform_indices = #map}]} {
    %iota3A = tpu.iota {dimensions = array<i32: 0>} : vector<16xi32>
    %mul3A = arith.constant 6400 : i32
    %mul3A_0 = arith.muli %arg1, %mul3A : i32
    "tpu.region"() ({
      %run_scoped3A = tpu.sem_alloc : memref<!tpu.dma_semaphore, #tpu.memory_space<semaphore_mem>>
      %dma_start3A_743 = tpu.memref_slice %arg4[%mul3A_0] : memref<102400xi32, #tpu.memory_space<hbm>> -> memref<6400xi32, #tpu.memory_space<hbm>>
      %dma_start3A_744 = tpu.memref_slice %arg4[%mul3A_0] : memref<102400xi32, #tpu.memory_space<hbm>> -> memref<6400xi32, #tpu.memory_space<hbm>>
      tpu.enqueue_dma source(%dma_start3A_744 : memref<6400xi32, #tpu.memory_space<hbm>>) target(%arg11 : memref<6400xi32, #tpu.memory_space<vmem>>) target_semaphore(%run_scoped3A : memref<!tpu.dma_semaphore, #tpu.memory_space<semaphore_mem>>)
      %dma_wait3A_745 = tpu.memref_slice %arg4[%mul3A_0] : memref<102400xi32, #tpu.memory_space<hbm>> -> memref<6400xi32, #tpu.memory_space<hbm>>
      %dma_wait3A_746 = tpu.memref_slice %arg4[%mul3A_0] : memref<102400xi32, #tpu.memory_space<hbm>> -> memref<6400xi32, #tpu.memory_space<hbm>>
      tpu.wait_dma2 semaphore(%run_scoped3A : memref<!tpu.dma_semaphore, #tpu.memory_space<semaphore_mem>>) src(%dma_wait3A_746 : memref<6400xi32, #tpu.memory_space<hbm>>) dst(%arg11 : memref<6400xi32, #tpu.memory_space<vmem>>)
      tpu.yield
    }) : () -> ()
    %scan3A = arith.constant 0 : i32
    %scan3A_1 = arith.constant 0 : i32
    %scan3A_2 = arith.constant 50 : i32
    %scan3A_3 = arith.addi %scan3A_1, %scan3A_2 : i32
    %scan3A_4 = arith.constant 1 : i32
    %scan3A_5 = scf.for %scan3A_743 = %scan3A_1 to %scan3A_3 step %scan3A_4 iter_args(%scan3A_744 = %scan3A) -> (i32)  : i32 {
      %mul3A_745 = arith.constant 128 : i32
      %mul3A_746 = arith.muli %scan3A_743, %mul3A_745 : i32
      %mul3A_747 = arith.constant 128 : i32
      %mul3A_748 = arith.muli %scan3A_743, %mul3A_747 : i32
      %dma_start3A_749 = tpu.memref_slice %arg12[%mul3A_748] : memref<6400xf32, #tpu.memory_space<vmem>> -> memref<128xf32, #tpu.memory_space<vmem>>
      %dma_start3A_750 = tpu.memref_slice %arg11[%mul3A_746] : memref<6400xi32, #tpu.memory_space<vmem>> -> memref<128xi32, #tpu.memory_space<vmem>>
      %dma_start3A_751 = arith.constant 0 : i32
      %dma_start3A_752 = tpu.memref_slice %arg2[%dma_start3A_751] : memref<102400xf32, #tpu.memory_space<hbm>> -> memref<102400xf32, #tpu.memory_space<hbm>>
      tpu.enqueue_indirect_dma source(%dma_start3A_752 : memref<102400xf32, #tpu.memory_space<hbm>>) target(%dma_start3A_749 : memref<128xf32, #tpu.memory_space<vmem>>) offsets(%dma_start3A_750 : memref<128xi32, #tpu.memory_space<vmem>>) semaphore(%arg20 : memref<!tpu.dma_semaphore, #tpu.memory_space<semaphore_mem>>)
      %dma_wait3A_753 = tpu.memref_slice %arg12[%mul3A_748] : memref<6400xf32, #tpu.memory_space<vmem>> -> memref<128xf32, #tpu.memory_space<vmem>>
      %dma_wait3A_754 = tpu.memref_slice %arg11[%mul3A_746] : memref<6400xi32, #tpu.memory_space<vmem>> -> memref<128xi32, #tpu.memory_space<vmem>>
      %dma_wait3A_755 = arith.constant 0 : i32
      %dma_wait3A_756 = tpu.memref_slice %arg2[%dma_wait3A_755] : memref<102400xf32, #tpu.memory_space<hbm>> -> memref<102400xf32, #tpu.memory_space<hbm>>
      tpu.wait_indirect_dma semaphore(%arg20 : memref<!tpu.dma_semaphore, #tpu.memory_space<semaphore_mem>>) src(%dma_wait3A_756 : memref<102400xf32, #tpu.memory_space<hbm>>) dst(%dma_wait3A_753 : memref<128xf32, #tpu.memory_space<vmem>>)
      %scan3A_757 = arith.constant 0 : i32
      scf.yield %scan3A_757 : i32
    }
    %scan3A_6 = arith.constant 50 : i32
    %scan3A_7 = arith.constant 0 : i32
    %scan3A_8 = arith.constant 0 : i32
    %scan3A_9 = arith.constant 400 : i32
    %scan3A_10 = arith.addi %scan3A_8, %scan3A_9 : i32
    %scan3A_11 = arith.constant 1 : i32
    %scan3A_12 = scf.for %scan3A_743 = %scan3A_8 to %scan3A_10 step %scan3A_11 iter_args(%scan3A_744 = %scan3A_7) -> (i32)  : i32 {
      %mul3A_745 = arith.constant 16 : i32
      %mul3A_746 = arith.muli %scan3A_743, %mul3A_745 : i32
      %get3A_747 = arith.index_cast %mul3A_746 : i32 to index
      %get3A_748 = tpu.vector_load %arg12[%get3A_747] {strides = array<i32>} : memref<6400xf32, #tpu.memory_space<vmem>>, vector<16xf32>,
      %ge3A_749 = arith.constant 5.000000e-01 : f32
      %ge3A_750 = vector.broadcast %ge3A_749 : f32 to vector<16xf32>
      %ge3A_751 = arith.cmpf oge, %get3A_748, %ge3A_750 : vector<16xf32>
      %jit3A_752 = arith.constant 1 : i32
      %jit3A_753 = arith.constant 0 : i32
      %broadcast_in_dim3A_754 = vector.broadcast %jit3A_752 : i32 to vector<16xi32>
      %broadcast_in_dim3A_755 = vector.broadcast %jit3A_753 : i32 to vector<16xi32>
      %select_n3A_756 = arith.select %ge3A_751, %broadcast_in_dim3A_754, %broadcast_in_dim3A_755 : vector<16xi1>, vector<16xi32>
      %reduce_sum3A = arith.constant true
      %reduce_sum3A_757 = vector.broadcast %reduce_sum3A : i1 to vector<16xi1>
      %reduce_sum3A_758 = tpu.scan <sum>, %select_n3A_756 masked %reduce_sum3A_757 : vector<16xi32>, vector<16xi1> -> vector<16xi32>
      %reduce_sum3A_759 = vector.extract %reduce_sum3A_758[15] : i32 from vector<16xi32>
      %add3A_760 = arith.addi %scan3A_744, %reduce_sum3A_759 : i32
      scf.yield %add3A_760 : i32
    }
    %scan3A_13 = arith.constant 400 : i32
    %eq3A = arith.constant 0 : i32
    %eq3A_14 = vector.broadcast %eq3A : i32 to vector<16xi32>
    %eq3A_15 = arith.cmpi eq, %iota3A, %eq3A_14 : vector<16xi32>
    %eq3A_16 = arith.constant 1 : i32
    %eq3A_17 = vector.broadcast %eq3A_16 : i32 to vector<16xi32>
    %eq3A_18 = arith.cmpi eq, %iota3A, %eq3A_17 : vector<16xi32>
    %sub3A = arith.constant 6400 : i32
    %sub3A_19 = arith.subi %sub3A, %scan3A_12 : i32
    %jit3A = arith.constant 0 : i32
    %broadcast_in_dim3A = vector.broadcast %sub3A_19 : i32 to vector<16xi32>
    %broadcast_in_dim3A_20 = vector.broadcast %jit3A : i32 to vector<16xi32>
    %select_n3A = arith.select %eq3A_18, %broadcast_in_dim3A, %broadcast_in_dim3A_20 : vector<16xi1>, vector<16xi32>
    %broadcast_in_dim3A_21 = vector.broadcast %scan3A_12 : i32 to vector<16xi32>
    %select_n3A_22 = arith.select %eq3A_15, %broadcast_in_dim3A_21, %select_n3A : vector<16xi1>, vector<16xi32>
    %swap3A = arith.constant 0 : index
    %swap3A_23 = tpu.vector_load %arg13[%swap3A] {strides = array<i32>} : memref<16xi32, #tpu.memory_space<vmem>>, vector<16xi32>,
    tpu.vector_store %arg13[%swap3A], %select_n3A_22 {strides = array<i32>} : memref<16xi32, #tpu.memory_space<vmem>>, vector<16xi32>,
    "tpu.region"() ({
      %run_scoped3A = tpu.sem_alloc : memref<!tpu.dma_semaphore, #tpu.memory_space<semaphore_mem>>
      %dma_start3A_743 = arith.constant 0 : i32
      %dma_start3A_744 = tpu.memref_slice %arg18[%arg1, %dma_start3A_743] : memref<16x16xi32, #tpu.memory_space<vmem_shared>> -> memref<1x16xi32, #tpu.memory_space<vmem_shared>>
      %dma_start3A_745 = tpu.memref_squeeze %dma_start3A_744 : memref<1x16xi32, #tpu.memory_space<vmem_shared>> -> memref<16xi32, #tpu.memory_space<vmem_shared>>
      %dma_start3A_746 = arith.constant 0 : i32
      %dma_start3A_747 = tpu.memref_slice %arg18[%arg1, %dma_start3A_746] : memref<16x16xi32, #tpu.memory_space<vmem_shared>> -> memref<1x16xi32, #tpu.memory_space<vmem_shared>>
      %dma_start3A_748 = tpu.memref_squeeze %dma_start3A_747 : memref<1x16xi32, #tpu.memory_space<vmem_shared>> -> memref<16xi32, #tpu.memory_space<vmem_shared>>
      tpu.enqueue_dma source(%arg13 : memref<16xi32, #tpu.memory_space<vmem>>) target(%dma_start3A_748 : memref<16xi32, #tpu.memory_space<vmem_shared>>) target_semaphore(%run_scoped3A : memref<!tpu.dma_semaphore, #tpu.memory_space<semaphore_mem>>)
      %dma_wait3A_749 = arith.constant 0 : i32
      %dma_wait3A_750 = tpu.memref_slice %arg18[%arg1, %dma_wait3A_749] : memref<16x16xi32, #tpu.memory_space<vmem_shared>> -> memref<1x16xi32, #tpu.memory_space<vmem_shared>>
      %dma_wait3A_751 = tpu.memref_squeeze %dma_wait3A_750 : memref<1x16xi32, #tpu.memory_space<vmem_shared>> -> memref<16xi32, #tpu.memory_space<vmem_shared>>
      %dma_wait3A_752 = arith.constant 0 : i32
      %dma_wait3A_753 = tpu.memref_slice %arg18[%arg1, %dma_wait3A_752] : memref<16x16xi32, #tpu.memory_space<vmem_shared>> -> memref<1x16xi32, #tpu.memory_space<vmem_shared>>
      %dma_wait3A_754 = tpu.memref_squeeze %dma_wait3A_753 : memref<1x16xi32, #tpu.memory_space<vmem_shared>> -> memref<16xi32, #tpu.memory_space<vmem_shared>>
      tpu.wait_dma2 semaphore(%run_scoped3A : memref<!tpu.dma_semaphore, #tpu.memory_space<semaphore_mem>>) src(%arg13 : memref<16xi32, #tpu.memory_space<vmem>>) dst(%dma_wait3A_754 : memref<16xi32, #tpu.memory_space<vmem_shared>>)
      tpu.yield
    }) : () -> ()
    %barrier3A = arith.constant 0 : index
    tpu.barrier barrier_id(%barrier3A)
    "tpu.region"() ({
      %run_scoped3A = tpu.sem_alloc : memref<!tpu.dma_semaphore, #tpu.memory_space<semaphore_mem>>
      tpu.enqueue_dma source(%arg18 : memref<16x16xi32, #tpu.memory_space<vmem_shared>>) target(%arg15 : memref<16x16xi32, #tpu.memory_space<vmem>>) target_semaphore(%run_scoped3A : memref<!tpu.dma_semaphore, #tpu.memory_space<semaphore_mem>>)
      tpu.wait_dma2 semaphore(%run_scoped3A : memref<!tpu.dma_semaphore, #tpu.memory_space<semaphore_mem>>) src(%arg18 : memref<16x16xi32, #tpu.memory_space<vmem_shared>>) dst(%arg15 : memref<16x16xi32, #tpu.memory_space<vmem>>)
      tpu.yield
    }) : () -> ()
    %broadcast_in_dim3A_24 = arith.constant 0 : i32
    %broadcast_in_dim3A_25 = vector.broadcast %broadcast_in_dim3A_24 : i32 to vector<16xi32>
    %gt3A = arith.constant 0 : i32
    %gt3A_26 = arith.cmpi sgt, %arg1, %gt3A : i32
    %get3A = arith.constant 0 : i32
    %get3A_27 = arith.index_cast %get3A : i32 to index
    %get3A_28 = arith.constant 0 : index
    %get3A_29 = tpu.vector_load %arg15[%get3A_27, %get3A_28] {strides = array<i32>} : memref<16x16xi32, #tpu.memory_space<vmem>>, vector<16xi32>,
    %jit3A_30 = arith.constant 0 : i32
    %broadcast_in_dim3A_31 = vector.broadcast %jit3A_30 : i32 to vector<16xi32>
    %select_n3A_32 = arith.select %gt3A_26, %get3A_29, %broadcast_in_dim3A_31 : vector<16xi32>
    %add3A = arith.addi %broadcast_in_dim3A_25, %select_n3A_32 : vector<16xi32>
    %gt3A_33 = arith.constant 1 : i32
    %gt3A_34 = arith.cmpi sgt, %arg1, %gt3A_33 : i32
    %get3A_35 = arith.constant 1 : i32
    %get3A_36 = arith.index_cast %get3A_35 : i32 to index
    %get3A_37 = arith.constant 0 : index
    %get3A_38 = tpu.vector_load %arg15[%get3A_36, %get3A_37] {strides = array<i32>} : memref<16x16xi32, #tpu.memory_space<vmem>>, vector<16xi32>,
    %jit3A_39 = arith.constant 0 : i32
    %broadcast_in_dim3A_40 = vector.broadcast %jit3A_39 : i32 to vector<16xi32>
    %select_n3A_41 = arith.select %gt3A_34, %get3A_38, %broadcast_in_dim3A_40 : vector<16xi32>
    %add3A_42 = arith.addi %add3A, %select_n3A_41 : vector<16xi32>
    %gt3A_43 = arith.constant 2 : i32
    %gt3A_44 = arith.cmpi sgt, %arg1, %gt3A_43 : i32
    %get3A_45 = arith.constant 2 : i32
    %get3A_46 = arith.index_cast %get3A_45 : i32 to index
    %get3A_47 = arith.constant 0 : index
    %get3A_48 = tpu.vector_load %arg15[%get3A_46, %get3A_47] {strides = array<i32>} : memref<16x16xi32, #tpu.memory_space<vmem>>, vector<16xi32>,
    %jit3A_49 = arith.constant 0 : i32
    %broadcast_in_dim3A_50 = vector.broadcast %jit3A_49 : i32 to vector<16xi32>
    %select_n3A_51 = arith.select %gt3A_44, %get3A_48, %broadcast_in_dim3A_50 : vector<16xi32>
    %add3A_52 = arith.addi %add3A_42, %select_n3A_51 : vector<16xi32>
    %gt3A_53 = arith.constant 3 : i32
    %gt3A_54 = arith.cmpi sgt, %arg1, %gt3A_53 : i32
    %get3A_55 = arith.constant 3 : i32
    %get3A_56 = arith.index_cast %get3A_55 : i32 to index
    %get3A_57 = arith.constant 0 : index
    %get3A_58 = tpu.vector_load %arg15[%get3A_56, %get3A_57] {strides = array<i32>} : memref<16x16xi32, #tpu.memory_space<vmem>>, vector<16xi32>,
    %jit3A_59 = arith.constant 0 : i32
    %broadcast_in_dim3A_60 = vector.broadcast %jit3A_59 : i32 to vector<16xi32>
    %select_n3A_61 = arith.select %gt3A_54, %get3A_58, %broadcast_in_dim3A_60 : vector<16xi32>
    %add3A_62 = arith.addi %add3A_52, %select_n3A_61 : vector<16xi32>
    %gt3A_63 = arith.constant 4 : i32
    %gt3A_64 = arith.cmpi sgt, %arg1, %gt3A_63 : i32
    %get3A_65 = arith.constant 4 : i32
    %get3A_66 = arith.index_cast %get3A_65 : i32 to index
    %get3A_67 = arith.constant 0 : index
    %get3A_68 = tpu.vector_load %arg15[%get3A_66, %get3A_67] {strides = array<i32>} : memref<16x16xi32, #tpu.memory_space<vmem>>, vector<16xi32>,
    %jit3A_69 = arith.constant 0 : i32
    %broadcast_in_dim3A_70 = vector.broadcast %jit3A_69 : i32 to vector<16xi32>
    %select_n3A_71 = arith.select %gt3A_64, %get3A_68, %broadcast_in_dim3A_70 : vector<16xi32>
    %add3A_72 = arith.addi %add3A_62, %select_n3A_71 : vector<16xi32>
    %gt3A_73 = arith.constant 5 : i32
    %gt3A_74 = arith.cmpi sgt, %arg1, %gt3A_73 : i32
    %get3A_75 = arith.constant 5 : i32
    %get3A_76 = arith.index_cast %get3A_75 : i32 to index
    %get3A_77 = arith.constant 0 : index
    %get3A_78 = tpu.vector_load %arg15[%get3A_76, %get3A_77] {strides = array<i32>} : memref<16x16xi32, #tpu.memory_space<vmem>>, vector<16xi32>,
    %jit3A_79 = arith.constant 0 : i32
    %broadcast_in_dim3A_80 = vector.broadcast %jit3A_79 : i32 to vector<16xi32>
    %select_n3A_81 = arith.select %gt3A_74, %get3A_78, %broadcast_in_dim3A_80 : vector<16xi32>
    %add3A_82 = arith.addi %add3A_72, %select_n3A_81 : vector<16xi32>
    %gt3A_83 = arith.constant 6 : i32
    %gt3A_84 = arith.cmpi sgt, %arg1, %gt3A_83 : i32
    %get3A_85 = arith.constant 6 : i32
    %get3A_86 = arith.index_cast %get3A_85 : i32 to index
    %get3A_87 = arith.constant 0 : index
    %get3A_88 = tpu.vector_load %arg15[%get3A_86, %get3A_87] {strides = array<i32>} : memref<16x16xi32, #tpu.memory_space<vmem>>, vector<16xi32>,
    %jit3A_89 = arith.constant 0 : i32
    %broadcast_in_dim3A_90 = vector.broadcast %jit3A_89 : i32 to vector<16xi32>
    %select_n3A_91 = arith.select %gt3A_84, %get3A_88, %broadcast_in_dim3A_90 : vector<16xi32>
    %add3A_92 = arith.addi %add3A_82, %select_n3A_91 : vector<16xi32>
    %gt3A_93 = arith.constant 7 : i32
    %gt3A_94 = arith.cmpi sgt, %arg1, %gt3A_93 : i32
    %get3A_95 = arith.constant 7 : i32
    %get3A_96 = arith.index_cast %get3A_95 : i32 to index
    %get3A_97 = arith.constant 0 : index
    %get3A_98 = tpu.vector_load %arg15[%get3A_96, %get3A_97] {strides = array<i32>} : memref<16x16xi32, #tpu.memory_space<vmem>>, vector<16xi32>,
    %jit3A_99 = arith.constant 0 : i32
    %broadcast_in_dim3A_100 = vector.broadcast %jit3A_99 : i32 to vector<16xi32>
    %select_n3A_101 = arith.select %gt3A_94, %get3A_98, %broadcast_in_dim3A_100 : vector<16xi32>
    %add3A_102 = arith.addi %add3A_92, %select_n3A_101 : vector<16xi32>
    %gt3A_103 = arith.constant 8 : i32
    %gt3A_104 = arith.cmpi sgt, %arg1, %gt3A_103 : i32
    %get3A_105 = arith.constant 8 : i32
    %get3A_106 = arith.index_cast %get3A_105 : i32 to index
    %get3A_107 = arith.constant 0 : index
    %get3A_108 = tpu.vector_load %arg15[%get3A_106, %get3A_107] {strides = array<i32>} : memref<16x16xi32, #tpu.memory_space<vmem>>, vector<16xi32>,
    %jit3A_109 = arith.constant 0 : i32
    %broadcast_in_dim3A_110 = vector.broadcast %jit3A_109 : i32 to vector<16xi32>
    %select_n3A_111 = arith.select %gt3A_104, %get3A_108, %broadcast_in_dim3A_110 : vector<16xi32>
    %add3A_112 = arith.addi %add3A_102, %select_n3A_111 : vector<16xi32>
    %gt3A_113 = arith.constant 9 : i32
    %gt3A_114 = arith.cmpi sgt, %arg1, %gt3A_113 : i32
    %get3A_115 = arith.constant 9 : i32
    %get3A_116 = arith.index_cast %get3A_115 : i32 to index
    %get3A_117 = arith.constant 0 : index
    %get3A_118 = tpu.vector_load %arg15[%get3A_116, %get3A_117] {strides = array<i32>} : memref<16x16xi32, #tpu.memory_space<vmem>>, vector<16xi32>,
    %jit3A_119 = arith.constant 0 : i32
    %broadcast_in_dim3A_120 = vector.broadcast %jit3A_119 : i32 to vector<16xi32>
    %select_n3A_121 = arith.select %gt3A_114, %get3A_118, %broadcast_in_dim3A_120 : vector<16xi32>
    %add3A_122 = arith.addi %add3A_112, %select_n3A_121 : vector<16xi32>
    %gt3A_123 = arith.constant 10 : i32
    %gt3A_124 = arith.cmpi sgt, %arg1, %gt3A_123 : i32
    %get3A_125 = arith.constant 10 : i32
    %get3A_126 = arith.index_cast %get3A_125 : i32 to index
    %get3A_127 = arith.constant 0 : index
    %get3A_128 = tpu.vector_load %arg15[%get3A_126, %get3A_127] {strides = array<i32>} : memref<16x16xi32, #tpu.memory_space<vmem>>, vector<16xi32>,
    %jit3A_129 = arith.constant 0 : i32
    %broadcast_in_dim3A_130 = vector.broadcast %jit3A_129 : i32 to vector<16xi32>
    %select_n3A_131 = arith.select %gt3A_124, %get3A_128, %broadcast_in_dim3A_130 : vector<16xi32>
    %add3A_132 = arith.addi %add3A_122, %select_n3A_131 : vector<16xi32>
    %gt3A_133 = arith.constant 11 : i32
    %gt3A_134 = arith.cmpi sgt, %arg1, %gt3A_133 : i32
    %get3A_135 = arith.constant 11 : i32
    %get3A_136 = arith.index_cast %get3A_135 : i32 to index
    %get3A_137 = arith.constant 0 : index
    %get3A_138 = tpu.vector_load %arg15[%get3A_136, %get3A_137] {strides = array<i32>} : memref<16x16xi32, #tpu.memory_space<vmem>>, vector<16xi32>,
    %jit3A_139 = arith.constant 0 : i32
    %broadcast_in_dim3A_140 = vector.broadcast %jit3A_139 : i32 to vector<16xi32>
    %select_n3A_141 = arith.select %gt3A_134, %get3A_138, %broadcast_in_dim3A_140 : vector<16xi32>
    %add3A_142 = arith.addi %add3A_132, %select_n3A_141 : vector<16xi32>
    %gt3A_143 = arith.constant 12 : i32
    %gt3A_144 = arith.cmpi sgt, %arg1, %gt3A_143 : i32
    %get3A_145 = arith.constant 12 : i32
    %get3A_146 = arith.index_cast %get3A_145 : i32 to index
    %get3A_147 = arith.constant 0 : index
    %get3A_148 = tpu.vector_load %arg15[%get3A_146, %get3A_147] {strides = array<i32>} : memref<16x16xi32, #tpu.memory_space<vmem>>, vector<16xi32>,
    %jit3A_149 = arith.constant 0 : i32
    %broadcast_in_dim3A_150 = vector.broadcast %jit3A_149 : i32 to vector<16xi32>
    %select_n3A_151 = arith.select %gt3A_144, %get3A_148, %broadcast_in_dim3A_150 : vector<16xi32>
    %add3A_152 = arith.addi %add3A_142, %select_n3A_151 : vector<16xi32>
    %gt3A_153 = arith.constant 13 : i32
    %gt3A_154 = arith.cmpi sgt, %arg1, %gt3A_153 : i32
    %get3A_155 = arith.constant 13 : i32
    %get3A_156 = arith.index_cast %get3A_155 : i32 to index
    %get3A_157 = arith.constant 0 : index
    %get3A_158 = tpu.vector_load %arg15[%get3A_156, %get3A_157] {strides = array<i32>} : memref<16x16xi32, #tpu.memory_space<vmem>>, vector<16xi32>,
    %jit3A_159 = arith.constant 0 : i32
    %broadcast_in_dim3A_160 = vector.broadcast %jit3A_159 : i32 to vector<16xi32>
    %select_n3A_161 = arith.select %gt3A_154, %get3A_158, %broadcast_in_dim3A_160 : vector<16xi32>
    %add3A_162 = arith.addi %add3A_152, %select_n3A_161 : vector<16xi32>
    %gt3A_163 = arith.constant 14 : i32
    %gt3A_164 = arith.cmpi sgt, %arg1, %gt3A_163 : i32
    %get3A_165 = arith.constant 14 : i32
    %get3A_166 = arith.index_cast %get3A_165 : i32 to index
    %get3A_167 = arith.constant 0 : index
    %get3A_168 = tpu.vector_load %arg15[%get3A_166, %get3A_167] {strides = array<i32>} : memref<16x16xi32, #tpu.memory_space<vmem>>, vector<16xi32>,
    %jit3A_169 = arith.constant 0 : i32
    %broadcast_in_dim3A_170 = vector.broadcast %jit3A_169 : i32 to vector<16xi32>
    %select_n3A_171 = arith.select %gt3A_164, %get3A_168, %broadcast_in_dim3A_170 : vector<16xi32>
    %add3A_172 = arith.addi %add3A_162, %select_n3A_171 : vector<16xi32>
    %gt3A_173 = arith.constant 15 : i32
    %gt3A_174 = arith.cmpi sgt, %arg1, %gt3A_173 : i32
    %get3A_175 = arith.constant 15 : i32
    %get3A_176 = arith.index_cast %get3A_175 : i32 to index
    %get3A_177 = arith.constant 0 : index
    %get3A_178 = tpu.vector_load %arg15[%get3A_176, %get3A_177] {strides = array<i32>} : memref<16x16xi32, #tpu.memory_space<vmem>>, vector<16xi32>,
    %jit3A_179 = arith.constant 0 : i32
    %broadcast_in_dim3A_180 = vector.broadcast %jit3A_179 : i32 to vector<16xi32>
    %select_n3A_181 = arith.select %gt3A_174, %get3A_178, %broadcast_in_dim3A_180 : vector<16xi32>
    %add3A_182 = arith.addi %add3A_172, %select_n3A_181 : vector<16xi32>
    %slice3A = vector.extract_strided_slice %add3A_182 {offsets = [0], sizes = [1], strides = [1]} : vector<16xi32> to vector<1xi32>
    %squeeze3A = vector.extract %slice3A[0] : i32 from vector<1xi32>
    %slice3A_183 = vector.extract_strided_slice %add3A_182 {offsets = [1], sizes = [1], strides = [1]} : vector<16xi32> to vector<1xi32>
    %squeeze3A_184 = vector.extract %slice3A_183[0] : i32 from vector<1xi32>
    %broadcast_in_dim3A_185 = arith.constant 0 : i32
    %broadcast_in_dim3A_186 = vector.broadcast %broadcast_in_dim3A_185 : i32 to vector<16xi32>
    %swap3A_187 = arith.constant 0 : index
    %swap3A_188 = tpu.vector_load %arg16[%swap3A_187] {strides = array<i32>} : memref<528xi32, #tpu.memory_space<vmem>>, vector<16xi32>,
    tpu.vector_store %arg16[%swap3A_187], %broadcast_in_dim3A_186 {strides = array<i32>} : memref<528xi32, #tpu.memory_space<vmem>>, vector<16xi32>,
    %swap3A_189 = arith.constant 16 : index
    %swap3A_190 = tpu.vector_load %arg16[%swap3A_189] {strides = array<i32>} : memref<528xi32, #tpu.memory_space<vmem>>, vector<16xi32>,
    tpu.vector_store %arg16[%swap3A_189], %broadcast_in_dim3A_186 {strides = array<i32>} : memref<528xi32, #tpu.memory_space<vmem>>, vector<16xi32>,
    %swap3A_191 = arith.constant 32 : index
    %swap3A_192 = tpu.vector_load %arg16[%swap3A_191] {strides = array<i32>} : memref<528xi32, #tpu.memory_space<vmem>>, vector<16xi32>,
    tpu.vector_store %arg16[%swap3A_191], %broadcast_in_dim3A_186 {strides = array<i32>} : memref<528xi32, #tpu.memory_space<vmem>>, vector<16xi32>,
    %swap3A_193 = arith.constant 48 : index
    %swap3A_194 = tpu.vector_load %arg16[%swap3A_193] {strides = array<i32>} : memref<528xi32, #tpu.memory_space<vmem>>, vector<16xi32>,
    tpu.vector_store %arg16[%swap3A_193], %broadcast_in_dim3A_186 {strides = array<i32>} : memref<528xi32, #tpu.memory_space<vmem>>, vector<16xi32>,
    %swap3A_195 = arith.constant 64 : index
    %swap3A_196 = tpu.vector_load %arg16[%swap3A_195] {strides = array<i32>} : memref<528xi32, #tpu.memory_space<vmem>>, vector<16xi32>,
    tpu.vector_store %arg16[%swap3A_195], %broadcast_in_dim3A_186 {strides = array<i32>} : memref<528xi32, #tpu.memory_space<vmem>>, vector<16xi32>,
    %swap3A_197 = arith.constant 80 : index
    %swap3A_198 = tpu.vector_load %arg16[%swap3A_197] {strides = array<i32>} : memref<528xi32, #tpu.memory_space<vmem>>, vector<16xi32>,
    tpu.vector_store %arg16[%swap3A_197], %broadcast_in_dim3A_186 {strides = array<i32>} : memref<528xi32, #tpu.memory_space<vmem>>, vector<16xi32>,
    %swap3A_199 = arith.constant 96 : index
    %swap3A_200 = tpu.vector_load %arg16[%swap3A_199] {strides = array<i32>} : memref<528xi32, #tpu.memory_space<vmem>>, vector<16xi32>,
    tpu.vector_store %arg16[%swap3A_199], %broadcast_in_dim3A_186 {strides = array<i32>} : memref<528xi32, #tpu.memory_space<vmem>>, vector<16xi32>,
    %swap3A_201 = arith.constant 112 : index
    %swap3A_202 = tpu.vector_load %arg16[%swap3A_201] {strides = array<i32>} : memref<528xi32, #tpu.memory_space<vmem>>, vector<16xi32>,
    tpu.vector_store %arg16[%swap3A_201], %broadcast_in_dim3A_186 {strides = array<i32>} : memref<528xi32, #tpu.memory_space<vmem>>, vector<16xi32>,
    %swap3A_203 = arith.constant 128 : index
    %swap3A_204 = tpu.vector_load %arg16[%swap3A_203] {strides = array<i32>} : memref<528xi32, #tpu.memory_space<vmem>>, vector<16xi32>,
    tpu.vector_store %arg16[%swap3A_203], %broadcast_in_dim3A_186 {strides = array<i32>} : memref<528xi32, #tpu.memory_space<vmem>>, vector<16xi32>,
    %swap3A_205 = arith.constant 144 : index
    %swap3A_206 = tpu.vector_load %arg16[%swap3A_205] {strides = array<i32>} : memref<528xi32, #tpu.memory_space<vmem>>, vector<16xi32>,
    tpu.vector_store %arg16[%swap3A_205], %broadcast_in_dim3A_186 {strides = array<i32>} : memref<528xi32, #tpu.memory_space<vmem>>, vector<16xi32>,
    %swap3A_207 = arith.constant 160 : index
    %swap3A_208 = tpu.vector_load %arg16[%swap3A_207] {strides = array<i32>} : memref<528xi32, #tpu.memory_space<vmem>>, vector<16xi32>,
    tpu.vector_store %arg16[%swap3A_207], %broadcast_in_dim3A_186 {strides = array<i32>} : memref<528xi32, #tpu.memory_space<vmem>>, vector<16xi32>,
    %swap3A_209 = arith.constant 176 : index
    %swap3A_210 = tpu.vector_load %arg16[%swap3A_209] {strides = array<i32>} : memref<528xi32, #tpu.memory_space<vmem>>, vector<16xi32>,
    tpu.vector_store %arg16[%swap3A_209], %broadcast_in_dim3A_186 {strides = array<i32>} : memref<528xi32, #tpu.memory_space<vmem>>, vector<16xi32>,
    %swap3A_211 = arith.constant 192 : index
    %swap3A_212 = tpu.vector_load %arg16[%swap3A_211] {strides = array<i32>} : memref<528xi32, #tpu.memory_space<vmem>>, vector<16xi32>,
    tpu.vector_store %arg16[%swap3A_211], %broadcast_in_dim3A_186 {strides = array<i32>} : memref<528xi32, #tpu.memory_space<vmem>>, vector<16xi32>,
    %swap3A_213 = arith.constant 208 : index
    %swap3A_214 = tpu.vector_load %arg16[%swap3A_213] {strides = array<i32>} : memref<528xi32, #tpu.memory_space<vmem>>, vector<16xi32>,
    tpu.vector_store %arg16[%swap3A_213], %broadcast_in_dim3A_186 {strides = array<i32>} : memref<528xi32, #tpu.memory_space<vmem>>, vector<16xi32>,
    %swap3A_215 = arith.constant 224 : index
    %swap3A_216 = tpu.vector_load %arg16[%swap3A_215] {strides = array<i32>} : memref<528xi32, #tpu.memory_space<vmem>>, vector<16xi32>,
    tpu.vector_store %arg16[%swap3A_215], %broadcast_in_dim3A_186 {strides = array<i32>} : memref<528xi32, #tpu.memory_space<vmem>>, vector<16xi32>,
    %swap3A_217 = arith.constant 240 : index
    %swap3A_218 = tpu.vector_load %arg16[%swap3A_217] {strides = array<i32>} : memref<528xi32, #tpu.memory_space<vmem>>, vector<16xi32>,
    tpu.vector_store %arg16[%swap3A_217], %broadcast_in_dim3A_186 {strides = array<i32>} : memref<528xi32, #tpu.memory_space<vmem>>, vector<16xi32>,
    %swap3A_219 = arith.constant 256 : index
    %swap3A_220 = tpu.vector_load %arg16[%swap3A_219] {strides = array<i32>} : memref<528xi32, #tpu.memory_space<vmem>>, vector<16xi32>,
    tpu.vector_store %arg16[%swap3A_219], %broadcast_in_dim3A_186 {strides = array<i32>} : memref<528xi32, #tpu.memory_space<vmem>>, vector<16xi32>,
    %swap3A_221 = arith.constant 272 : index
    %swap3A_222 = tpu.vector_load %arg16[%swap3A_221] {strides = array<i32>} : memref<528xi32, #tpu.memory_space<vmem>>, vector<16xi32>,
    tpu.vector_store %arg16[%swap3A_221], %broadcast_in_dim3A_186 {strides = array<i32>} : memref<528xi32, #tpu.memory_space<vmem>>, vector<16xi32>,
    %swap3A_223 = arith.constant 288 : index
    %swap3A_224 = tpu.vector_load %arg16[%swap3A_223] {strides = array<i32>} : memref<528xi32, #tpu.memory_space<vmem>>, vector<16xi32>,
    tpu.vector_store %arg16[%swap3A_223], %broadcast_in_dim3A_186 {strides = array<i32>} : memref<528xi32, #tpu.memory_space<vmem>>, vector<16xi32>,
    %swap3A_225 = arith.constant 304 : index
    %swap3A_226 = tpu.vector_load %arg16[%swap3A_225] {strides = array<i32>} : memref<528xi32, #tpu.memory_space<vmem>>, vector<16xi32>,
    tpu.vector_store %arg16[%swap3A_225], %broadcast_in_dim3A_186 {strides = array<i32>} : memref<528xi32, #tpu.memory_space<vmem>>, vector<16xi32>,
    %swap3A_227 = arith.constant 320 : index
    %swap3A_228 = tpu.vector_load %arg16[%swap3A_227] {strides = array<i32>} : memref<528xi32, #tpu.memory_space<vmem>>, vector<16xi32>,
    tpu.vector_store %arg16[%swap3A_227], %broadcast_in_dim3A_186 {strides = array<i32>} : memref<528xi32, #tpu.memory_space<vmem>>, vector<16xi32>,
    %swap3A_229 = arith.constant 336 : index
    %swap3A_230 = tpu.vector_load %arg16[%swap3A_229] {strides = array<i32>} : memref<528xi32, #tpu.memory_space<vmem>>, vector<16xi32>,
    tpu.vector_store %arg16[%swap3A_229], %broadcast_in_dim3A_186 {strides = array<i32>} : memref<528xi32, #tpu.memory_space<vmem>>, vector<16xi32>,
    %swap3A_231 = arith.constant 352 : index
    %swap3A_232 = tpu.vector_load %arg16[%swap3A_231] {strides = array<i32>} : memref<528xi32, #tpu.memory_space<vmem>>, vector<16xi32>,
    tpu.vector_store %arg16[%swap3A_231], %broadcast_in_dim3A_186 {strides = array<i32>} : memref<528xi32, #tpu.memory_space<vmem>>, vector<16xi32>,
    %swap3A_233 = arith.constant 368 : index
    %swap3A_234 = tpu.vector_load %arg16[%swap3A_233] {strides = array<i32>} : memref<528xi32, #tpu.memory_space<vmem>>, vector<16xi32>,
    tpu.vector_store %arg16[%swap3A_233], %broadcast_in_dim3A_186 {strides = array<i32>} : memref<528xi32, #tpu.memory_space<vmem>>, vector<16xi32>,
    %swap3A_235 = arith.constant 384 : index
    %swap3A_236 = tpu.vector_load %arg16[%swap3A_235] {strides = array<i32>} : memref<528xi32, #tpu.memory_space<vmem>>, vector<16xi32>,
    tpu.vector_store %arg16[%swap3A_235], %broadcast_in_dim3A_186 {strides = array<i32>} : memref<528xi32, #tpu.memory_space<vmem>>, vector<16xi32>,
    %swap3A_237 = arith.constant 400 : index
    %swap3A_238 = tpu.vector_load %arg16[%swap3A_237] {strides = array<i32>} : memref<528xi32, #tpu.memory_space<vmem>>, vector<16xi32>,
    tpu.vector_store %arg16[%swap3A_237], %broadcast_in_dim3A_186 {strides = array<i32>} : memref<528xi32, #tpu.memory_space<vmem>>, vector<16xi32>,
    %swap3A_239 = arith.constant 416 : index
    %swap3A_240 = tpu.vector_load %arg16[%swap3A_239] {strides = array<i32>} : memref<528xi32, #tpu.memory_space<vmem>>, vector<16xi32>,
    tpu.vector_store %arg16[%swap3A_239], %broadcast_in_dim3A_186 {strides = array<i32>} : memref<528xi32, #tpu.memory_space<vmem>>, vector<16xi32>,
    %swap3A_241 = arith.constant 432 : index
    %swap3A_242 = tpu.vector_load %arg16[%swap3A_241] {strides = array<i32>} : memref<528xi32, #tpu.memory_space<vmem>>, vector<16xi32>,
    tpu.vector_store %arg16[%swap3A_241], %broadcast_in_dim3A_186 {strides = array<i32>} : memref<528xi32, #tpu.memory_space<vmem>>, vector<16xi32>,
    %swap3A_243 = arith.constant 448 : index
    %swap3A_244 = tpu.vector_load %arg16[%swap3A_243] {strides = array<i32>} : memref<528xi32, #tpu.memory_space<vmem>>, vector<16xi32>,
    tpu.vector_store %arg16[%swap3A_243], %broadcast_in_dim3A_186 {strides = array<i32>} : memref<528xi32, #tpu.memory_space<vmem>>, vector<16xi32>,
    %swap3A_245 = arith.constant 464 : index
    %swap3A_246 = tpu.vector_load %arg16[%swap3A_245] {strides = array<i32>} : memref<528xi32, #tpu.memory_space<vmem>>, vector<16xi32>,
    tpu.vector_store %arg16[%swap3A_245], %broadcast_in_dim3A_186 {strides = array<i32>} : memref<528xi32, #tpu.memory_space<vmem>>, vector<16xi32>,
    %swap3A_247 = arith.constant 480 : index
    %swap3A_248 = tpu.vector_load %arg16[%swap3A_247] {strides = array<i32>} : memref<528xi32, #tpu.memory_space<vmem>>, vector<16xi32>,
    tpu.vector_store %arg16[%swap3A_247], %broadcast_in_dim3A_186 {strides = array<i32>} : memref<528xi32, #tpu.memory_space<vmem>>, vector<16xi32>,
    %swap3A_249 = arith.constant 496 : index
    %swap3A_250 = tpu.vector_load %arg16[%swap3A_249] {strides = array<i32>} : memref<528xi32, #tpu.memory_space<vmem>>, vector<16xi32>,
    tpu.vector_store %arg16[%swap3A_249], %broadcast_in_dim3A_186 {strides = array<i32>} : memref<528xi32, #tpu.memory_space<vmem>>, vector<16xi32>,
    %swap3A_251 = arith.constant 512 : index
    %swap3A_252 = tpu.vector_load %arg16[%swap3A_251] {strides = array<i32>} : memref<528xi32, #tpu.memory_space<vmem>>, vector<16xi32>,
    tpu.vector_store %arg16[%swap3A_251], %broadcast_in_dim3A_186 {strides = array<i32>} : memref<528xi32, #tpu.memory_space<vmem>>, vector<16xi32>,
    %lt3A = arith.constant 128 : i32
    %lt3A_253 = arith.cmpi slt, %squeeze3A, %lt3A : i32
    %lt3A_254 = arith.constant 384 : i32
    %lt3A_255 = arith.cmpi slt, %squeeze3A_184, %lt3A_254 : i32
    %or3A = arith.ori %lt3A_253, %lt3A_255 : i1
    %convert_element_type3A = arith.extui %or3A : i1 to i32
    %cond3A = arith.constant 0 : i32
    %cond3A_256 = arith.cmpi ne, %convert_element_type3A, %cond3A : i32
    scf.if %cond3A_256 {
      %scan3A_743 = arith.constant 0 : i32
      %scan3A_744 = arith.constant 400 : i32
      %scan3A_745 = arith.addi %scan3A_743, %scan3A_744 : i32
      %scan3A_746 = arith.constant 1 : i32
      %scan3A_747:2 = scf.for %scan3A_749 = %scan3A_743 to %scan3A_745 step %scan3A_746 iter_args(%scan3A_750 = %squeeze3A, %scan3A_751 = %squeeze3A_184) -> (i32, i32)  : i32 {
        %mul3A_752 = arith.constant 16 : i32
        %mul3A_753 = arith.muli %scan3A_749, %mul3A_752 : i32
        %get3A_754 = arith.index_cast %mul3A_753 : i32 to index
        %get3A_755 = tpu.vector_load %arg12[%get3A_754] {strides = array<i32>} : memref<6400xf32, #tpu.memory_space<vmem>>, vector<16xf32>,
        %ge3A_756 = arith.constant 5.000000e-01 : f32
        %ge3A_757 = vector.broadcast %ge3A_756 : f32 to vector<16xf32>
        %ge3A_758 = arith.cmpf oge, %get3A_755, %ge3A_757 : vector<16xf32>
        %jit3A_759 = arith.constant 1 : i32
        %jit3A_760 = arith.constant 0 : i32
        %broadcast_in_dim3A_761 = vector.broadcast %jit3A_759 : i32 to vector<16xi32>
        %broadcast_in_dim3A_762 = vector.broadcast %jit3A_760 : i32 to vector<16xi32>
        %select_n3A_763 = arith.select %ge3A_758, %broadcast_in_dim3A_761, %broadcast_in_dim3A_762 : vector<16xi1>, vector<16xi32>
        %cumsum3A = arith.constant true
        %cumsum3A_764 = vector.broadcast %cumsum3A : i1 to vector<16xi1>
        %cumsum3A_765 = tpu.scan <sum>, %select_n3A_763 masked %cumsum3A_764 : vector<16xi32>, vector<16xi1> -> vector<16xi32>
        %sub3A_766 = arith.constant 1 : i32
        %sub3A_767 = vector.broadcast %sub3A_766 : i32 to vector<16xi32>
        %sub3A_768 = arith.subi %sub3A_767, %select_n3A_763 : vector<16xi32>
        %cumsum3A_769 = arith.constant true
        %cumsum3A_770 = vector.broadcast %cumsum3A_769 : i1 to vector<16xi1>
        %cumsum3A_771 = tpu.scan <sum>, %sub3A_768 masked %cumsum3A_770 : vector<16xi32>, vector<16xi1> -> vector<16xi32>
        %add3A_772 = vector.broadcast %scan3A_750 : i32 to vector<16xi32>
        %add3A_773 = arith.addi %add3A_772, %cumsum3A_765 : vector<16xi32>
        %sub3A_774 = arith.constant 1 : i32
        %sub3A_775 = vector.broadcast %sub3A_774 : i32 to vector<16xi32>
        %sub3A_776 = arith.subi %add3A_773, %sub3A_775 : vector<16xi32>
        %add3A_777 = vector.broadcast %scan3A_751 : i32 to vector<16xi32>
        %add3A_778 = arith.addi %add3A_777, %cumsum3A_771 : vector<16xi32>
        %sub3A_779 = arith.constant 1 : i32
        %sub3A_780 = vector.broadcast %sub3A_779 : i32 to vector<16xi32>
        %sub3A_781 = arith.subi %add3A_778, %sub3A_780 : vector<16xi32>
        %add3A_782 = arith.constant 128 : i32
        %add3A_783 = vector.broadcast %add3A_782 : i32 to vector<16xi32>
        %add3A_784 = arith.addi %sub3A_781, %add3A_783 : vector<16xi32>
        %lt3A_785 = arith.constant 128 : i32
        %lt3A_786 = vector.broadcast %lt3A_785 : i32 to vector<16xi32>
        %lt3A_787 = arith.cmpi slt, %sub3A_776, %lt3A_786 : vector<16xi32>
        %and3A = arith.andi %ge3A_758, %lt3A_787 : vector<16xi1>
        %not3A = arith.constant dense<true> : vector<16xi1>
        %not3A_788 = arith.xori %ge3A_758, %not3A : vector<16xi1>
        %lt3A_789 = arith.constant 512 : i32
        %lt3A_790 = vector.broadcast %lt3A_789 : i32 to vector<16xi32>
        %lt3A_791 = arith.cmpi slt, %add3A_784, %lt3A_790 : vector<16xi32>
        %and3A_792 = arith.andi %not3A_788, %lt3A_791 : vector<16xi1>
        %or3A_793 = arith.ori %and3A, %and3A_792 : vector<16xi1>
        %add3A_794 = arith.constant 512 : i32
        %add3A_795 = vector.broadcast %add3A_794 : i32 to vector<16xi32>
        %add3A_796 = arith.addi %add3A_795, %iota3A : vector<16xi32>
        %select_n3A_797 = arith.select %and3A_792, %add3A_784, %add3A_796 : vector<16xi1>, vector<16xi32>
        %select_n3A_798 = arith.select %and3A, %sub3A_776, %select_n3A_797 : vector<16xi1>, vector<16xi32>
        %mul3A_799 = arith.constant 6400 : i32
        %mul3A_800 = arith.muli %arg1, %mul3A_799 : i32
        %mul3A_801 = arith.constant 16 : i32
        %mul3A_802 = arith.muli %scan3A_749, %mul3A_801 : i32
        %add3A_803 = arith.addi %mul3A_800, %mul3A_802 : i32
        %add3A_804 = vector.broadcast %add3A_803 : i32 to vector<16xi32>
        %add3A_805 = arith.addi %add3A_804, %iota3A : vector<16xi32>
        tpu.vector_store_idx %arg16[%select_n3A_798], %add3A_805 masked %or3A_793 : memref<528xi32, #tpu.memory_space<vmem>>[vector<16xi32>], vector<16xi32>, vector<16xi1>
        %slice3A_806 = vector.extract_strided_slice %cumsum3A_765 {offsets = [15], sizes = [1], strides = [1]} : vector<16xi32> to vector<1xi32>
        %squeeze3A_807 = vector.extract %slice3A_806[0] : i32 from vector<1xi32>
        %add3A_808 = arith.addi %scan3A_750, %squeeze3A_807 : i32
        %add3A_809 = arith.constant 16 : i32
        %add3A_810 = arith.addi %scan3A_751, %add3A_809 : i32
        %sub3A_811 = arith.subi %add3A_810, %squeeze3A_807 : i32
        scf.yield %add3A_808, %sub3A_811 : i32, i32
      }
      %scan3A_748 = arith.constant 400 : i32
    } else {
    }
    %mul3A_257 = arith.constant 528 : i32
    %mul3A_258 = arith.muli %arg1, %mul3A_257 : i32
    "tpu.region"() ({
      %run_scoped3A = tpu.sem_alloc : memref<!tpu.dma_semaphore, #tpu.memory_space<semaphore_mem>>
      %dma_start3A_743 = tpu.memref_slice %arg19[%mul3A_258] : memref<8448xi32, #tpu.memory_space<vmem_shared>> -> memref<528xi32, #tpu.memory_space<vmem_shared>>
      %dma_start3A_744 = tpu.memref_slice %arg19[%mul3A_258] : memref<8448xi32, #tpu.memory_space<vmem_shared>> -> memref<528xi32, #tpu.memory_space<vmem_shared>>
      tpu.enqueue_dma source(%arg16 : memref<528xi32, #tpu.memory_space<vmem>>) target(%dma_start3A_744 : memref<528xi32, #tpu.memory_space<vmem_shared>>) target_semaphore(%run_scoped3A : memref<!tpu.dma_semaphore, #tpu.memory_space<semaphore_mem>>)
      %dma_wait3A_745 = tpu.memref_slice %arg19[%mul3A_258] : memref<8448xi32, #tpu.memory_space<vmem_shared>> -> memref<528xi32, #tpu.memory_space<vmem_shared>>
      %dma_wait3A_746 = tpu.memref_slice %arg19[%mul3A_258] : memref<8448xi32, #tpu.memory_space<vmem_shared>> -> memref<528xi32, #tpu.memory_space<vmem_shared>>
      tpu.wait_dma2 semaphore(%run_scoped3A : memref<!tpu.dma_semaphore, #tpu.memory_space<semaphore_mem>>) src(%arg16 : memref<528xi32, #tpu.memory_space<vmem>>) dst(%dma_wait3A_746 : memref<528xi32, #tpu.memory_space<vmem_shared>>)
      tpu.yield
    }) : () -> ()
    %barrier3A_259 = arith.constant 0 : index
    tpu.barrier barrier_id(%barrier3A_259)
    %mul3A_260 = arith.constant 32 : i32
    %mul3A_261 = arith.muli %arg1, %mul3A_260 : i32
    %add3A_262 = arith.constant 0 : i32
    %add3A_263 = arith.addi %add3A_262, %mul3A_261 : i32
    "tpu.region"() ({
      %run_scoped3A = tpu.sem_alloc : memref<!tpu.dma_semaphore, #tpu.memory_space<semaphore_mem>>
      %dma_start3A_743 = tpu.memref_slice %arg19[%add3A_263] : memref<8448xi32, #tpu.memory_space<vmem_shared>> -> memref<32xi32, #tpu.memory_space<vmem_shared>>
      %dma_start3A_744 = tpu.memref_slice %arg19[%add3A_263] : memref<8448xi32, #tpu.memory_space<vmem_shared>> -> memref<32xi32, #tpu.memory_space<vmem_shared>>
      tpu.enqueue_dma source(%dma_start3A_744 : memref<32xi32, #tpu.memory_space<vmem_shared>>) target(%arg17 : memref<32xi32, #tpu.memory_space<vmem>>) target_semaphore(%run_scoped3A : memref<!tpu.dma_semaphore, #tpu.memory_space<semaphore_mem>>)
      %dma_wait3A_745 = tpu.memref_slice %arg19[%add3A_263] : memref<8448xi32, #tpu.memory_space<vmem_shared>> -> memref<32xi32, #tpu.memory_space<vmem_shared>>
      %dma_wait3A_746 = tpu.memref_slice %arg19[%add3A_263] : memref<8448xi32, #tpu.memory_space<vmem_shared>> -> memref<32xi32, #tpu.memory_space<vmem_shared>>
      tpu.wait_dma2 semaphore(%run_scoped3A : memref<!tpu.dma_semaphore, #tpu.memory_space<semaphore_mem>>) src(%dma_wait3A_746 : memref<32xi32, #tpu.memory_space<vmem_shared>>) dst(%arg17 : memref<32xi32, #tpu.memory_space<vmem>>)
      tpu.yield
    }) : () -> ()
    %get3A_264 = arith.constant 0 : index
    %get3A_265 = tpu.vector_load %arg17[%get3A_264] {strides = array<i32>} : memref<32xi32, #tpu.memory_space<vmem>>, vector<16xi32>,
    %add3A_266 = arith.addi %broadcast_in_dim3A_186, %get3A_265 : vector<16xi32>
    %get3A_267 = arith.constant 16 : index
    %get3A_268 = tpu.vector_load %arg17[%get3A_267] {strides = array<i32>} : memref<32xi32, #tpu.memory_space<vmem>>, vector<16xi32>,
    %add3A_269 = arith.addi %broadcast_in_dim3A_186, %get3A_268 : vector<16xi32>
    %mul3A_270 = arith.constant 32 : i32
    %mul3A_271 = arith.muli %arg1, %mul3A_270 : i32
    %add3A_272 = arith.constant 528 : i32
    %add3A_273 = arith.addi %add3A_272, %mul3A_271 : i32
    "tpu.region"() ({
      %run_scoped3A = tpu.sem_alloc : memref<!tpu.dma_semaphore, #tpu.memory_space<semaphore_mem>>
      %dma_start3A_743 = tpu.memref_slice %arg19[%add3A_273] : memref<8448xi32, #tpu.memory_space<vmem_shared>> -> memref<32xi32, #tpu.memory_space<vmem_shared>>
      %dma_start3A_744 = tpu.memref_slice %arg19[%add3A_273] : memref<8448xi32, #tpu.memory_space<vmem_shared>> -> memref<32xi32, #tpu.memory_space<vmem_shared>>
      tpu.enqueue_dma source(%dma_start3A_744 : memref<32xi32, #tpu.memory_space<vmem_shared>>) target(%arg17 : memref<32xi32, #tpu.memory_space<vmem>>) target_semaphore(%run_scoped3A : memref<!tpu.dma_semaphore, #tpu.memory_space<semaphore_mem>>)
      %dma_wait3A_745 = tpu.memref_slice %arg19[%add3A_273] : memref<8448xi32, #tpu.memory_space<vmem_shared>> -> memref<32xi32, #tpu.memory_space<vmem_shared>>
      %dma_wait3A_746 = tpu.memref_slice %arg19[%add3A_273] : memref<8448xi32, #tpu.memory_space<vmem_shared>> -> memref<32xi32, #tpu.memory_space<vmem_shared>>
      tpu.wait_dma2 semaphore(%run_scoped3A : memref<!tpu.dma_semaphore, #tpu.memory_space<semaphore_mem>>) src(%dma_wait3A_746 : memref<32xi32, #tpu.memory_space<vmem_shared>>) dst(%arg17 : memref<32xi32, #tpu.memory_space<vmem>>)
      tpu.yield
    }) : () -> ()
    %get3A_274 = arith.constant 0 : index
    %get3A_275 = tpu.vector_load %arg17[%get3A_274] {strides = array<i32>} : memref<32xi32, #tpu.memory_space<vmem>>, vector<16xi32>,
    %add3A_276 = arith.addi %add3A_266, %get3A_275 : vector<16xi32>
    %get3A_277 = arith.constant 16 : index
    %get3A_278 = tpu.vector_load %arg17[%get3A_277] {strides = array<i32>} : memref<32xi32, #tpu.memory_space<vmem>>, vector<16xi32>,
    %add3A_279 = arith.addi %add3A_269, %get3A_278 : vector<16xi32>
    %mul3A_280 = arith.constant 32 : i32
    %mul3A_281 = arith.muli %arg1, %mul3A_280 : i32
    %add3A_282 = arith.constant 1056 : i32
    %add3A_283 = arith.addi %add3A_282, %mul3A_281 : i32
    "tpu.region"() ({
      %run_scoped3A = tpu.sem_alloc : memref<!tpu.dma_semaphore, #tpu.memory_space<semaphore_mem>>
      %dma_start3A_743 = tpu.memref_slice %arg19[%add3A_283] : memref<8448xi32, #tpu.memory_space<vmem_shared>> -> memref<32xi32, #tpu.memory_space<vmem_shared>>
      %dma_start3A_744 = tpu.memref_slice %arg19[%add3A_283] : memref<8448xi32, #tpu.memory_space<vmem_shared>> -> memref<32xi32, #tpu.memory_space<vmem_shared>>
      tpu.enqueue_dma source(%dma_start3A_744 : memref<32xi32, #tpu.memory_space<vmem_shared>>) target(%arg17 : memref<32xi32, #tpu.memory_space<vmem>>) target_semaphore(%run_scoped3A : memref<!tpu.dma_semaphore, #tpu.memory_space<semaphore_mem>>)
      %dma_wait3A_745 = tpu.memref_slice %arg19[%add3A_283] : memref<8448xi32, #tpu.memory_space<vmem_shared>> -> memref<32xi32, #tpu.memory_space<vmem_shared>>
      %dma_wait3A_746 = tpu.memref_slice %arg19[%add3A_283] : memref<8448xi32, #tpu.memory_space<vmem_shared>> -> memref<32xi32, #tpu.memory_space<vmem_shared>>
      tpu.wait_dma2 semaphore(%run_scoped3A : memref<!tpu.dma_semaphore, #tpu.memory_space<semaphore_mem>>) src(%dma_wait3A_746 : memref<32xi32, #tpu.memory_space<vmem_shared>>) dst(%arg17 : memref<32xi32, #tpu.memory_space<vmem>>)
      tpu.yield
    }) : () -> ()
    %get3A_284 = arith.constant 0 : index
    %get3A_285 = tpu.vector_load %arg17[%get3A_284] {strides = array<i32>} : memref<32xi32, #tpu.memory_space<vmem>>, vector<16xi32>,
    %add3A_286 = arith.addi %add3A_276, %get3A_285 : vector<16xi32>
    %get3A_287 = arith.constant 16 : index
    %get3A_288 = tpu.vector_load %arg17[%get3A_287] {strides = array<i32>} : memref<32xi32, #tpu.memory_space<vmem>>, vector<16xi32>,
    %add3A_289 = arith.addi %add3A_279, %get3A_288 : vector<16xi32>
    %mul3A_290 = arith.constant 32 : i32
    %mul3A_291 = arith.muli %arg1, %mul3A_290 : i32
    %add3A_292 = arith.constant 1584 : i32
    %add3A_293 = arith.addi %add3A_292, %mul3A_291 : i32
    "tpu.region"() ({
      %run_scoped3A = tpu.sem_alloc : memref<!tpu.dma_semaphore, #tpu.memory_space<semaphore_mem>>
      %dma_start3A_743 = tpu.memref_slice %arg19[%add3A_293] : memref<8448xi32, #tpu.memory_space<vmem_shared>> -> memref<32xi32, #tpu.memory_space<vmem_shared>>
      %dma_start3A_744 = tpu.memref_slice %arg19[%add3A_293] : memref<8448xi32, #tpu.memory_space<vmem_shared>> -> memref<32xi32, #tpu.memory_space<vmem_shared>>
      tpu.enqueue_dma source(%dma_start3A_744 : memref<32xi32, #tpu.memory_space<vmem_shared>>) target(%arg17 : memref<32xi32, #tpu.memory_space<vmem>>) target_semaphore(%run_scoped3A : memref<!tpu.dma_semaphore, #tpu.memory_space<semaphore_mem>>)
      %dma_wait3A_745 = tpu.memref_slice %arg19[%add3A_293] : memref<8448xi32, #tpu.memory_space<vmem_shared>> -> memref<32xi32, #tpu.memory_space<vmem_shared>>
      %dma_wait3A_746 = tpu.memref_slice %arg19[%add3A_293] : memref<8448xi32, #tpu.memory_space<vmem_shared>> -> memref<32xi32, #tpu.memory_space<vmem_shared>>
      tpu.wait_dma2 semaphore(%run_scoped3A : memref<!tpu.dma_semaphore, #tpu.memory_space<semaphore_mem>>) src(%dma_wait3A_746 : memref<32xi32, #tpu.memory_space<vmem_shared>>) dst(%arg17 : memref<32xi32, #tpu.memory_space<vmem>>)
      tpu.yield
    }) : () -> ()
    %get3A_294 = arith.constant 0 : index
    %get3A_295 = tpu.vector_load %arg17[%get3A_294] {strides = array<i32>} : memref<32xi32, #tpu.memory_space<vmem>>, vector<16xi32>,
    %add3A_296 = arith.addi %add3A_286, %get3A_295 : vector<16xi32>
    %get3A_297 = arith.constant 16 : index
    %get3A_298 = tpu.vector_load %arg17[%get3A_297] {strides = array<i32>} : memref<32xi32, #tpu.memory_space<vmem>>, vector<16xi32>,
    %add3A_299 = arith.addi %add3A_289, %get3A_298 : vector<16xi32>
    %mul3A_300 = arith.constant 32 : i32
    %mul3A_301 = arith.muli %arg1, %mul3A_300 : i32
    %add3A_302 = arith.constant 2112 : i32
    %add3A_303 = arith.addi %add3A_302, %mul3A_301 : i32
    "tpu.region"() ({
      %run_scoped3A = tpu.sem_alloc : memref<!tpu.dma_semaphore, #tpu.memory_space<semaphore_mem>>
      %dma_start3A_743 = tpu.memref_slice %arg19[%add3A_303] : memref<8448xi32, #tpu.memory_space<vmem_shared>> -> memref<32xi32, #tpu.memory_space<vmem_shared>>
      %dma_start3A_744 = tpu.memref_slice %arg19[%add3A_303] : memref<8448xi32, #tpu.memory_space<vmem_shared>> -> memref<32xi32, #tpu.memory_space<vmem_shared>>
      tpu.enqueue_dma source(%dma_start3A_744 : memref<32xi32, #tpu.memory_space<vmem_shared>>) target(%arg17 : memref<32xi32, #tpu.memory_space<vmem>>) target_semaphore(%run_scoped3A : memref<!tpu.dma_semaphore, #tpu.memory_space<semaphore_mem>>)
      %dma_wait3A_745 = tpu.memref_slice %arg19[%add3A_303] : memref<8448xi32, #tpu.memory_space<vmem_shared>> -> memref<32xi32, #tpu.memory_space<vmem_shared>>
      %dma_wait3A_746 = tpu.memref_slice %arg19[%add3A_303] : memref<8448xi32, #tpu.memory_space<vmem_shared>> -> memref<32xi32, #tpu.memory_space<vmem_shared>>
      tpu.wait_dma2 semaphore(%run_scoped3A : memref<!tpu.dma_semaphore, #tpu.memory_space<semaphore_mem>>) src(%dma_wait3A_746 : memref<32xi32, #tpu.memory_space<vmem_shared>>) dst(%arg17 : memref<32xi32, #tpu.memory_space<vmem>>)
      tpu.yield
    }) : () -> ()
    %get3A_304 = arith.constant 0 : index
    %get3A_305 = tpu.vector_load %arg17[%get3A_304] {strides = array<i32>} : memref<32xi32, #tpu.memory_space<vmem>>, vector<16xi32>,
    %add3A_306 = arith.addi %add3A_296, %get3A_305 : vector<16xi32>
    %get3A_307 = arith.constant 16 : index
    %get3A_308 = tpu.vector_load %arg17[%get3A_307] {strides = array<i32>} : memref<32xi32, #tpu.memory_space<vmem>>, vector<16xi32>,
    %add3A_309 = arith.addi %add3A_299, %get3A_308 : vector<16xi32>
    %mul3A_310 = arith.constant 32 : i32
    %mul3A_311 = arith.muli %arg1, %mul3A_310 : i32
    %add3A_312 = arith.constant 2640 : i32
    %add3A_313 = arith.addi %add3A_312, %mul3A_311 : i32
    "tpu.region"() ({
      %run_scoped3A = tpu.sem_alloc : memref<!tpu.dma_semaphore, #tpu.memory_space<semaphore_mem>>
      %dma_start3A_743 = tpu.memref_slice %arg19[%add3A_313] : memref<8448xi32, #tpu.memory_space<vmem_shared>> -> memref<32xi32, #tpu.memory_space<vmem_shared>>
      %dma_start3A_744 = tpu.memref_slice %arg19[%add3A_313] : memref<8448xi32, #tpu.memory_space<vmem_shared>> -> memref<32xi32, #tpu.memory_space<vmem_shared>>
      tpu.enqueue_dma source(%dma_start3A_744 : memref<32xi32, #tpu.memory_space<vmem_shared>>) target(%arg17 : memref<32xi32, #tpu.memory_space<vmem>>) target_semaphore(%run_scoped3A : memref<!tpu.dma_semaphore, #tpu.memory_space<semaphore_mem>>)
      %dma_wait3A_745 = tpu.memref_slice %arg19[%add3A_313] : memref<8448xi32, #tpu.memory_space<vmem_shared>> -> memref<32xi32, #tpu.memory_space<vmem_shared>>
      %dma_wait3A_746 = tpu.memref_slice %arg19[%add3A_313] : memref<8448xi32, #tpu.memory_space<vmem_shared>> -> memref<32xi32, #tpu.memory_space<vmem_shared>>
      tpu.wait_dma2 semaphore(%run_scoped3A : memref<!tpu.dma_semaphore, #tpu.memory_space<semaphore_mem>>) src(%dma_wait3A_746 : memref<32xi32, #tpu.memory_space<vmem_shared>>) dst(%arg17 : memref<32xi32, #tpu.memory_space<vmem>>)
      tpu.yield
    }) : () -> ()
    %get3A_314 = arith.constant 0 : index
    %get3A_315 = tpu.vector_load %arg17[%get3A_314] {strides = array<i32>} : memref<32xi32, #tpu.memory_space<vmem>>, vector<16xi32>,
    %add3A_316 = arith.addi %add3A_306, %get3A_315 : vector<16xi32>
    %get3A_317 = arith.constant 16 : index
    %get3A_318 = tpu.vector_load %arg17[%get3A_317] {strides = array<i32>} : memref<32xi32, #tpu.memory_space<vmem>>, vector<16xi32>,
    %add3A_319 = arith.addi %add3A_309, %get3A_318 : vector<16xi32>
    %mul3A_320 = arith.constant 32 : i32
    %mul3A_321 = arith.muli %arg1, %mul3A_320 : i32
    %add3A_322 = arith.constant 3168 : i32
    %add3A_323 = arith.addi %add3A_322, %mul3A_321 : i32
    "tpu.region"() ({
      %run_scoped3A = tpu.sem_alloc : memref<!tpu.dma_semaphore, #tpu.memory_space<semaphore_mem>>
      %dma_start3A_743 = tpu.memref_slice %arg19[%add3A_323] : memref<8448xi32, #tpu.memory_space<vmem_shared>> -> memref<32xi32, #tpu.memory_space<vmem_shared>>
      %dma_start3A_744 = tpu.memref_slice %arg19[%add3A_323] : memref<8448xi32, #tpu.memory_space<vmem_shared>> -> memref<32xi32, #tpu.memory_space<vmem_shared>>
      tpu.enqueue_dma source(%dma_start3A_744 : memref<32xi32, #tpu.memory_space<vmem_shared>>) target(%arg17 : memref<32xi32, #tpu.memory_space<vmem>>) target_semaphore(%run_scoped3A : memref<!tpu.dma_semaphore, #tpu.memory_space<semaphore_mem>>)
      %dma_wait3A_745 = tpu.memref_slice %arg19[%add3A_323] : memref<8448xi32, #tpu.memory_space<vmem_shared>> -> memref<32xi32, #tpu.memory_space<vmem_shared>>
      %dma_wait3A_746 = tpu.memref_slice %arg19[%add3A_323] : memref<8448xi32, #tpu.memory_space<vmem_shared>> -> memref<32xi32, #tpu.memory_space<vmem_shared>>
      tpu.wait_dma2 semaphore(%run_scoped3A : memref<!tpu.dma_semaphore, #tpu.memory_space<semaphore_mem>>) src(%dma_wait3A_746 : memref<32xi32, #tpu.memory_space<vmem_shared>>) dst(%arg17 : memref<32xi32, #tpu.memory_space<vmem>>)
      tpu.yield
    }) : () -> ()
    %get3A_324 = arith.constant 0 : index
    %get3A_325 = tpu.vector_load %arg17[%get3A_324] {strides = array<i32>} : memref<32xi32, #tpu.memory_space<vmem>>, vector<16xi32>,
    %add3A_326 = arith.addi %add3A_316, %get3A_325 : vector<16xi32>
    %get3A_327 = arith.constant 16 : index
    %get3A_328 = tpu.vector_load %arg17[%get3A_327] {strides = array<i32>} : memref<32xi32, #tpu.memory_space<vmem>>, vector<16xi32>,
    %add3A_329 = arith.addi %add3A_319, %get3A_328 : vector<16xi32>
    %mul3A_330 = arith.constant 32 : i32
    %mul3A_331 = arith.muli %arg1, %mul3A_330 : i32
    %add3A_332 = arith.constant 3696 : i32
    %add3A_333 = arith.addi %add3A_332, %mul3A_331 : i32
    "tpu.region"() ({
      %run_scoped3A = tpu.sem_alloc : memref<!tpu.dma_semaphore, #tpu.memory_space<semaphore_mem>>
      %dma_start3A_743 = tpu.memref_slice %arg19[%add3A_333] : memref<8448xi32, #tpu.memory_space<vmem_shared>> -> memref<32xi32, #tpu.memory_space<vmem_shared>>
      %dma_start3A_744 = tpu.memref_slice %arg19[%add3A_333] : memref<8448xi32, #tpu.memory_space<vmem_shared>> -> memref<32xi32, #tpu.memory_space<vmem_shared>>
      tpu.enqueue_dma source(%dma_start3A_744 : memref<32xi32, #tpu.memory_space<vmem_shared>>) target(%arg17 : memref<32xi32, #tpu.memory_space<vmem>>) target_semaphore(%run_scoped3A : memref<!tpu.dma_semaphore, #tpu.memory_space<semaphore_mem>>)
      %dma_wait3A_745 = tpu.memref_slice %arg19[%add3A_333] : memref<8448xi32, #tpu.memory_space<vmem_shared>> -> memref<32xi32, #tpu.memory_space<vmem_shared>>
      %dma_wait3A_746 = tpu.memref_slice %arg19[%add3A_333] : memref<8448xi32, #tpu.memory_space<vmem_shared>> -> memref<32xi32, #tpu.memory_space<vmem_shared>>
      tpu.wait_dma2 semaphore(%run_scoped3A : memref<!tpu.dma_semaphore, #tpu.memory_space<semaphore_mem>>) src(%dma_wait3A_746 : memref<32xi32, #tpu.memory_space<vmem_shared>>) dst(%arg17 : memref<32xi32, #tpu.memory_space<vmem>>)
      tpu.yield
    }) : () -> ()
    %get3A_334 = arith.constant 0 : index
    %get3A_335 = tpu.vector_load %arg17[%get3A_334] {strides = array<i32>} : memref<32xi32, #tpu.memory_space<vmem>>, vector<16xi32>,
    %add3A_336 = arith.addi %add3A_326, %get3A_335 : vector<16xi32>
    %get3A_337 = arith.constant 16 : index
    %get3A_338 = tpu.vector_load %arg17[%get3A_337] {strides = array<i32>} : memref<32xi32, #tpu.memory_space<vmem>>, vector<16xi32>,
    %add3A_339 = arith.addi %add3A_329, %get3A_338 : vector<16xi32>
    %mul3A_340 = arith.constant 32 : i32
    %mul3A_341 = arith.muli %arg1, %mul3A_340 : i32
    %add3A_342 = arith.constant 4224 : i32
    %add3A_343 = arith.addi %add3A_342, %mul3A_341 : i32
    "tpu.region"() ({
      %run_scoped3A = tpu.sem_alloc : memref<!tpu.dma_semaphore, #tpu.memory_space<semaphore_mem>>
      %dma_start3A_743 = tpu.memref_slice %arg19[%add3A_343] : memref<8448xi32, #tpu.memory_space<vmem_shared>> -> memref<32xi32, #tpu.memory_space<vmem_shared>>
      %dma_start3A_744 = tpu.memref_slice %arg19[%add3A_343] : memref<8448xi32, #tpu.memory_space<vmem_shared>> -> memref<32xi32, #tpu.memory_space<vmem_shared>>
      tpu.enqueue_dma source(%dma_start3A_744 : memref<32xi32, #tpu.memory_space<vmem_shared>>) target(%arg17 : memref<32xi32, #tpu.memory_space<vmem>>) target_semaphore(%run_scoped3A : memref<!tpu.dma_semaphore, #tpu.memory_space<semaphore_mem>>)
      %dma_wait3A_745 = tpu.memref_slice %arg19[%add3A_343] : memref<8448xi32, #tpu.memory_space<vmem_shared>> -> memref<32xi32, #tpu.memory_space<vmem_shared>>
      %dma_wait3A_746 = tpu.memref_slice %arg19[%add3A_343] : memref<8448xi32, #tpu.memory_space<vmem_shared>> -> memref<32xi32, #tpu.memory_space<vmem_shared>>
      tpu.wait_dma2 semaphore(%run_scoped3A : memref<!tpu.dma_semaphore, #tpu.memory_space<semaphore_mem>>) src(%dma_wait3A_746 : memref<32xi32, #tpu.memory_space<vmem_shared>>) dst(%arg17 : memref<32xi32, #tpu.memory_space<vmem>>)
      tpu.yield
    }) : () -> ()
    %get3A_344 = arith.constant 0 : index
    %get3A_345 = tpu.vector_load %arg17[%get3A_344] {strides = array<i32>} : memref<32xi32, #tpu.memory_space<vmem>>, vector<16xi32>,
    %add3A_346 = arith.addi %add3A_336, %get3A_345 : vector<16xi32>
    %get3A_347 = arith.constant 16 : index
    %get3A_348 = tpu.vector_load %arg17[%get3A_347] {strides = array<i32>} : memref<32xi32, #tpu.memory_space<vmem>>, vector<16xi32>,
    %add3A_349 = arith.addi %add3A_339, %get3A_348 : vector<16xi32>
    %mul3A_350 = arith.constant 32 : i32
    %mul3A_351 = arith.muli %arg1, %mul3A_350 : i32
    %add3A_352 = arith.constant 4752 : i32
    %add3A_353 = arith.addi %add3A_352, %mul3A_351 : i32
    "tpu.region"() ({
      %run_scoped3A = tpu.sem_alloc : memref<!tpu.dma_semaphore, #tpu.memory_space<semaphore_mem>>
      %dma_start3A_743 = tpu.memref_slice %arg19[%add3A_353] : memref<8448xi32, #tpu.memory_space<vmem_shared>> -> memref<32xi32, #tpu.memory_space<vmem_shared>>
      %dma_start3A_744 = tpu.memref_slice %arg19[%add3A_353] : memref<8448xi32, #tpu.memory_space<vmem_shared>> -> memref<32xi32, #tpu.memory_space<vmem_shared>>
      tpu.enqueue_dma source(%dma_start3A_744 : memref<32xi32, #tpu.memory_space<vmem_shared>>) target(%arg17 : memref<32xi32, #tpu.memory_space<vmem>>) target_semaphore(%run_scoped3A : memref<!tpu.dma_semaphore, #tpu.memory_space<semaphore_mem>>)
      %dma_wait3A_745 = tpu.memref_slice %arg19[%add3A_353] : memref<8448xi32, #tpu.memory_space<vmem_shared>> -> memref<32xi32, #tpu.memory_space<vmem_shared>>
      %dma_wait3A_746 = tpu.memref_slice %arg19[%add3A_353] : memref<8448xi32, #tpu.memory_space<vmem_shared>> -> memref<32xi32, #tpu.memory_space<vmem_shared>>
      tpu.wait_dma2 semaphore(%run_scoped3A : memref<!tpu.dma_semaphore, #tpu.memory_space<semaphore_mem>>) src(%dma_wait3A_746 : memref<32xi32, #tpu.memory_space<vmem_shared>>) dst(%arg17 : memref<32xi32, #tpu.memory_space<vmem>>)
      tpu.yield
    }) : () -> ()
    %get3A_354 = arith.constant 0 : index
    %get3A_355 = tpu.vector_load %arg17[%get3A_354] {strides = array<i32>} : memref<32xi32, #tpu.memory_space<vmem>>, vector<16xi32>,
    %add3A_356 = arith.addi %add3A_346, %get3A_355 : vector<16xi32>
    %get3A_357 = arith.constant 16 : index
    %get3A_358 = tpu.vector_load %arg17[%get3A_357] {strides = array<i32>} : memref<32xi32, #tpu.memory_space<vmem>>, vector<16xi32>,
    %add3A_359 = arith.addi %add3A_349, %get3A_358 : vector<16xi32>
    %mul3A_360 = arith.constant 32 : i32
    %mul3A_361 = arith.muli %arg1, %mul3A_360 : i32
    %add3A_362 = arith.constant 5280 : i32
    %add3A_363 = arith.addi %add3A_362, %mul3A_361 : i32
    "tpu.region"() ({
      %run_scoped3A = tpu.sem_alloc : memref<!tpu.dma_semaphore, #tpu.memory_space<semaphore_mem>>
      %dma_start3A_743 = tpu.memref_slice %arg19[%add3A_363] : memref<8448xi32, #tpu.memory_space<vmem_shared>> -> memref<32xi32, #tpu.memory_space<vmem_shared>>
      %dma_start3A_744 = tpu.memref_slice %arg19[%add3A_363] : memref<8448xi32, #tpu.memory_space<vmem_shared>> -> memref<32xi32, #tpu.memory_space<vmem_shared>>
      tpu.enqueue_dma source(%dma_start3A_744 : memref<32xi32, #tpu.memory_space<vmem_shared>>) target(%arg17 : memref<32xi32, #tpu.memory_space<vmem>>) target_semaphore(%run_scoped3A : memref<!tpu.dma_semaphore, #tpu.memory_space<semaphore_mem>>)
      %dma_wait3A_745 = tpu.memref_slice %arg19[%add3A_363] : memref<8448xi32, #tpu.memory_space<vmem_shared>> -> memref<32xi32, #tpu.memory_space<vmem_shared>>
      %dma_wait3A_746 = tpu.memref_slice %arg19[%add3A_363] : memref<8448xi32, #tpu.memory_space<vmem_shared>> -> memref<32xi32, #tpu.memory_space<vmem_shared>>
      tpu.wait_dma2 semaphore(%run_scoped3A : memref<!tpu.dma_semaphore, #tpu.memory_space<semaphore_mem>>) src(%dma_wait3A_746 : memref<32xi32, #tpu.memory_space<vmem_shared>>) dst(%arg17 : memref<32xi32, #tpu.memory_space<vmem>>)
      tpu.yield
    }) : () -> ()
    %get3A_364 = arith.constant 0 : index
    %get3A_365 = tpu.vector_load %arg17[%get3A_364] {strides = array<i32>} : memref<32xi32, #tpu.memory_space<vmem>>, vector<16xi32>,
    %add3A_366 = arith.addi %add3A_356, %get3A_365 : vector<16xi32>
    %get3A_367 = arith.constant 16 : index
    %get3A_368 = tpu.vector_load %arg17[%get3A_367] {strides = array<i32>} : memref<32xi32, #tpu.memory_space<vmem>>, vector<16xi32>,
    %add3A_369 = arith.addi %add3A_359, %get3A_368 : vector<16xi32>
    %mul3A_370 = arith.constant 32 : i32
    %mul3A_371 = arith.muli %arg1, %mul3A_370 : i32
    %add3A_372 = arith.constant 5808 : i32
    %add3A_373 = arith.addi %add3A_372, %mul3A_371 : i32
    "tpu.region"() ({
      %run_scoped3A = tpu.sem_alloc : memref<!tpu.dma_semaphore, #tpu.memory_space<semaphore_mem>>
      %dma_start3A_743 = tpu.memref_slice %arg19[%add3A_373] : memref<8448xi32, #tpu.memory_space<vmem_shared>> -> memref<32xi32, #tpu.memory_space<vmem_shared>>
      %dma_start3A_744 = tpu.memref_slice %arg19[%add3A_373] : memref<8448xi32, #tpu.memory_space<vmem_shared>> -> memref<32xi32, #tpu.memory_space<vmem_shared>>
      tpu.enqueue_dma source(%dma_start3A_744 : memref<32xi32, #tpu.memory_space<vmem_shared>>) target(%arg17 : memref<32xi32, #tpu.memory_space<vmem>>) target_semaphore(%run_scoped3A : memref<!tpu.dma_semaphore, #tpu.memory_space<semaphore_mem>>)
      %dma_wait3A_745 = tpu.memref_slice %arg19[%add3A_373] : memref<8448xi32, #tpu.memory_space<vmem_shared>> -> memref<32xi32, #tpu.memory_space<vmem_shared>>
      %dma_wait3A_746 = tpu.memref_slice %arg19[%add3A_373] : memref<8448xi32, #tpu.memory_space<vmem_shared>> -> memref<32xi32, #tpu.memory_space<vmem_shared>>
      tpu.wait_dma2 semaphore(%run_scoped3A : memref<!tpu.dma_semaphore, #tpu.memory_space<semaphore_mem>>) src(%dma_wait3A_746 : memref<32xi32, #tpu.memory_space<vmem_shared>>) dst(%arg17 : memref<32xi32, #tpu.memory_space<vmem>>)
      tpu.yield
    }) : () -> ()
    %get3A_374 = arith.constant 0 : index
    %get3A_375 = tpu.vector_load %arg17[%get3A_374] {strides = array<i32>} : memref<32xi32, #tpu.memory_space<vmem>>, vector<16xi32>,
    %add3A_376 = arith.addi %add3A_366, %get3A_375 : vector<16xi32>
    %get3A_377 = arith.constant 16 : index
    %get3A_378 = tpu.vector_load %arg17[%get3A_377] {strides = array<i32>} : memref<32xi32, #tpu.memory_space<vmem>>, vector<16xi32>,
    %add3A_379 = arith.addi %add3A_369, %get3A_378 : vector<16xi32>
    %mul3A_380 = arith.constant 32 : i32
    %mul3A_381 = arith.muli %arg1, %mul3A_380 : i32
    %add3A_382 = arith.constant 6336 : i32
    %add3A_383 = arith.addi %add3A_382, %mul3A_381 : i32
    "tpu.region"() ({
      %run_scoped3A = tpu.sem_alloc : memref<!tpu.dma_semaphore, #tpu.memory_space<semaphore_mem>>
      %dma_start3A_743 = tpu.memref_slice %arg19[%add3A_383] : memref<8448xi32, #tpu.memory_space<vmem_shared>> -> memref<32xi32, #tpu.memory_space<vmem_shared>>
      %dma_start3A_744 = tpu.memref_slice %arg19[%add3A_383] : memref<8448xi32, #tpu.memory_space<vmem_shared>> -> memref<32xi32, #tpu.memory_space<vmem_shared>>
      tpu.enqueue_dma source(%dma_start3A_744 : memref<32xi32, #tpu.memory_space<vmem_shared>>) target(%arg17 : memref<32xi32, #tpu.memory_space<vmem>>) target_semaphore(%run_scoped3A : memref<!tpu.dma_semaphore, #tpu.memory_space<semaphore_mem>>)
      %dma_wait3A_745 = tpu.memref_slice %arg19[%add3A_383] : memref<8448xi32, #tpu.memory_space<vmem_shared>> -> memref<32xi32, #tpu.memory_space<vmem_shared>>
      %dma_wait3A_746 = tpu.memref_slice %arg19[%add3A_383] : memref<8448xi32, #tpu.memory_space<vmem_shared>> -> memref<32xi32, #tpu.memory_space<vmem_shared>>
      tpu.wait_dma2 semaphore(%run_scoped3A : memref<!tpu.dma_semaphore, #tpu.memory_space<semaphore_mem>>) src(%dma_wait3A_746 : memref<32xi32, #tpu.memory_space<vmem_shared>>) dst(%arg17 : memref<32xi32, #tpu.memory_space<vmem>>)
      tpu.yield
    }) : () -> ()
    %get3A_384 = arith.constant 0 : index
    %get3A_385 = tpu.vector_load %arg17[%get3A_384] {strides = array<i32>} : memref<32xi32, #tpu.memory_space<vmem>>, vector<16xi32>,
    %add3A_386 = arith.addi %add3A_376, %get3A_385 : vector<16xi32>
    %get3A_387 = arith.constant 16 : index
    %get3A_388 = tpu.vector_load %arg17[%get3A_387] {strides = array<i32>} : memref<32xi32, #tpu.memory_space<vmem>>, vector<16xi32>,
    %add3A_389 = arith.addi %add3A_379, %get3A_388 : vector<16xi32>
    %mul3A_390 = arith.constant 32 : i32
    %mul3A_391 = arith.muli %arg1, %mul3A_390 : i32
    %add3A_392 = arith.constant 6864 : i32
    %add3A_393 = arith.addi %add3A_392, %mul3A_391 : i32
    "tpu.region"() ({
      %run_scoped3A = tpu.sem_alloc : memref<!tpu.dma_semaphore, #tpu.memory_space<semaphore_mem>>
      %dma_start3A_743 = tpu.memref_slice %arg19[%add3A_393] : memref<8448xi32, #tpu.memory_space<vmem_shared>> -> memref<32xi32, #tpu.memory_space<vmem_shared>>
      %dma_start3A_744 = tpu.memref_slice %arg19[%add3A_393] : memref<8448xi32, #tpu.memory_space<vmem_shared>> -> memref<32xi32, #tpu.memory_space<vmem_shared>>
      tpu.enqueue_dma source(%dma_start3A_744 : memref<32xi32, #tpu.memory_space<vmem_shared>>) target(%arg17 : memref<32xi32, #tpu.memory_space<vmem>>) target_semaphore(%run_scoped3A : memref<!tpu.dma_semaphore, #tpu.memory_space<semaphore_mem>>)
      %dma_wait3A_745 = tpu.memref_slice %arg19[%add3A_393] : memref<8448xi32, #tpu.memory_space<vmem_shared>> -> memref<32xi32, #tpu.memory_space<vmem_shared>>
      %dma_wait3A_746 = tpu.memref_slice %arg19[%add3A_393] : memref<8448xi32, #tpu.memory_space<vmem_shared>> -> memref<32xi32, #tpu.memory_space<vmem_shared>>
      tpu.wait_dma2 semaphore(%run_scoped3A : memref<!tpu.dma_semaphore, #tpu.memory_space<semaphore_mem>>) src(%dma_wait3A_746 : memref<32xi32, #tpu.memory_space<vmem_shared>>) dst(%arg17 : memref<32xi32, #tpu.memory_space<vmem>>)
      tpu.yield
    }) : () -> ()
    %get3A_394 = arith.constant 0 : index
    %get3A_395 = tpu.vector_load %arg17[%get3A_394] {strides = array<i32>} : memref<32xi32, #tpu.memory_space<vmem>>, vector<16xi32>,
    %add3A_396 = arith.addi %add3A_386, %get3A_395 : vector<16xi32>
    %get3A_397 = arith.constant 16 : index
    %get3A_398 = tpu.vector_load %arg17[%get3A_397] {strides = array<i32>} : memref<32xi32, #tpu.memory_space<vmem>>, vector<16xi32>,
    %add3A_399 = arith.addi %add3A_389, %get3A_398 : vector<16xi32>
    %mul3A_400 = arith.constant 32 : i32
    %mul3A_401 = arith.muli %arg1, %mul3A_400 : i32
    %add3A_402 = arith.constant 7392 : i32
    %add3A_403 = arith.addi %add3A_402, %mul3A_401 : i32
    "tpu.region"() ({
      %run_scoped3A = tpu.sem_alloc : memref<!tpu.dma_semaphore, #tpu.memory_space<semaphore_mem>>
      %dma_start3A_743 = tpu.memref_slice %arg19[%add3A_403] : memref<8448xi32, #tpu.memory_space<vmem_shared>> -> memref<32xi32, #tpu.memory_space<vmem_shared>>
      %dma_start3A_744 = tpu.memref_slice %arg19[%add3A_403] : memref<8448xi32, #tpu.memory_space<vmem_shared>> -> memref<32xi32, #tpu.memory_space<vmem_shared>>
      tpu.enqueue_dma source(%dma_start3A_744 : memref<32xi32, #tpu.memory_space<vmem_shared>>) target(%arg17 : memref<32xi32, #tpu.memory_space<vmem>>) target_semaphore(%run_scoped3A : memref<!tpu.dma_semaphore, #tpu.memory_space<semaphore_mem>>)
      %dma_wait3A_745 = tpu.memref_slice %arg19[%add3A_403] : memref<8448xi32, #tpu.memory_space<vmem_shared>> -> memref<32xi32, #tpu.memory_space<vmem_shared>>
      %dma_wait3A_746 = tpu.memref_slice %arg19[%add3A_403] : memref<8448xi32, #tpu.memory_space<vmem_shared>> -> memref<32xi32, #tpu.memory_space<vmem_shared>>
      tpu.wait_dma2 semaphore(%run_scoped3A : memref<!tpu.dma_semaphore, #tpu.memory_space<semaphore_mem>>) src(%dma_wait3A_746 : memref<32xi32, #tpu.memory_space<vmem_shared>>) dst(%arg17 : memref<32xi32, #tpu.memory_space<vmem>>)
      tpu.yield
    }) : () -> ()
    %get3A_404 = arith.constant 0 : index
    %get3A_405 = tpu.vector_load %arg17[%get3A_404] {strides = array<i32>} : memref<32xi32, #tpu.memory_space<vmem>>, vector<16xi32>,
    %add3A_406 = arith.addi %add3A_396, %get3A_405 : vector<16xi32>
    %get3A_407 = arith.constant 16 : index
    %get3A_408 = tpu.vector_load %arg17[%get3A_407] {strides = array<i32>} : memref<32xi32, #tpu.memory_space<vmem>>, vector<16xi32>,
    %add3A_409 = arith.addi %add3A_399, %get3A_408 : vector<16xi32>
    %mul3A_410 = arith.constant 32 : i32
    %mul3A_411 = arith.muli %arg1, %mul3A_410 : i32
    %add3A_412 = arith.constant 7920 : i32
    %add3A_413 = arith.addi %add3A_412, %mul3A_411 : i32
    "tpu.region"() ({
      %run_scoped3A = tpu.sem_alloc : memref<!tpu.dma_semaphore, #tpu.memory_space<semaphore_mem>>
      %dma_start3A_743 = tpu.memref_slice %arg19[%add3A_413] : memref<8448xi32, #tpu.memory_space<vmem_shared>> -> memref<32xi32, #tpu.memory_space<vmem_shared>>
      %dma_start3A_744 = tpu.memref_slice %arg19[%add3A_413] : memref<8448xi32, #tpu.memory_space<vmem_shared>> -> memref<32xi32, #tpu.memory_space<vmem_shared>>
      tpu.enqueue_dma source(%dma_start3A_744 : memref<32xi32, #tpu.memory_space<vmem_shared>>) target(%arg17 : memref<32xi32, #tpu.memory_space<vmem>>) target_semaphore(%run_scoped3A : memref<!tpu.dma_semaphore, #tpu.memory_space<semaphore_mem>>)
      %dma_wait3A_745 = tpu.memref_slice %arg19[%add3A_413] : memref<8448xi32, #tpu.memory_space<vmem_shared>> -> memref<32xi32, #tpu.memory_space<vmem_shared>>
      %dma_wait3A_746 = tpu.memref_slice %arg19[%add3A_413] : memref<8448xi32, #tpu.memory_space<vmem_shared>> -> memref<32xi32, #tpu.memory_space<vmem_shared>>
      tpu.wait_dma2 semaphore(%run_scoped3A : memref<!tpu.dma_semaphore, #tpu.memory_space<semaphore_mem>>) src(%dma_wait3A_746 : memref<32xi32, #tpu.memory_space<vmem_shared>>) dst(%arg17 : memref<32xi32, #tpu.memory_space<vmem>>)
      tpu.yield
    }) : () -> ()
    %get3A_414 = arith.constant 0 : index
    %get3A_415 = tpu.vector_load %arg17[%get3A_414] {strides = array<i32>} : memref<32xi32, #tpu.memory_space<vmem>>, vector<16xi32>,
    %add3A_416 = arith.addi %add3A_406, %get3A_415 : vector<16xi32>
    %get3A_417 = arith.constant 16 : index
    %get3A_418 = tpu.vector_load %arg17[%get3A_417] {strides = array<i32>} : memref<32xi32, #tpu.memory_space<vmem>>, vector<16xi32>,
    %add3A_419 = arith.addi %add3A_409, %get3A_418 : vector<16xi32>
    %mul3A_420 = arith.constant 32 : i32
    %mul3A_421 = arith.muli %arg1, %mul3A_420 : i32
    %add3A_422 = arith.constant 0 : i32
    %add3A_423 = arith.addi %mul3A_421, %add3A_422 : i32
    %jit3A_424 = arith.constant 0 : i32
    %jit3A_425 = arith.constant 102399 : i32
    %max3A = vector.broadcast %jit3A_424 : i32 to vector<16xi32>
    %max3A_426 = arith.maxsi %max3A, %add3A_416 : vector<16xi32>
    %min3A = vector.broadcast %jit3A_425 : i32 to vector<16xi32>
    %min3A_427 = arith.minsi %min3A, %max3A_426 : vector<16xi32>
    %dma_start3A = arith.constant 0 : i32
    %dma_start3A_428 = tpu.memref_slice %arg4[%dma_start3A] : memref<102400xi32, #tpu.memory_space<hbm>> -> memref<102400xi32, #tpu.memory_space<hbm>>
    tpu.enqueue_indirect_dma source(%dma_start3A_428 : memref<102400xi32, #tpu.memory_space<hbm>>) target(%arg13 : memref<16xi32, #tpu.memory_space<vmem>>) offsets(%min3A_427 : vector<16xi32>) semaphore(%arg20 : memref<!tpu.dma_semaphore, #tpu.memory_space<semaphore_mem>>)
    %dma_wait3A = arith.constant 0 : i32
    %dma_wait3A_429 = tpu.memref_slice %arg4[%dma_wait3A] : memref<102400xi32, #tpu.memory_space<hbm>> -> memref<102400xi32, #tpu.memory_space<hbm>>
    tpu.wait_indirect_dma semaphore(%arg20 : memref<!tpu.dma_semaphore, #tpu.memory_space<semaphore_mem>>) src(%dma_wait3A_429 : memref<102400xi32, #tpu.memory_space<hbm>>) dst(%arg13 : memref<16xi32, #tpu.memory_space<vmem>>)
    %get3A_430 = arith.constant 0 : index
    %get3A_431 = tpu.vector_load %arg13[%get3A_430] {strides = array<i32>} : memref<16xi32, #tpu.memory_space<vmem>>, vector<16xi32>,
    %jit3A_432 = arith.constant 0 : i32
    %jit3A_433 = arith.constant 102399 : i32
    %max3A_434 = vector.broadcast %jit3A_432 : i32 to vector<16xi32>
    %max3A_435 = arith.maxsi %max3A_434, %get3A_431 : vector<16xi32>
    %min3A_436 = vector.broadcast %jit3A_433 : i32 to vector<16xi32>
    %min3A_437 = arith.minsi %min3A_436, %max3A_435 : vector<16xi32>
    %swap3A_438 = arith.constant 0 : index
    %swap3A_439 = tpu.vector_load %arg13[%swap3A_438] {strides = array<i32>} : memref<16xi32, #tpu.memory_space<vmem>>, vector<16xi32>,
    tpu.vector_store %arg13[%swap3A_438], %min3A_437 {strides = array<i32>} : memref<16xi32, #tpu.memory_space<vmem>>, vector<16xi32>,
    "tpu.region"() ({
      %run_scoped3A = tpu.sem_alloc : memref<!tpu.dma_semaphore, #tpu.memory_space<semaphore_mem>>
      %dma_start3A_743 = tpu.memref_slice %arg9[%add3A_423] : memref<512xi32, #tpu.memory_space<hbm>> -> memref<16xi32, #tpu.memory_space<hbm>>
      %dma_start3A_744 = tpu.memref_slice %arg9[%add3A_423] : memref<512xi32, #tpu.memory_space<hbm>> -> memref<16xi32, #tpu.memory_space<hbm>>
      tpu.enqueue_dma source(%arg13 : memref<16xi32, #tpu.memory_space<vmem>>) target(%dma_start3A_744 : memref<16xi32, #tpu.memory_space<hbm>>) target_semaphore(%run_scoped3A : memref<!tpu.dma_semaphore, #tpu.memory_space<semaphore_mem>>)
      %dma_wait3A_745 = tpu.memref_slice %arg9[%add3A_423] : memref<512xi32, #tpu.memory_space<hbm>> -> memref<16xi32, #tpu.memory_space<hbm>>
      %dma_wait3A_746 = tpu.memref_slice %arg9[%add3A_423] : memref<512xi32, #tpu.memory_space<hbm>> -> memref<16xi32, #tpu.memory_space<hbm>>
      tpu.wait_dma2 semaphore(%run_scoped3A : memref<!tpu.dma_semaphore, #tpu.memory_space<semaphore_mem>>) src(%arg13 : memref<16xi32, #tpu.memory_space<vmem>>) dst(%dma_wait3A_746 : memref<16xi32, #tpu.memory_space<hbm>>)
      tpu.yield
    }) : () -> ()
    %dma_start3A_440 = arith.constant 0 : i32
    %dma_start3A_441 = tpu.memref_slice %arg2[%dma_start3A_440] : memref<102400xf32, #tpu.memory_space<hbm>> -> memref<102400xf32, #tpu.memory_space<hbm>>
    tpu.enqueue_indirect_dma source(%dma_start3A_441 : memref<102400xf32, #tpu.memory_space<hbm>>) target(%arg14 : memref<16xf32, #tpu.memory_space<vmem>>) offsets(%min3A_437 : vector<16xi32>) semaphore(%arg20 : memref<!tpu.dma_semaphore, #tpu.memory_space<semaphore_mem>>)
    %dma_wait3A_442 = arith.constant 0 : i32
    %dma_wait3A_443 = tpu.memref_slice %arg2[%dma_wait3A_442] : memref<102400xf32, #tpu.memory_space<hbm>> -> memref<102400xf32, #tpu.memory_space<hbm>>
    tpu.wait_indirect_dma semaphore(%arg20 : memref<!tpu.dma_semaphore, #tpu.memory_space<semaphore_mem>>) src(%dma_wait3A_443 : memref<102400xf32, #tpu.memory_space<hbm>>) dst(%arg14 : memref<16xf32, #tpu.memory_space<vmem>>)
    %get3A_444 = arith.constant 0 : index
    %get3A_445 = tpu.vector_load %arg14[%get3A_444] {strides = array<i32>} : memref<16xf32, #tpu.memory_space<vmem>>, vector<16xf32>,
    %dma_start3A_446 = arith.constant 0 : i32
    %dma_start3A_447 = tpu.memref_slice %arg3[%dma_start3A_446] : memref<102400xi32, #tpu.memory_space<hbm>> -> memref<102400xi32, #tpu.memory_space<hbm>>
    tpu.enqueue_indirect_dma source(%dma_start3A_447 : memref<102400xi32, #tpu.memory_space<hbm>>) target(%arg13 : memref<16xi32, #tpu.memory_space<vmem>>) offsets(%min3A_437 : vector<16xi32>) semaphore(%arg20 : memref<!tpu.dma_semaphore, #tpu.memory_space<semaphore_mem>>)
    %dma_wait3A_448 = arith.constant 0 : i32
    %dma_wait3A_449 = tpu.memref_slice %arg3[%dma_wait3A_448] : memref<102400xi32, #tpu.memory_space<hbm>> -> memref<102400xi32, #tpu.memory_space<hbm>>
    tpu.wait_indirect_dma semaphore(%arg20 : memref<!tpu.dma_semaphore, #tpu.memory_space<semaphore_mem>>) src(%dma_wait3A_449 : memref<102400xi32, #tpu.memory_space<hbm>>) dst(%arg13 : memref<16xi32, #tpu.memory_space<vmem>>)
    %get3A_450 = arith.constant 0 : index
    %get3A_451 = tpu.vector_load %arg13[%get3A_450] {strides = array<i32>} : memref<16xi32, #tpu.memory_space<vmem>>, vector<16xi32>,
    %jit3A_452 = arith.constant 0 : i32
    %jit3A_453 = arith.constant 511 : i32
    %max3A_454 = vector.broadcast %jit3A_452 : i32 to vector<16xi32>
    %max3A_455 = arith.maxsi %max3A_454, %get3A_451 : vector<16xi32>
    %min3A_456 = vector.broadcast %jit3A_453 : i32 to vector<16xi32>
    %min3A_457 = arith.minsi %min3A_456, %max3A_455 : vector<16xi32>
    %dma_start3A_458 = arith.constant 0 : i32
    %dma_start3A_459 = tpu.memref_slice %arg7[%dma_start3A_458] : memref<512xi32, #tpu.memory_space<hbm>> -> memref<512xi32, #tpu.memory_space<hbm>>
    tpu.enqueue_indirect_dma source(%dma_start3A_459 : memref<512xi32, #tpu.memory_space<hbm>>) target(%arg13 : memref<16xi32, #tpu.memory_space<vmem>>) offsets(%min3A_457 : vector<16xi32>) semaphore(%arg20 : memref<!tpu.dma_semaphore, #tpu.memory_space<semaphore_mem>>)
    %dma_wait3A_460 = arith.constant 0 : i32
    %dma_wait3A_461 = tpu.memref_slice %arg7[%dma_wait3A_460] : memref<512xi32, #tpu.memory_space<hbm>> -> memref<512xi32, #tpu.memory_space<hbm>>
    tpu.wait_indirect_dma semaphore(%arg20 : memref<!tpu.dma_semaphore, #tpu.memory_space<semaphore_mem>>) src(%dma_wait3A_461 : memref<512xi32, #tpu.memory_space<hbm>>) dst(%arg13 : memref<16xi32, #tpu.memory_space<vmem>>)
    %get3A_462 = arith.constant 0 : index
    %get3A_463 = tpu.vector_load %arg13[%get3A_462] {strides = array<i32>} : memref<16xi32, #tpu.memory_space<vmem>>, vector<16xi32>,
    %ge3A = arith.constant 5.000000e-01 : f32
    %ge3A_464 = vector.broadcast %ge3A : f32 to vector<16xf32>
    %ge3A_465 = arith.cmpf oge, %get3A_445, %ge3A_464 : vector<16xf32>
    %jit3A_466 = arith.constant 80 : i32
    %broadcast_in_dim3A_467 = vector.broadcast %jit3A_466 : i32 to vector<16xi32>
    %select_n3A_468 = arith.select %ge3A_465, %get3A_463, %broadcast_in_dim3A_467 : vector<16xi1>, vector<16xi32>
    %swap3A_469 = arith.constant 0 : index
    %swap3A_470 = tpu.vector_load %arg13[%swap3A_469] {strides = array<i32>} : memref<16xi32, #tpu.memory_space<vmem>>, vector<16xi32>,
    tpu.vector_store %arg13[%swap3A_469], %select_n3A_468 {strides = array<i32>} : memref<16xi32, #tpu.memory_space<vmem>>, vector<16xi32>,
    "tpu.region"() ({
      %run_scoped3A = tpu.sem_alloc : memref<!tpu.dma_semaphore, #tpu.memory_space<semaphore_mem>>
      %dma_start3A_743 = tpu.memref_slice %arg10[%add3A_423] : memref<512xi32, #tpu.memory_space<hbm>> -> memref<16xi32, #tpu.memory_space<hbm>>
      %dma_start3A_744 = tpu.memref_slice %arg10[%add3A_423] : memref<512xi32, #tpu.memory_space<hbm>> -> memref<16xi32, #tpu.memory_space<hbm>>
      tpu.enqueue_dma source(%arg13 : memref<16xi32, #tpu.memory_space<vmem>>) target(%dma_start3A_744 : memref<16xi32, #tpu.memory_space<hbm>>) target_semaphore(%run_scoped3A : memref<!tpu.dma_semaphore, #tpu.memory_space<semaphore_mem>>)
      %dma_wait3A_745 = tpu.memref_slice %arg10[%add3A_423] : memref<512xi32, #tpu.memory_space<hbm>> -> memref<16xi32, #tpu.memory_space<hbm>>
      %dma_wait3A_746 = tpu.memref_slice %arg10[%add3A_423] : memref<512xi32, #tpu.memory_space<hbm>> -> memref<16xi32, #tpu.memory_space<hbm>>
      tpu.wait_dma2 semaphore(%run_scoped3A : memref<!tpu.dma_semaphore, #tpu.memory_space<semaphore_mem>>) src(%arg13 : memref<16xi32, #tpu.memory_space<vmem>>) dst(%dma_wait3A_746 : memref<16xi32, #tpu.memory_space<hbm>>)
      tpu.yield
    }) : () -> ()
    %add3A_471 = arith.constant 0 : i32
    %add3A_472 = vector.broadcast %add3A_471 : i32 to vector<16xi32>
    %add3A_473 = arith.addi %min3A_437, %add3A_472 : vector<16xi32>
    %dma_start3A_474 = arith.constant 0 : i32
    %dma_start3A_475 = tpu.memref_slice %arg5[%dma_start3A_474] : memref<409600xf32, #tpu.memory_space<hbm>> -> memref<409600xf32, #tpu.memory_space<hbm>>
    tpu.enqueue_indirect_dma source(%dma_start3A_475 : memref<409600xf32, #tpu.memory_space<hbm>>) target(%arg14 : memref<16xf32, #tpu.memory_space<vmem>>) offsets(%add3A_473 : vector<16xi32>) semaphore(%arg20 : memref<!tpu.dma_semaphore, #tpu.memory_space<semaphore_mem>>)
    %dma_wait3A_476 = arith.constant 0 : i32
    %dma_wait3A_477 = tpu.memref_slice %arg5[%dma_wait3A_476] : memref<409600xf32, #tpu.memory_space<hbm>> -> memref<409600xf32, #tpu.memory_space<hbm>>
    tpu.wait_indirect_dma semaphore(%arg20 : memref<!tpu.dma_semaphore, #tpu.memory_space<semaphore_mem>>) src(%dma_wait3A_477 : memref<409600xf32, #tpu.memory_space<hbm>>) dst(%arg14 : memref<16xf32, #tpu.memory_space<vmem>>)
    %get3A_478 = arith.constant 0 : index
    %get3A_479 = tpu.vector_load %arg14[%get3A_478] {strides = array<i32>} : memref<16xf32, #tpu.memory_space<vmem>>, vector<16xf32>,
    %swap3A_480 = arith.constant 0 : index
    %swap3A_481 = tpu.vector_load %arg14[%swap3A_480] {strides = array<i32>} : memref<16xf32, #tpu.memory_space<vmem>>, vector<16xf32>,
    tpu.vector_store %arg14[%swap3A_480], %get3A_479 {strides = array<i32>} : memref<16xf32, #tpu.memory_space<vmem>>, vector<16xf32>,
    %add3A_482 = arith.constant 0 : i32
    %add3A_483 = arith.addi %add3A_482, %add3A_423 : i32
    "tpu.region"() ({
      %run_scoped3A = tpu.sem_alloc : memref<!tpu.dma_semaphore, #tpu.memory_space<semaphore_mem>>
      %dma_start3A_743 = tpu.memref_slice %arg8[%add3A_483] : memref<4608xf32, #tpu.memory_space<hbm>> -> memref<16xf32, #tpu.memory_space<hbm>>
      %dma_start3A_744 = tpu.memref_slice %arg8[%add3A_483] : memref<4608xf32, #tpu.memory_space<hbm>> -> memref<16xf32, #tpu.memory_space<hbm>>
      tpu.enqueue_dma source(%arg14 : memref<16xf32, #tpu.memory_space<vmem>>) target(%dma_start3A_744 : memref<16xf32, #tpu.memory_space<hbm>>) target_semaphore(%run_scoped3A : memref<!tpu.dma_semaphore, #tpu.memory_space<semaphore_mem>>)
      %dma_wait3A_745 = tpu.memref_slice %arg8[%add3A_483] : memref<4608xf32, #tpu.memory_space<hbm>> -> memref<16xf32, #tpu.memory_space<hbm>>
      %dma_wait3A_746 = tpu.memref_slice %arg8[%add3A_483] : memref<4608xf32, #tpu.memory_space<hbm>> -> memref<16xf32, #tpu.memory_space<hbm>>
      tpu.wait_dma2 semaphore(%run_scoped3A : memref<!tpu.dma_semaphore, #tpu.memory_space<semaphore_mem>>) src(%arg14 : memref<16xf32, #tpu.memory_space<vmem>>) dst(%dma_wait3A_746 : memref<16xf32, #tpu.memory_space<hbm>>)
      tpu.yield
    }) : () -> ()
    %add3A_484 = arith.constant 102400 : i32
    %add3A_485 = vector.broadcast %add3A_484 : i32 to vector<16xi32>
    %add3A_486 = arith.addi %min3A_437, %add3A_485 : vector<16xi32>
    %dma_start3A_487 = arith.constant 0 : i32
    %dma_start3A_488 = tpu.memref_slice %arg5[%dma_start3A_487] : memref<409600xf32, #tpu.memory_space<hbm>> -> memref<409600xf32, #tpu.memory_space<hbm>>
    tpu.enqueue_indirect_dma source(%dma_start3A_488 : memref<409600xf32, #tpu.memory_space<hbm>>) target(%arg14 : memref<16xf32, #tpu.memory_space<vmem>>) offsets(%add3A_486 : vector<16xi32>) semaphore(%arg20 : memref<!tpu.dma_semaphore, #tpu.memory_space<semaphore_mem>>)
    %dma_wait3A_489 = arith.constant 0 : i32
    %dma_wait3A_490 = tpu.memref_slice %arg5[%dma_wait3A_489] : memref<409600xf32, #tpu.memory_space<hbm>> -> memref<409600xf32, #tpu.memory_space<hbm>>
    tpu.wait_indirect_dma semaphore(%arg20 : memref<!tpu.dma_semaphore, #tpu.memory_space<semaphore_mem>>) src(%dma_wait3A_490 : memref<409600xf32, #tpu.memory_space<hbm>>) dst(%arg14 : memref<16xf32, #tpu.memory_space<vmem>>)
    %get3A_491 = arith.constant 0 : index
    %get3A_492 = tpu.vector_load %arg14[%get3A_491] {strides = array<i32>} : memref<16xf32, #tpu.memory_space<vmem>>, vector<16xf32>,
    %swap3A_493 = arith.constant 0 : index
    %swap3A_494 = tpu.vector_load %arg14[%swap3A_493] {strides = array<i32>} : memref<16xf32, #tpu.memory_space<vmem>>, vector<16xf32>,
    tpu.vector_store %arg14[%swap3A_493], %get3A_492 {strides = array<i32>} : memref<16xf32, #tpu.memory_space<vmem>>, vector<16xf32>,
    %add3A_495 = arith.constant 512 : i32
    %add3A_496 = arith.addi %add3A_495, %add3A_423 : i32
    "tpu.region"() ({
      %run_scoped3A = tpu.sem_alloc : memref<!tpu.dma_semaphore, #tpu.memory_space<semaphore_mem>>
      %dma_start3A_743 = tpu.memref_slice %arg8[%add3A_496] : memref<4608xf32, #tpu.memory_space<hbm>> -> memref<16xf32, #tpu.memory_space<hbm>>
      %dma_start3A_744 = tpu.memref_slice %arg8[%add3A_496] : memref<4608xf32, #tpu.memory_space<hbm>> -> memref<16xf32, #tpu.memory_space<hbm>>
      tpu.enqueue_dma source(%arg14 : memref<16xf32, #tpu.memory_space<vmem>>) target(%dma_start3A_744 : memref<16xf32, #tpu.memory_space<hbm>>) target_semaphore(%run_scoped3A : memref<!tpu.dma_semaphore, #tpu.memory_space<semaphore_mem>>)
      %dma_wait3A_745 = tpu.memref_slice %arg8[%add3A_496] : memref<4608xf32, #tpu.memory_space<hbm>> -> memref<16xf32, #tpu.memory_space<hbm>>
      %dma_wait3A_746 = tpu.memref_slice %arg8[%add3A_496] : memref<4608xf32, #tpu.memory_space<hbm>> -> memref<16xf32, #tpu.memory_space<hbm>>
      tpu.wait_dma2 semaphore(%run_scoped3A : memref<!tpu.dma_semaphore, #tpu.memory_space<semaphore_mem>>) src(%arg14 : memref<16xf32, #tpu.memory_space<vmem>>) dst(%dma_wait3A_746 : memref<16xf32, #tpu.memory_space<hbm>>)
      tpu.yield
    }) : () -> ()
    %add3A_497 = arith.constant 204800 : i32
    %add3A_498 = vector.broadcast %add3A_497 : i32 to vector<16xi32>
    %add3A_499 = arith.addi %min3A_437, %add3A_498 : vector<16xi32>
    %dma_start3A_500 = arith.constant 0 : i32
    %dma_start3A_501 = tpu.memref_slice %arg5[%dma_start3A_500] : memref<409600xf32, #tpu.memory_space<hbm>> -> memref<409600xf32, #tpu.memory_space<hbm>>
    tpu.enqueue_indirect_dma source(%dma_start3A_501 : memref<409600xf32, #tpu.memory_space<hbm>>) target(%arg14 : memref<16xf32, #tpu.memory_space<vmem>>) offsets(%add3A_499 : vector<16xi32>) semaphore(%arg20 : memref<!tpu.dma_semaphore, #tpu.memory_space<semaphore_mem>>)
    %dma_wait3A_502 = arith.constant 0 : i32
    %dma_wait3A_503 = tpu.memref_slice %arg5[%dma_wait3A_502] : memref<409600xf32, #tpu.memory_space<hbm>> -> memref<409600xf32, #tpu.memory_space<hbm>>
    tpu.wait_indirect_dma semaphore(%arg20 : memref<!tpu.dma_semaphore, #tpu.memory_space<semaphore_mem>>) src(%dma_wait3A_503 : memref<409600xf32, #tpu.memory_space<hbm>>) dst(%arg14 : memref<16xf32, #tpu.memory_space<vmem>>)
    %get3A_504 = arith.constant 0 : index
    %get3A_505 = tpu.vector_load %arg14[%get3A_504] {strides = array<i32>} : memref<16xf32, #tpu.memory_space<vmem>>, vector<16xf32>,
    %swap3A_506 = arith.constant 0 : index
    %swap3A_507 = tpu.vector_load %arg14[%swap3A_506] {strides = array<i32>} : memref<16xf32, #tpu.memory_space<vmem>>, vector<16xf32>,
    tpu.vector_store %arg14[%swap3A_506], %get3A_505 {strides = array<i32>} : memref<16xf32, #tpu.memory_space<vmem>>, vector<16xf32>,
    %add3A_508 = arith.constant 1024 : i32
    %add3A_509 = arith.addi %add3A_508, %add3A_423 : i32
    "tpu.region"() ({
      %run_scoped3A = tpu.sem_alloc : memref<!tpu.dma_semaphore, #tpu.memory_space<semaphore_mem>>
      %dma_start3A_743 = tpu.memref_slice %arg8[%add3A_509] : memref<4608xf32, #tpu.memory_space<hbm>> -> memref<16xf32, #tpu.memory_space<hbm>>
      %dma_start3A_744 = tpu.memref_slice %arg8[%add3A_509] : memref<4608xf32, #tpu.memory_space<hbm>> -> memref<16xf32, #tpu.memory_space<hbm>>
      tpu.enqueue_dma source(%arg14 : memref<16xf32, #tpu.memory_space<vmem>>) target(%dma_start3A_744 : memref<16xf32, #tpu.memory_space<hbm>>) target_semaphore(%run_scoped3A : memref<!tpu.dma_semaphore, #tpu.memory_space<semaphore_mem>>)
      %dma_wait3A_745 = tpu.memref_slice %arg8[%add3A_509] : memref<4608xf32, #tpu.memory_space<hbm>> -> memref<16xf32, #tpu.memory_space<hbm>>
      %dma_wait3A_746 = tpu.memref_slice %arg8[%add3A_509] : memref<4608xf32, #tpu.memory_space<hbm>> -> memref<16xf32, #tpu.memory_space<hbm>>
      tpu.wait_dma2 semaphore(%run_scoped3A : memref<!tpu.dma_semaphore, #tpu.memory_space<semaphore_mem>>) src(%arg14 : memref<16xf32, #tpu.memory_space<vmem>>) dst(%dma_wait3A_746 : memref<16xf32, #tpu.memory_space<hbm>>)
      tpu.yield
    }) : () -> ()
    %add3A_510 = arith.constant 307200 : i32
    %add3A_511 = vector.broadcast %add3A_510 : i32 to vector<16xi32>
    %add3A_512 = arith.addi %min3A_437, %add3A_511 : vector<16xi32>
    %dma_start3A_513 = arith.constant 0 : i32
    %dma_start3A_514 = tpu.memref_slice %arg5[%dma_start3A_513] : memref<409600xf32, #tpu.memory_space<hbm>> -> memref<409600xf32, #tpu.memory_space<hbm>>
    tpu.enqueue_indirect_dma source(%dma_start3A_514 : memref<409600xf32, #tpu.memory_space<hbm>>) target(%arg14 : memref<16xf32, #tpu.memory_space<vmem>>) offsets(%add3A_512 : vector<16xi32>) semaphore(%arg20 : memref<!tpu.dma_semaphore, #tpu.memory_space<semaphore_mem>>)
    %dma_wait3A_515 = arith.constant 0 : i32
    %dma_wait3A_516 = tpu.memref_slice %arg5[%dma_wait3A_515] : memref<409600xf32, #tpu.memory_space<hbm>> -> memref<409600xf32, #tpu.memory_space<hbm>>
    tpu.wait_indirect_dma semaphore(%arg20 : memref<!tpu.dma_semaphore, #tpu.memory_space<semaphore_mem>>) src(%dma_wait3A_516 : memref<409600xf32, #tpu.memory_space<hbm>>) dst(%arg14 : memref<16xf32, #tpu.memory_space<vmem>>)
    %get3A_517 = arith.constant 0 : index
    %get3A_518 = tpu.vector_load %arg14[%get3A_517] {strides = array<i32>} : memref<16xf32, #tpu.memory_space<vmem>>, vector<16xf32>,
    %swap3A_519 = arith.constant 0 : index
    %swap3A_520 = tpu.vector_load %arg14[%swap3A_519] {strides = array<i32>} : memref<16xf32, #tpu.memory_space<vmem>>, vector<16xf32>,
    tpu.vector_store %arg14[%swap3A_519], %get3A_518 {strides = array<i32>} : memref<16xf32, #tpu.memory_space<vmem>>, vector<16xf32>,
    %add3A_521 = arith.constant 1536 : i32
    %add3A_522 = arith.addi %add3A_521, %add3A_423 : i32
    "tpu.region"() ({
      %run_scoped3A = tpu.sem_alloc : memref<!tpu.dma_semaphore, #tpu.memory_space<semaphore_mem>>
      %dma_start3A_743 = tpu.memref_slice %arg8[%add3A_522] : memref<4608xf32, #tpu.memory_space<hbm>> -> memref<16xf32, #tpu.memory_space<hbm>>
      %dma_start3A_744 = tpu.memref_slice %arg8[%add3A_522] : memref<4608xf32, #tpu.memory_space<hbm>> -> memref<16xf32, #tpu.memory_space<hbm>>
      tpu.enqueue_dma source(%arg14 : memref<16xf32, #tpu.memory_space<vmem>>) target(%dma_start3A_744 : memref<16xf32, #tpu.memory_space<hbm>>) target_semaphore(%run_scoped3A : memref<!tpu.dma_semaphore, #tpu.memory_space<semaphore_mem>>)
      %dma_wait3A_745 = tpu.memref_slice %arg8[%add3A_522] : memref<4608xf32, #tpu.memory_space<hbm>> -> memref<16xf32, #tpu.memory_space<hbm>>
      %dma_wait3A_746 = tpu.memref_slice %arg8[%add3A_522] : memref<4608xf32, #tpu.memory_space<hbm>> -> memref<16xf32, #tpu.memory_space<hbm>>
      tpu.wait_dma2 semaphore(%run_scoped3A : memref<!tpu.dma_semaphore, #tpu.memory_space<semaphore_mem>>) src(%arg14 : memref<16xf32, #tpu.memory_space<vmem>>) dst(%dma_wait3A_746 : memref<16xf32, #tpu.memory_space<hbm>>)
      tpu.yield
    }) : () -> ()
    %add3A_523 = arith.constant 0 : i32
    %add3A_524 = vector.broadcast %add3A_523 : i32 to vector<16xi32>
    %add3A_525 = arith.addi %min3A_457, %add3A_524 : vector<16xi32>
    %dma_start3A_526 = arith.constant 0 : i32
    %dma_start3A_527 = tpu.memref_slice %arg6[%dma_start3A_526] : memref<2048xf32, #tpu.memory_space<hbm>> -> memref<2048xf32, #tpu.memory_space<hbm>>
    tpu.enqueue_indirect_dma source(%dma_start3A_527 : memref<2048xf32, #tpu.memory_space<hbm>>) target(%arg14 : memref<16xf32, #tpu.memory_space<vmem>>) offsets(%add3A_525 : vector<16xi32>) semaphore(%arg20 : memref<!tpu.dma_semaphore, #tpu.memory_space<semaphore_mem>>)
    %dma_wait3A_528 = arith.constant 0 : i32
    %dma_wait3A_529 = tpu.memref_slice %arg6[%dma_wait3A_528] : memref<2048xf32, #tpu.memory_space<hbm>> -> memref<2048xf32, #tpu.memory_space<hbm>>
    tpu.wait_indirect_dma semaphore(%arg20 : memref<!tpu.dma_semaphore, #tpu.memory_space<semaphore_mem>>) src(%dma_wait3A_529 : memref<2048xf32, #tpu.memory_space<hbm>>) dst(%arg14 : memref<16xf32, #tpu.memory_space<vmem>>)
    %get3A_530 = arith.constant 0 : index
    %get3A_531 = tpu.vector_load %arg14[%get3A_530] {strides = array<i32>} : memref<16xf32, #tpu.memory_space<vmem>>, vector<16xf32>,
    %swap3A_532 = arith.constant 0 : index
    %swap3A_533 = tpu.vector_load %arg14[%swap3A_532] {strides = array<i32>} : memref<16xf32, #tpu.memory_space<vmem>>, vector<16xf32>,
    tpu.vector_store %arg14[%swap3A_532], %get3A_531 {strides = array<i32>} : memref<16xf32, #tpu.memory_space<vmem>>, vector<16xf32>,
    %add3A_534 = arith.constant 2048 : i32
    %add3A_535 = arith.addi %add3A_534, %add3A_423 : i32
    "tpu.region"() ({
      %run_scoped3A = tpu.sem_alloc : memref<!tpu.dma_semaphore, #tpu.memory_space<semaphore_mem>>
      %dma_start3A_743 = tpu.memref_slice %arg8[%add3A_535] : memref<4608xf32, #tpu.memory_space<hbm>> -> memref<16xf32, #tpu.memory_space<hbm>>
      %dma_start3A_744 = tpu.memref_slice %arg8[%add3A_535] : memref<4608xf32, #tpu.memory_space<hbm>> -> memref<16xf32, #tpu.memory_space<hbm>>
      tpu.enqueue_dma source(%arg14 : memref<16xf32, #tpu.memory_space<vmem>>) target(%dma_start3A_744 : memref<16xf32, #tpu.memory_space<hbm>>) target_semaphore(%run_scoped3A : memref<!tpu.dma_semaphore, #tpu.memory_space<semaphore_mem>>)
      %dma_wait3A_745 = tpu.memref_slice %arg8[%add3A_535] : memref<4608xf32, #tpu.memory_space<hbm>> -> memref<16xf32, #tpu.memory_space<hbm>>
      %dma_wait3A_746 = tpu.memref_slice %arg8[%add3A_535] : memref<4608xf32, #tpu.memory_space<hbm>> -> memref<16xf32, #tpu.memory_space<hbm>>
      tpu.wait_dma2 semaphore(%run_scoped3A : memref<!tpu.dma_semaphore, #tpu.memory_space<semaphore_mem>>) src(%arg14 : memref<16xf32, #tpu.memory_space<vmem>>) dst(%dma_wait3A_746 : memref<16xf32, #tpu.memory_space<hbm>>)
      tpu.yield
    }) : () -> ()
    %add3A_536 = arith.constant 512 : i32
    %add3A_537 = vector.broadcast %add3A_536 : i32 to vector<16xi32>
    %add3A_538 = arith.addi %min3A_457, %add3A_537 : vector<16xi32>
    %dma_start3A_539 = arith.constant 0 : i32
    %dma_start3A_540 = tpu.memref_slice %arg6[%dma_start3A_539] : memref<2048xf32, #tpu.memory_space<hbm>> -> memref<2048xf32, #tpu.memory_space<hbm>>
    tpu.enqueue_indirect_dma source(%dma_start3A_540 : memref<2048xf32, #tpu.memory_space<hbm>>) target(%arg14 : memref<16xf32, #tpu.memory_space<vmem>>) offsets(%add3A_538 : vector<16xi32>) semaphore(%arg20 : memref<!tpu.dma_semaphore, #tpu.memory_space<semaphore_mem>>)
    %dma_wait3A_541 = arith.constant 0 : i32
    %dma_wait3A_542 = tpu.memref_slice %arg6[%dma_wait3A_541] : memref<2048xf32, #tpu.memory_space<hbm>> -> memref<2048xf32, #tpu.memory_space<hbm>>
    tpu.wait_indirect_dma semaphore(%arg20 : memref<!tpu.dma_semaphore, #tpu.memory_space<semaphore_mem>>) src(%dma_wait3A_542 : memref<2048xf32, #tpu.memory_space<hbm>>) dst(%arg14 : memref<16xf32, #tpu.memory_space<vmem>>)
    %get3A_543 = arith.constant 0 : index
    %get3A_544 = tpu.vector_load %arg14[%get3A_543] {strides = array<i32>} : memref<16xf32, #tpu.memory_space<vmem>>, vector<16xf32>,
    %swap3A_545 = arith.constant 0 : index
    %swap3A_546 = tpu.vector_load %arg14[%swap3A_545] {strides = array<i32>} : memref<16xf32, #tpu.memory_space<vmem>>, vector<16xf32>,
    tpu.vector_store %arg14[%swap3A_545], %get3A_544 {strides = array<i32>} : memref<16xf32, #tpu.memory_space<vmem>>, vector<16xf32>,
    %add3A_547 = arith.constant 2560 : i32
    %add3A_548 = arith.addi %add3A_547, %add3A_423 : i32
    "tpu.region"() ({
      %run_scoped3A = tpu.sem_alloc : memref<!tpu.dma_semaphore, #tpu.memory_space<semaphore_mem>>
      %dma_start3A_743 = tpu.memref_slice %arg8[%add3A_548] : memref<4608xf32, #tpu.memory_space<hbm>> -> memref<16xf32, #tpu.memory_space<hbm>>
      %dma_start3A_744 = tpu.memref_slice %arg8[%add3A_548] : memref<4608xf32, #tpu.memory_space<hbm>> -> memref<16xf32, #tpu.memory_space<hbm>>
      tpu.enqueue_dma source(%arg14 : memref<16xf32, #tpu.memory_space<vmem>>) target(%dma_start3A_744 : memref<16xf32, #tpu.memory_space<hbm>>) target_semaphore(%run_scoped3A : memref<!tpu.dma_semaphore, #tpu.memory_space<semaphore_mem>>)
      %dma_wait3A_745 = tpu.memref_slice %arg8[%add3A_548] : memref<4608xf32, #tpu.memory_space<hbm>> -> memref<16xf32, #tpu.memory_space<hbm>>
      %dma_wait3A_746 = tpu.memref_slice %arg8[%add3A_548] : memref<4608xf32, #tpu.memory_space<hbm>> -> memref<16xf32, #tpu.memory_space<hbm>>
      tpu.wait_dma2 semaphore(%run_scoped3A : memref<!tpu.dma_semaphore, #tpu.memory_space<semaphore_mem>>) src(%arg14 : memref<16xf32, #tpu.memory_space<vmem>>) dst(%dma_wait3A_746 : memref<16xf32, #tpu.memory_space<hbm>>)
      tpu.yield
    }) : () -> ()
    %add3A_549 = arith.constant 1024 : i32
    %add3A_550 = vector.broadcast %add3A_549 : i32 to vector<16xi32>
    %add3A_551 = arith.addi %min3A_457, %add3A_550 : vector<16xi32>
    %dma_start3A_552 = arith.constant 0 : i32
    %dma_start3A_553 = tpu.memref_slice %arg6[%dma_start3A_552] : memref<2048xf32, #tpu.memory_space<hbm>> -> memref<2048xf32, #tpu.memory_space<hbm>>
    tpu.enqueue_indirect_dma source(%dma_start3A_553 : memref<2048xf32, #tpu.memory_space<hbm>>) target(%arg14 : memref<16xf32, #tpu.memory_space<vmem>>) offsets(%add3A_551 : vector<16xi32>) semaphore(%arg20 : memref<!tpu.dma_semaphore, #tpu.memory_space<semaphore_mem>>)
    %dma_wait3A_554 = arith.constant 0 : i32
    %dma_wait3A_555 = tpu.memref_slice %arg6[%dma_wait3A_554] : memref<2048xf32, #tpu.memory_space<hbm>> -> memref<2048xf32, #tpu.memory_space<hbm>>
    tpu.wait_indirect_dma semaphore(%arg20 : memref<!tpu.dma_semaphore, #tpu.memory_space<semaphore_mem>>) src(%dma_wait3A_555 : memref<2048xf32, #tpu.memory_space<hbm>>) dst(%arg14 : memref<16xf32, #tpu.memory_space<vmem>>)
    %get3A_556 = arith.constant 0 : index
    %get3A_557 = tpu.vector_load %arg14[%get3A_556] {strides = array<i32>} : memref<16xf32, #tpu.memory_space<vmem>>, vector<16xf32>,
    %swap3A_558 = arith.constant 0 : index
    %swap3A_559 = tpu.vector_load %arg14[%swap3A_558] {strides = array<i32>} : memref<16xf32, #tpu.memory_space<vmem>>, vector<16xf32>,
    tpu.vector_store %arg14[%swap3A_558], %get3A_557 {strides = array<i32>} : memref<16xf32, #tpu.memory_space<vmem>>, vector<16xf32>,
    %add3A_560 = arith.constant 3072 : i32
    %add3A_561 = arith.addi %add3A_560, %add3A_423 : i32
    "tpu.region"() ({
      %run_scoped3A = tpu.sem_alloc : memref<!tpu.dma_semaphore, #tpu.memory_space<semaphore_mem>>
      %dma_start3A_743 = tpu.memref_slice %arg8[%add3A_561] : memref<4608xf32, #tpu.memory_space<hbm>> -> memref<16xf32, #tpu.memory_space<hbm>>
      %dma_start3A_744 = tpu.memref_slice %arg8[%add3A_561] : memref<4608xf32, #tpu.memory_space<hbm>> -> memref<16xf32, #tpu.memory_space<hbm>>
      tpu.enqueue_dma source(%arg14 : memref<16xf32, #tpu.memory_space<vmem>>) target(%dma_start3A_744 : memref<16xf32, #tpu.memory_space<hbm>>) target_semaphore(%run_scoped3A : memref<!tpu.dma_semaphore, #tpu.memory_space<semaphore_mem>>)
      %dma_wait3A_745 = tpu.memref_slice %arg8[%add3A_561] : memref<4608xf32, #tpu.memory_space<hbm>> -> memref<16xf32, #tpu.memory_space<hbm>>
      %dma_wait3A_746 = tpu.memref_slice %arg8[%add3A_561] : memref<4608xf32, #tpu.memory_space<hbm>> -> memref<16xf32, #tpu.memory_space<hbm>>
      tpu.wait_dma2 semaphore(%run_scoped3A : memref<!tpu.dma_semaphore, #tpu.memory_space<semaphore_mem>>) src(%arg14 : memref<16xf32, #tpu.memory_space<vmem>>) dst(%dma_wait3A_746 : memref<16xf32, #tpu.memory_space<hbm>>)
      tpu.yield
    }) : () -> ()
    %add3A_562 = arith.constant 1536 : i32
    %add3A_563 = vector.broadcast %add3A_562 : i32 to vector<16xi32>
    %add3A_564 = arith.addi %min3A_457, %add3A_563 : vector<16xi32>
    %dma_start3A_565 = arith.constant 0 : i32
    %dma_start3A_566 = tpu.memref_slice %arg6[%dma_start3A_565] : memref<2048xf32, #tpu.memory_space<hbm>> -> memref<2048xf32, #tpu.memory_space<hbm>>
    tpu.enqueue_indirect_dma source(%dma_start3A_566 : memref<2048xf32, #tpu.memory_space<hbm>>) target(%arg14 : memref<16xf32, #tpu.memory_space<vmem>>) offsets(%add3A_564 : vector<16xi32>) semaphore(%arg20 : memref<!tpu.dma_semaphore, #tpu.memory_space<semaphore_mem>>)
    %dma_wait3A_567 = arith.constant 0 : i32
    %dma_wait3A_568 = tpu.memref_slice %arg6[%dma_wait3A_567] : memref<2048xf32, #tpu.memory_space<hbm>> -> memref<2048xf32, #tpu.memory_space<hbm>>
    tpu.wait_indirect_dma semaphore(%arg20 : memref<!tpu.dma_semaphore, #tpu.memory_space<semaphore_mem>>) src(%dma_wait3A_568 : memref<2048xf32, #tpu.memory_space<hbm>>) dst(%arg14 : memref<16xf32, #tpu.memory_space<vmem>>)
    %get3A_569 = arith.constant 0 : index
    %get3A_570 = tpu.vector_load %arg14[%get3A_569] {strides = array<i32>} : memref<16xf32, #tpu.memory_space<vmem>>, vector<16xf32>,
    %swap3A_571 = arith.constant 0 : index
    %swap3A_572 = tpu.vector_load %arg14[%swap3A_571] {strides = array<i32>} : memref<16xf32, #tpu.memory_space<vmem>>, vector<16xf32>,
    tpu.vector_store %arg14[%swap3A_571], %get3A_570 {strides = array<i32>} : memref<16xf32, #tpu.memory_space<vmem>>, vector<16xf32>,
    %add3A_573 = arith.constant 3584 : i32
    %add3A_574 = arith.addi %add3A_573, %add3A_423 : i32
    "tpu.region"() ({
      %run_scoped3A = tpu.sem_alloc : memref<!tpu.dma_semaphore, #tpu.memory_space<semaphore_mem>>
      %dma_start3A_743 = tpu.memref_slice %arg8[%add3A_574] : memref<4608xf32, #tpu.memory_space<hbm>> -> memref<16xf32, #tpu.memory_space<hbm>>
      %dma_start3A_744 = tpu.memref_slice %arg8[%add3A_574] : memref<4608xf32, #tpu.memory_space<hbm>> -> memref<16xf32, #tpu.memory_space<hbm>>
      tpu.enqueue_dma source(%arg14 : memref<16xf32, #tpu.memory_space<vmem>>) target(%dma_start3A_744 : memref<16xf32, #tpu.memory_space<hbm>>) target_semaphore(%run_scoped3A : memref<!tpu.dma_semaphore, #tpu.memory_space<semaphore_mem>>)
      %dma_wait3A_745 = tpu.memref_slice %arg8[%add3A_574] : memref<4608xf32, #tpu.memory_space<hbm>> -> memref<16xf32, #tpu.memory_space<hbm>>
      %dma_wait3A_746 = tpu.memref_slice %arg8[%add3A_574] : memref<4608xf32, #tpu.memory_space<hbm>> -> memref<16xf32, #tpu.memory_space<hbm>>
      tpu.wait_dma2 semaphore(%run_scoped3A : memref<!tpu.dma_semaphore, #tpu.memory_space<semaphore_mem>>) src(%arg14 : memref<16xf32, #tpu.memory_space<vmem>>) dst(%dma_wait3A_746 : memref<16xf32, #tpu.memory_space<hbm>>)
      tpu.yield
    }) : () -> ()
    %swap3A_575 = arith.constant 0 : index
    %swap3A_576 = tpu.vector_load %arg14[%swap3A_575] {strides = array<i32>} : memref<16xf32, #tpu.memory_space<vmem>>, vector<16xf32>,
    tpu.vector_store %arg14[%swap3A_575], %get3A_445 {strides = array<i32>} : memref<16xf32, #tpu.memory_space<vmem>>, vector<16xf32>,
    %add3A_577 = arith.constant 4096 : i32
    %add3A_578 = arith.addi %add3A_577, %add3A_423 : i32
    "tpu.region"() ({
      %run_scoped3A = tpu.sem_alloc : memref<!tpu.dma_semaphore, #tpu.memory_space<semaphore_mem>>
      %dma_start3A_743 = tpu.memref_slice %arg8[%add3A_578] : memref<4608xf32, #tpu.memory_space<hbm>> -> memref<16xf32, #tpu.memory_space<hbm>>
      %dma_start3A_744 = tpu.memref_slice %arg8[%add3A_578] : memref<4608xf32, #tpu.memory_space<hbm>> -> memref<16xf32, #tpu.memory_space<hbm>>
      tpu.enqueue_dma source(%arg14 : memref<16xf32, #tpu.memory_space<vmem>>) target(%dma_start3A_744 : memref<16xf32, #tpu.memory_space<hbm>>) target_semaphore(%run_scoped3A : memref<!tpu.dma_semaphore, #tpu.memory_space<semaphore_mem>>)
      %dma_wait3A_745 = tpu.memref_slice %arg8[%add3A_578] : memref<4608xf32, #tpu.memory_space<hbm>> -> memref<16xf32, #tpu.memory_space<hbm>>
      %dma_wait3A_746 = tpu.memref_slice %arg8[%add3A_578] : memref<4608xf32, #tpu.memory_space<hbm>> -> memref<16xf32, #tpu.memory_space<hbm>>
      tpu.wait_dma2 semaphore(%run_scoped3A : memref<!tpu.dma_semaphore, #tpu.memory_space<semaphore_mem>>) src(%arg14 : memref<16xf32, #tpu.memory_space<vmem>>) dst(%dma_wait3A_746 : memref<16xf32, #tpu.memory_space<hbm>>)
      tpu.yield
    }) : () -> ()
    %mul3A_579 = arith.constant 32 : i32
    %mul3A_580 = arith.muli %arg1, %mul3A_579 : i32
    %add3A_581 = arith.constant 16 : i32
    %add3A_582 = arith.addi %mul3A_580, %add3A_581 : i32
    %jit3A_583 = arith.constant 0 : i32
    %jit3A_584 = arith.constant 102399 : i32
    %max3A_585 = vector.broadcast %jit3A_583 : i32 to vector<16xi32>
    %max3A_586 = arith.maxsi %max3A_585, %add3A_419 : vector<16xi32>
    %min3A_587 = vector.broadcast %jit3A_584 : i32 to vector<16xi32>
    %min3A_588 = arith.minsi %min3A_587, %max3A_586 : vector<16xi32>
    %dma_start3A_589 = arith.constant 0 : i32
    %dma_start3A_590 = tpu.memref_slice %arg4[%dma_start3A_589] : memref<102400xi32, #tpu.memory_space<hbm>> -> memref<102400xi32, #tpu.memory_space<hbm>>
    tpu.enqueue_indirect_dma source(%dma_start3A_590 : memref<102400xi32, #tpu.memory_space<hbm>>) target(%arg13 : memref<16xi32, #tpu.memory_space<vmem>>) offsets(%min3A_588 : vector<16xi32>) semaphore(%arg20 : memref<!tpu.dma_semaphore, #tpu.memory_space<semaphore_mem>>)
    %dma_wait3A_591 = arith.constant 0 : i32
    %dma_wait3A_592 = tpu.memref_slice %arg4[%dma_wait3A_591] : memref<102400xi32, #tpu.memory_space<hbm>> -> memref<102400xi32, #tpu.memory_space<hbm>>
    tpu.wait_indirect_dma semaphore(%arg20 : memref<!tpu.dma_semaphore, #tpu.memory_space<semaphore_mem>>) src(%dma_wait3A_592 : memref<102400xi32, #tpu.memory_space<hbm>>) dst(%arg13 : memref<16xi32, #tpu.memory_space<vmem>>)
    %get3A_593 = arith.constant 0 : index
    %get3A_594 = tpu.vector_load %arg13[%get3A_593] {strides = array<i32>} : memref<16xi32, #tpu.memory_space<vmem>>, vector<16xi32>,
    %jit3A_595 = arith.constant 0 : i32
    %jit3A_596 = arith.constant 102399 : i32
    %max3A_597 = vector.broadcast %jit3A_595 : i32 to vector<16xi32>
    %max3A_598 = arith.maxsi %max3A_597, %get3A_594 : vector<16xi32>
    %min3A_599 = vector.broadcast %jit3A_596 : i32 to vector<16xi32>
    %min3A_600 = arith.minsi %min3A_599, %max3A_598 : vector<16xi32>
    %swap3A_601 = arith.constant 0 : index
    %swap3A_602 = tpu.vector_load %arg13[%swap3A_601] {strides = array<i32>} : memref<16xi32, #tpu.memory_space<vmem>>, vector<16xi32>,
    tpu.vector_store %arg13[%swap3A_601], %min3A_600 {strides = array<i32>} : memref<16xi32, #tpu.memory_space<vmem>>, vector<16xi32>,
    "tpu.region"() ({
      %run_scoped3A = tpu.sem_alloc : memref<!tpu.dma_semaphore, #tpu.memory_space<semaphore_mem>>
      %dma_start3A_743 = tpu.memref_slice %arg9[%add3A_582] : memref<512xi32, #tpu.memory_space<hbm>> -> memref<16xi32, #tpu.memory_space<hbm>>
      %dma_start3A_744 = tpu.memref_slice %arg9[%add3A_582] : memref<512xi32, #tpu.memory_space<hbm>> -> memref<16xi32, #tpu.memory_space<hbm>>
      tpu.enqueue_dma source(%arg13 : memref<16xi32, #tpu.memory_space<vmem>>) target(%dma_start3A_744 : memref<16xi32, #tpu.memory_space<hbm>>) target_semaphore(%run_scoped3A : memref<!tpu.dma_semaphore, #tpu.memory_space<semaphore_mem>>)
      %dma_wait3A_745 = tpu.memref_slice %arg9[%add3A_582] : memref<512xi32, #tpu.memory_space<hbm>> -> memref<16xi32, #tpu.memory_space<hbm>>
      %dma_wait3A_746 = tpu.memref_slice %arg9[%add3A_582] : memref<512xi32, #tpu.memory_space<hbm>> -> memref<16xi32, #tpu.memory_space<hbm>>
      tpu.wait_dma2 semaphore(%run_scoped3A : memref<!tpu.dma_semaphore, #tpu.memory_space<semaphore_mem>>) src(%arg13 : memref<16xi32, #tpu.memory_space<vmem>>) dst(%dma_wait3A_746 : memref<16xi32, #tpu.memory_space<hbm>>)
      tpu.yield
    }) : () -> ()
    %dma_start3A_603 = arith.constant 0 : i32
    %dma_start3A_604 = tpu.memref_slice %arg2[%dma_start3A_603] : memref<102400xf32, #tpu.memory_space<hbm>> -> memref<102400xf32, #tpu.memory_space<hbm>>
    tpu.enqueue_indirect_dma source(%dma_start3A_604 : memref<102400xf32, #tpu.memory_space<hbm>>) target(%arg14 : memref<16xf32, #tpu.memory_space<vmem>>) offsets(%min3A_600 : vector<16xi32>) semaphore(%arg20 : memref<!tpu.dma_semaphore, #tpu.memory_space<semaphore_mem>>)
    %dma_wait3A_605 = arith.constant 0 : i32
    %dma_wait3A_606 = tpu.memref_slice %arg2[%dma_wait3A_605] : memref<102400xf32, #tpu.memory_space<hbm>> -> memref<102400xf32, #tpu.memory_space<hbm>>
    tpu.wait_indirect_dma semaphore(%arg20 : memref<!tpu.dma_semaphore, #tpu.memory_space<semaphore_mem>>) src(%dma_wait3A_606 : memref<102400xf32, #tpu.memory_space<hbm>>) dst(%arg14 : memref<16xf32, #tpu.memory_space<vmem>>)
    %get3A_607 = arith.constant 0 : index
    %get3A_608 = tpu.vector_load %arg14[%get3A_607] {strides = array<i32>} : memref<16xf32, #tpu.memory_space<vmem>>, vector<16xf32>,
    %dma_start3A_609 = arith.constant 0 : i32
    %dma_start3A_610 = tpu.memref_slice %arg3[%dma_start3A_609] : memref<102400xi32, #tpu.memory_space<hbm>> -> memref<102400xi32, #tpu.memory_space<hbm>>
    tpu.enqueue_indirect_dma source(%dma_start3A_610 : memref<102400xi32, #tpu.memory_space<hbm>>) target(%arg13 : memref<16xi32, #tpu.memory_space<vmem>>) offsets(%min3A_600 : vector<16xi32>) semaphore(%arg20 : memref<!tpu.dma_semaphore, #tpu.memory_space<semaphore_mem>>)
    %dma_wait3A_611 = arith.constant 0 : i32
    %dma_wait3A_612 = tpu.memref_slice %arg3[%dma_wait3A_611] : memref<102400xi32, #tpu.memory_space<hbm>> -> memref<102400xi32, #tpu.memory_space<hbm>>
    tpu.wait_indirect_dma semaphore(%arg20 : memref<!tpu.dma_semaphore, #tpu.memory_space<semaphore_mem>>) src(%dma_wait3A_612 : memref<102400xi32, #tpu.memory_space<hbm>>) dst(%arg13 : memref<16xi32, #tpu.memory_space<vmem>>)
    %get3A_613 = arith.constant 0 : index
    %get3A_614 = tpu.vector_load %arg13[%get3A_613] {strides = array<i32>} : memref<16xi32, #tpu.memory_space<vmem>>, vector<16xi32>,
    %jit3A_615 = arith.constant 0 : i32
    %jit3A_616 = arith.constant 511 : i32
    %max3A_617 = vector.broadcast %jit3A_615 : i32 to vector<16xi32>
    %max3A_618 = arith.maxsi %max3A_617, %get3A_614 : vector<16xi32>
    %min3A_619 = vector.broadcast %jit3A_616 : i32 to vector<16xi32>
    %min3A_620 = arith.minsi %min3A_619, %max3A_618 : vector<16xi32>
    %dma_start3A_621 = arith.constant 0 : i32
    %dma_start3A_622 = tpu.memref_slice %arg7[%dma_start3A_621] : memref<512xi32, #tpu.memory_space<hbm>> -> memref<512xi32, #tpu.memory_space<hbm>>
    tpu.enqueue_indirect_dma source(%dma_start3A_622 : memref<512xi32, #tpu.memory_space<hbm>>) target(%arg13 : memref<16xi32, #tpu.memory_space<vmem>>) offsets(%min3A_620 : vector<16xi32>) semaphore(%arg20 : memref<!tpu.dma_semaphore, #tpu.memory_space<semaphore_mem>>)
    %dma_wait3A_623 = arith.constant 0 : i32
    %dma_wait3A_624 = tpu.memref_slice %arg7[%dma_wait3A_623] : memref<512xi32, #tpu.memory_space<hbm>> -> memref<512xi32, #tpu.memory_space<hbm>>
    tpu.wait_indirect_dma semaphore(%arg20 : memref<!tpu.dma_semaphore, #tpu.memory_space<semaphore_mem>>) src(%dma_wait3A_624 : memref<512xi32, #tpu.memory_space<hbm>>) dst(%arg13 : memref<16xi32, #tpu.memory_space<vmem>>)
    %get3A_625 = arith.constant 0 : index
    %get3A_626 = tpu.vector_load %arg13[%get3A_625] {strides = array<i32>} : memref<16xi32, #tpu.memory_space<vmem>>, vector<16xi32>,
    %ge3A_627 = arith.constant 5.000000e-01 : f32
    %ge3A_628 = vector.broadcast %ge3A_627 : f32 to vector<16xf32>
    %ge3A_629 = arith.cmpf oge, %get3A_608, %ge3A_628 : vector<16xf32>
    %jit3A_630 = arith.constant 80 : i32
    %broadcast_in_dim3A_631 = vector.broadcast %jit3A_630 : i32 to vector<16xi32>
    %select_n3A_632 = arith.select %ge3A_629, %get3A_626, %broadcast_in_dim3A_631 : vector<16xi1>, vector<16xi32>
    %swap3A_633 = arith.constant 0 : index
    %swap3A_634 = tpu.vector_load %arg13[%swap3A_633] {strides = array<i32>} : memref<16xi32, #tpu.memory_space<vmem>>, vector<16xi32>,
    tpu.vector_store %arg13[%swap3A_633], %select_n3A_632 {strides = array<i32>} : memref<16xi32, #tpu.memory_space<vmem>>, vector<16xi32>,
    "tpu.region"() ({
      %run_scoped3A = tpu.sem_alloc : memref<!tpu.dma_semaphore, #tpu.memory_space<semaphore_mem>>
      %dma_start3A_743 = tpu.memref_slice %arg10[%add3A_582] : memref<512xi32, #tpu.memory_space<hbm>> -> memref<16xi32, #tpu.memory_space<hbm>>
      %dma_start3A_744 = tpu.memref_slice %arg10[%add3A_582] : memref<512xi32, #tpu.memory_space<hbm>> -> memref<16xi32, #tpu.memory_space<hbm>>
      tpu.enqueue_dma source(%arg13 : memref<16xi32, #tpu.memory_space<vmem>>) target(%dma_start3A_744 : memref<16xi32, #tpu.memory_space<hbm>>) target_semaphore(%run_scoped3A : memref<!tpu.dma_semaphore, #tpu.memory_space<semaphore_mem>>)
      %dma_wait3A_745 = tpu.memref_slice %arg10[%add3A_582] : memref<512xi32, #tpu.memory_space<hbm>> -> memref<16xi32, #tpu.memory_space<hbm>>
      %dma_wait3A_746 = tpu.memref_slice %arg10[%add3A_582] : memref<512xi32, #tpu.memory_space<hbm>> -> memref<16xi32, #tpu.memory_space<hbm>>
      tpu.wait_dma2 semaphore(%run_scoped3A : memref<!tpu.dma_semaphore, #tpu.memory_space<semaphore_mem>>) src(%arg13 : memref<16xi32, #tpu.memory_space<vmem>>) dst(%dma_wait3A_746 : memref<16xi32, #tpu.memory_space<hbm>>)
      tpu.yield
    }) : () -> ()
    %add3A_635 = arith.constant 0 : i32
    %add3A_636 = vector.broadcast %add3A_635 : i32 to vector<16xi32>
    %add3A_637 = arith.addi %min3A_600, %add3A_636 : vector<16xi32>
    %dma_start3A_638 = arith.constant 0 : i32
    %dma_start3A_639 = tpu.memref_slice %arg5[%dma_start3A_638] : memref<409600xf32, #tpu.memory_space<hbm>> -> memref<409600xf32, #tpu.memory_space<hbm>>
    tpu.enqueue_indirect_dma source(%dma_start3A_639 : memref<409600xf32, #tpu.memory_space<hbm>>) target(%arg14 : memref<16xf32, #tpu.memory_space<vmem>>) offsets(%add3A_637 : vector<16xi32>) semaphore(%arg20 : memref<!tpu.dma_semaphore, #tpu.memory_space<semaphore_mem>>)
    %dma_wait3A_640 = arith.constant 0 : i32
    %dma_wait3A_641 = tpu.memref_slice %arg5[%dma_wait3A_640] : memref<409600xf32, #tpu.memory_space<hbm>> -> memref<409600xf32, #tpu.memory_space<hbm>>
    tpu.wait_indirect_dma semaphore(%arg20 : memref<!tpu.dma_semaphore, #tpu.memory_space<semaphore_mem>>) src(%dma_wait3A_641 : memref<409600xf32, #tpu.memory_space<hbm>>) dst(%arg14 : memref<16xf32, #tpu.memory_space<vmem>>)
    %get3A_642 = arith.constant 0 : index
    %get3A_643 = tpu.vector_load %arg14[%get3A_642] {strides = array<i32>} : memref<16xf32, #tpu.memory_space<vmem>>, vector<16xf32>,
    %swap3A_644 = arith.constant 0 : index
    %swap3A_645 = tpu.vector_load %arg14[%swap3A_644] {strides = array<i32>} : memref<16xf32, #tpu.memory_space<vmem>>, vector<16xf32>,
    tpu.vector_store %arg14[%swap3A_644], %get3A_643 {strides = array<i32>} : memref<16xf32, #tpu.memory_space<vmem>>, vector<16xf32>,
    %add3A_646 = arith.constant 0 : i32
    %add3A_647 = arith.addi %add3A_646, %add3A_582 : i32
    "tpu.region"() ({
      %run_scoped3A = tpu.sem_alloc : memref<!tpu.dma_semaphore, #tpu.memory_space<semaphore_mem>>
      %dma_start3A_743 = tpu.memref_slice %arg8[%add3A_647] : memref<4608xf32, #tpu.memory_space<hbm>> -> memref<16xf32, #tpu.memory_space<hbm>>
      %dma_start3A_744 = tpu.memref_slice %arg8[%add3A_647] : memref<4608xf32, #tpu.memory_space<hbm>> -> memref<16xf32, #tpu.memory_space<hbm>>
      tpu.enqueue_dma source(%arg14 : memref<16xf32, #tpu.memory_space<vmem>>) target(%dma_start3A_744 : memref<16xf32, #tpu.memory_space<hbm>>) target_semaphore(%run_scoped3A : memref<!tpu.dma_semaphore, #tpu.memory_space<semaphore_mem>>)
      %dma_wait3A_745 = tpu.memref_slice %arg8[%add3A_647] : memref<4608xf32, #tpu.memory_space<hbm>> -> memref<16xf32, #tpu.memory_space<hbm>>
      %dma_wait3A_746 = tpu.memref_slice %arg8[%add3A_647] : memref<4608xf32, #tpu.memory_space<hbm>> -> memref<16xf32, #tpu.memory_space<hbm>>
      tpu.wait_dma2 semaphore(%run_scoped3A : memref<!tpu.dma_semaphore, #tpu.memory_space<semaphore_mem>>) src(%arg14 : memref<16xf32, #tpu.memory_space<vmem>>) dst(%dma_wait3A_746 : memref<16xf32, #tpu.memory_space<hbm>>)
      tpu.yield
    }) : () -> ()
    %add3A_648 = arith.constant 102400 : i32
    %add3A_649 = vector.broadcast %add3A_648 : i32 to vector<16xi32>
    %add3A_650 = arith.addi %min3A_600, %add3A_649 : vector<16xi32>
    %dma_start3A_651 = arith.constant 0 : i32
    %dma_start3A_652 = tpu.memref_slice %arg5[%dma_start3A_651] : memref<409600xf32, #tpu.memory_space<hbm>> -> memref<409600xf32, #tpu.memory_space<hbm>>
    tpu.enqueue_indirect_dma source(%dma_start3A_652 : memref<409600xf32, #tpu.memory_space<hbm>>) target(%arg14 : memref<16xf32, #tpu.memory_space<vmem>>) offsets(%add3A_650 : vector<16xi32>) semaphore(%arg20 : memref<!tpu.dma_semaphore, #tpu.memory_space<semaphore_mem>>)
    %dma_wait3A_653 = arith.constant 0 : i32
    %dma_wait3A_654 = tpu.memref_slice %arg5[%dma_wait3A_653] : memref<409600xf32, #tpu.memory_space<hbm>> -> memref<409600xf32, #tpu.memory_space<hbm>>
    tpu.wait_indirect_dma semaphore(%arg20 : memref<!tpu.dma_semaphore, #tpu.memory_space<semaphore_mem>>) src(%dma_wait3A_654 : memref<409600xf32, #tpu.memory_space<hbm>>) dst(%arg14 : memref<16xf32, #tpu.memory_space<vmem>>)
    %get3A_655 = arith.constant 0 : index
    %get3A_656 = tpu.vector_load %arg14[%get3A_655] {strides = array<i32>} : memref<16xf32, #tpu.memory_space<vmem>>, vector<16xf32>,
    %swap3A_657 = arith.constant 0 : index
    %swap3A_658 = tpu.vector_load %arg14[%swap3A_657] {strides = array<i32>} : memref<16xf32, #tpu.memory_space<vmem>>, vector<16xf32>,
    tpu.vector_store %arg14[%swap3A_657], %get3A_656 {strides = array<i32>} : memref<16xf32, #tpu.memory_space<vmem>>, vector<16xf32>,
    %add3A_659 = arith.constant 512 : i32
    %add3A_660 = arith.addi %add3A_659, %add3A_582 : i32
    "tpu.region"() ({
      %run_scoped3A = tpu.sem_alloc : memref<!tpu.dma_semaphore, #tpu.memory_space<semaphore_mem>>
      %dma_start3A_743 = tpu.memref_slice %arg8[%add3A_660] : memref<4608xf32, #tpu.memory_space<hbm>> -> memref<16xf32, #tpu.memory_space<hbm>>
      %dma_start3A_744 = tpu.memref_slice %arg8[%add3A_660] : memref<4608xf32, #tpu.memory_space<hbm>> -> memref<16xf32, #tpu.memory_space<hbm>>
      tpu.enqueue_dma source(%arg14 : memref<16xf32, #tpu.memory_space<vmem>>) target(%dma_start3A_744 : memref<16xf32, #tpu.memory_space<hbm>>) target_semaphore(%run_scoped3A : memref<!tpu.dma_semaphore, #tpu.memory_space<semaphore_mem>>)
      %dma_wait3A_745 = tpu.memref_slice %arg8[%add3A_660] : memref<4608xf32, #tpu.memory_space<hbm>> -> memref<16xf32, #tpu.memory_space<hbm>>
      %dma_wait3A_746 = tpu.memref_slice %arg8[%add3A_660] : memref<4608xf32, #tpu.memory_space<hbm>> -> memref<16xf32, #tpu.memory_space<hbm>>
      tpu.wait_dma2 semaphore(%run_scoped3A : memref<!tpu.dma_semaphore, #tpu.memory_space<semaphore_mem>>) src(%arg14 : memref<16xf32, #tpu.memory_space<vmem>>) dst(%dma_wait3A_746 : memref<16xf32, #tpu.memory_space<hbm>>)
      tpu.yield
    }) : () -> ()
    %add3A_661 = arith.constant 204800 : i32
    %add3A_662 = vector.broadcast %add3A_661 : i32 to vector<16xi32>
    %add3A_663 = arith.addi %min3A_600, %add3A_662 : vector<16xi32>
    %dma_start3A_664 = arith.constant 0 : i32
    %dma_start3A_665 = tpu.memref_slice %arg5[%dma_start3A_664] : memref<409600xf32, #tpu.memory_space<hbm>> -> memref<409600xf32, #tpu.memory_space<hbm>>
    tpu.enqueue_indirect_dma source(%dma_start3A_665 : memref<409600xf32, #tpu.memory_space<hbm>>) target(%arg14 : memref<16xf32, #tpu.memory_space<vmem>>) offsets(%add3A_663 : vector<16xi32>) semaphore(%arg20 : memref<!tpu.dma_semaphore, #tpu.memory_space<semaphore_mem>>)
    %dma_wait3A_666 = arith.constant 0 : i32
    %dma_wait3A_667 = tpu.memref_slice %arg5[%dma_wait3A_666] : memref<409600xf32, #tpu.memory_space<hbm>> -> memref<409600xf32, #tpu.memory_space<hbm>>
    tpu.wait_indirect_dma semaphore(%arg20 : memref<!tpu.dma_semaphore, #tpu.memory_space<semaphore_mem>>) src(%dma_wait3A_667 : memref<409600xf32, #tpu.memory_space<hbm>>) dst(%arg14 : memref<16xf32, #tpu.memory_space<vmem>>)
    %get3A_668 = arith.constant 0 : index
    %get3A_669 = tpu.vector_load %arg14[%get3A_668] {strides = array<i32>} : memref<16xf32, #tpu.memory_space<vmem>>, vector<16xf32>,
    %swap3A_670 = arith.constant 0 : index
    %swap3A_671 = tpu.vector_load %arg14[%swap3A_670] {strides = array<i32>} : memref<16xf32, #tpu.memory_space<vmem>>, vector<16xf32>,
    tpu.vector_store %arg14[%swap3A_670], %get3A_669 {strides = array<i32>} : memref<16xf32, #tpu.memory_space<vmem>>, vector<16xf32>,
    %add3A_672 = arith.constant 1024 : i32
    %add3A_673 = arith.addi %add3A_672, %add3A_582 : i32
    "tpu.region"() ({
      %run_scoped3A = tpu.sem_alloc : memref<!tpu.dma_semaphore, #tpu.memory_space<semaphore_mem>>
      %dma_start3A_743 = tpu.memref_slice %arg8[%add3A_673] : memref<4608xf32, #tpu.memory_space<hbm>> -> memref<16xf32, #tpu.memory_space<hbm>>
      %dma_start3A_744 = tpu.memref_slice %arg8[%add3A_673] : memref<4608xf32, #tpu.memory_space<hbm>> -> memref<16xf32, #tpu.memory_space<hbm>>
      tpu.enqueue_dma source(%arg14 : memref<16xf32, #tpu.memory_space<vmem>>) target(%dma_start3A_744 : memref<16xf32, #tpu.memory_space<hbm>>) target_semaphore(%run_scoped3A : memref<!tpu.dma_semaphore, #tpu.memory_space<semaphore_mem>>)
      %dma_wait3A_745 = tpu.memref_slice %arg8[%add3A_673] : memref<4608xf32, #tpu.memory_space<hbm>> -> memref<16xf32, #tpu.memory_space<hbm>>
      %dma_wait3A_746 = tpu.memref_slice %arg8[%add3A_673] : memref<4608xf32, #tpu.memory_space<hbm>> -> memref<16xf32, #tpu.memory_space<hbm>>
      tpu.wait_dma2 semaphore(%run_scoped3A : memref<!tpu.dma_semaphore, #tpu.memory_space<semaphore_mem>>) src(%arg14 : memref<16xf32, #tpu.memory_space<vmem>>) dst(%dma_wait3A_746 : memref<16xf32, #tpu.memory_space<hbm>>)
      tpu.yield
    }) : () -> ()
    %add3A_674 = arith.constant 307200 : i32
    %add3A_675 = vector.broadcast %add3A_674 : i32 to vector<16xi32>
    %add3A_676 = arith.addi %min3A_600, %add3A_675 : vector<16xi32>
    %dma_start3A_677 = arith.constant 0 : i32
    %dma_start3A_678 = tpu.memref_slice %arg5[%dma_start3A_677] : memref<409600xf32, #tpu.memory_space<hbm>> -> memref<409600xf32, #tpu.memory_space<hbm>>
    tpu.enqueue_indirect_dma source(%dma_start3A_678 : memref<409600xf32, #tpu.memory_space<hbm>>) target(%arg14 : memref<16xf32, #tpu.memory_space<vmem>>) offsets(%add3A_676 : vector<16xi32>) semaphore(%arg20 : memref<!tpu.dma_semaphore, #tpu.memory_space<semaphore_mem>>)
    %dma_wait3A_679 = arith.constant 0 : i32
    %dma_wait3A_680 = tpu.memref_slice %arg5[%dma_wait3A_679] : memref<409600xf32, #tpu.memory_space<hbm>> -> memref<409600xf32, #tpu.memory_space<hbm>>
    tpu.wait_indirect_dma semaphore(%arg20 : memref<!tpu.dma_semaphore, #tpu.memory_space<semaphore_mem>>) src(%dma_wait3A_680 : memref<409600xf32, #tpu.memory_space<hbm>>) dst(%arg14 : memref<16xf32, #tpu.memory_space<vmem>>)
    %get3A_681 = arith.constant 0 : index
    %get3A_682 = tpu.vector_load %arg14[%get3A_681] {strides = array<i32>} : memref<16xf32, #tpu.memory_space<vmem>>, vector<16xf32>,
    %swap3A_683 = arith.constant 0 : index
    %swap3A_684 = tpu.vector_load %arg14[%swap3A_683] {strides = array<i32>} : memref<16xf32, #tpu.memory_space<vmem>>, vector<16xf32>,
    tpu.vector_store %arg14[%swap3A_683], %get3A_682 {strides = array<i32>} : memref<16xf32, #tpu.memory_space<vmem>>, vector<16xf32>,
    %add3A_685 = arith.constant 1536 : i32
    %add3A_686 = arith.addi %add3A_685, %add3A_582 : i32
    "tpu.region"() ({
      %run_scoped3A = tpu.sem_alloc : memref<!tpu.dma_semaphore, #tpu.memory_space<semaphore_mem>>
      %dma_start3A_743 = tpu.memref_slice %arg8[%add3A_686] : memref<4608xf32, #tpu.memory_space<hbm>> -> memref<16xf32, #tpu.memory_space<hbm>>
      %dma_start3A_744 = tpu.memref_slice %arg8[%add3A_686] : memref<4608xf32, #tpu.memory_space<hbm>> -> memref<16xf32, #tpu.memory_space<hbm>>
      tpu.enqueue_dma source(%arg14 : memref<16xf32, #tpu.memory_space<vmem>>) target(%dma_start3A_744 : memref<16xf32, #tpu.memory_space<hbm>>) target_semaphore(%run_scoped3A : memref<!tpu.dma_semaphore, #tpu.memory_space<semaphore_mem>>)
      %dma_wait3A_745 = tpu.memref_slice %arg8[%add3A_686] : memref<4608xf32, #tpu.memory_space<hbm>> -> memref<16xf32, #tpu.memory_space<hbm>>
      %dma_wait3A_746 = tpu.memref_slice %arg8[%add3A_686] : memref<4608xf32, #tpu.memory_space<hbm>> -> memref<16xf32, #tpu.memory_space<hbm>>
      tpu.wait_dma2 semaphore(%run_scoped3A : memref<!tpu.dma_semaphore, #tpu.memory_space<semaphore_mem>>) src(%arg14 : memref<16xf32, #tpu.memory_space<vmem>>) dst(%dma_wait3A_746 : memref<16xf32, #tpu.memory_space<hbm>>)
      tpu.yield
    }) : () -> ()
    %add3A_687 = arith.constant 0 : i32
    %add3A_688 = vector.broadcast %add3A_687 : i32 to vector<16xi32>
    %add3A_689 = arith.addi %min3A_620, %add3A_688 : vector<16xi32>
    %dma_start3A_690 = arith.constant 0 : i32
    %dma_start3A_691 = tpu.memref_slice %arg6[%dma_start3A_690] : memref<2048xf32, #tpu.memory_space<hbm>> -> memref<2048xf32, #tpu.memory_space<hbm>>
    tpu.enqueue_indirect_dma source(%dma_start3A_691 : memref<2048xf32, #tpu.memory_space<hbm>>) target(%arg14 : memref<16xf32, #tpu.memory_space<vmem>>) offsets(%add3A_689 : vector<16xi32>) semaphore(%arg20 : memref<!tpu.dma_semaphore, #tpu.memory_space<semaphore_mem>>)
    %dma_wait3A_692 = arith.constant 0 : i32
    %dma_wait3A_693 = tpu.memref_slice %arg6[%dma_wait3A_692] : memref<2048xf32, #tpu.memory_space<hbm>> -> memref<2048xf32, #tpu.memory_space<hbm>>
    tpu.wait_indirect_dma semaphore(%arg20 : memref<!tpu.dma_semaphore, #tpu.memory_space<semaphore_mem>>) src(%dma_wait3A_693 : memref<2048xf32, #tpu.memory_space<hbm>>) dst(%arg14 : memref<16xf32, #tpu.memory_space<vmem>>)
    %get3A_694 = arith.constant 0 : index
    %get3A_695 = tpu.vector_load %arg14[%get3A_694] {strides = array<i32>} : memref<16xf32, #tpu.memory_space<vmem>>, vector<16xf32>,
    %swap3A_696 = arith.constant 0 : index
    %swap3A_697 = tpu.vector_load %arg14[%swap3A_696] {strides = array<i32>} : memref<16xf32, #tpu.memory_space<vmem>>, vector<16xf32>,
    tpu.vector_store %arg14[%swap3A_696], %get3A_695 {strides = array<i32>} : memref<16xf32, #tpu.memory_space<vmem>>, vector<16xf32>,
    %add3A_698 = arith.constant 2048 : i32
    %add3A_699 = arith.addi %add3A_698, %add3A_582 : i32
    "tpu.region"() ({
      %run_scoped3A = tpu.sem_alloc : memref<!tpu.dma_semaphore, #tpu.memory_space<semaphore_mem>>
      %dma_start3A_743 = tpu.memref_slice %arg8[%add3A_699] : memref<4608xf32, #tpu.memory_space<hbm>> -> memref<16xf32, #tpu.memory_space<hbm>>
      %dma_start3A_744 = tpu.memref_slice %arg8[%add3A_699] : memref<4608xf32, #tpu.memory_space<hbm>> -> memref<16xf32, #tpu.memory_space<hbm>>
      tpu.enqueue_dma source(%arg14 : memref<16xf32, #tpu.memory_space<vmem>>) target(%dma_start3A_744 : memref<16xf32, #tpu.memory_space<hbm>>) target_semaphore(%run_scoped3A : memref<!tpu.dma_semaphore, #tpu.memory_space<semaphore_mem>>)
      %dma_wait3A_745 = tpu.memref_slice %arg8[%add3A_699] : memref<4608xf32, #tpu.memory_space<hbm>> -> memref<16xf32, #tpu.memory_space<hbm>>
      %dma_wait3A_746 = tpu.memref_slice %arg8[%add3A_699] : memref<4608xf32, #tpu.memory_space<hbm>> -> memref<16xf32, #tpu.memory_space<hbm>>
      tpu.wait_dma2 semaphore(%run_scoped3A : memref<!tpu.dma_semaphore, #tpu.memory_space<semaphore_mem>>) src(%arg14 : memref<16xf32, #tpu.memory_space<vmem>>) dst(%dma_wait3A_746 : memref<16xf32, #tpu.memory_space<hbm>>)
      tpu.yield
    }) : () -> ()
    %add3A_700 = arith.constant 512 : i32
    %add3A_701 = vector.broadcast %add3A_700 : i32 to vector<16xi32>
    %add3A_702 = arith.addi %min3A_620, %add3A_701 : vector<16xi32>
    %dma_start3A_703 = arith.constant 0 : i32
    %dma_start3A_704 = tpu.memref_slice %arg6[%dma_start3A_703] : memref<2048xf32, #tpu.memory_space<hbm>> -> memref<2048xf32, #tpu.memory_space<hbm>>
    tpu.enqueue_indirect_dma source(%dma_start3A_704 : memref<2048xf32, #tpu.memory_space<hbm>>) target(%arg14 : memref<16xf32, #tpu.memory_space<vmem>>) offsets(%add3A_702 : vector<16xi32>) semaphore(%arg20 : memref<!tpu.dma_semaphore, #tpu.memory_space<semaphore_mem>>)
    %dma_wait3A_705 = arith.constant 0 : i32
    %dma_wait3A_706 = tpu.memref_slice %arg6[%dma_wait3A_705] : memref<2048xf32, #tpu.memory_space<hbm>> -> memref<2048xf32, #tpu.memory_space<hbm>>
    tpu.wait_indirect_dma semaphore(%arg20 : memref<!tpu.dma_semaphore, #tpu.memory_space<semaphore_mem>>) src(%dma_wait3A_706 : memref<2048xf32, #tpu.memory_space<hbm>>) dst(%arg14 : memref<16xf32, #tpu.memory_space<vmem>>)
    %get3A_707 = arith.constant 0 : index
    %get3A_708 = tpu.vector_load %arg14[%get3A_707] {strides = array<i32>} : memref<16xf32, #tpu.memory_space<vmem>>, vector<16xf32>,
    %swap3A_709 = arith.constant 0 : index
    %swap3A_710 = tpu.vector_load %arg14[%swap3A_709] {strides = array<i32>} : memref<16xf32, #tpu.memory_space<vmem>>, vector<16xf32>,
    tpu.vector_store %arg14[%swap3A_709], %get3A_708 {strides = array<i32>} : memref<16xf32, #tpu.memory_space<vmem>>, vector<16xf32>,
    %add3A_711 = arith.constant 2560 : i32
    %add3A_712 = arith.addi %add3A_711, %add3A_582 : i32
    "tpu.region"() ({
      %run_scoped3A = tpu.sem_alloc : memref<!tpu.dma_semaphore, #tpu.memory_space<semaphore_mem>>
      %dma_start3A_743 = tpu.memref_slice %arg8[%add3A_712] : memref<4608xf32, #tpu.memory_space<hbm>> -> memref<16xf32, #tpu.memory_space<hbm>>
      %dma_start3A_744 = tpu.memref_slice %arg8[%add3A_712] : memref<4608xf32, #tpu.memory_space<hbm>> -> memref<16xf32, #tpu.memory_space<hbm>>
      tpu.enqueue_dma source(%arg14 : memref<16xf32, #tpu.memory_space<vmem>>) target(%dma_start3A_744 : memref<16xf32, #tpu.memory_space<hbm>>) target_semaphore(%run_scoped3A : memref<!tpu.dma_semaphore, #tpu.memory_space<semaphore_mem>>)
      %dma_wait3A_745 = tpu.memref_slice %arg8[%add3A_712] : memref<4608xf32, #tpu.memory_space<hbm>> -> memref<16xf32, #tpu.memory_space<hbm>>
      %dma_wait3A_746 = tpu.memref_slice %arg8[%add3A_712] : memref<4608xf32, #tpu.memory_space<hbm>> -> memref<16xf32, #tpu.memory_space<hbm>>
      tpu.wait_dma2 semaphore(%run_scoped3A : memref<!tpu.dma_semaphore, #tpu.memory_space<semaphore_mem>>) src(%arg14 : memref<16xf32, #tpu.memory_space<vmem>>) dst(%dma_wait3A_746 : memref<16xf32, #tpu.memory_space<hbm>>)
      tpu.yield
    }) : () -> ()
    %add3A_713 = arith.constant 1024 : i32
    %add3A_714 = vector.broadcast %add3A_713 : i32 to vector<16xi32>
    %add3A_715 = arith.addi %min3A_620, %add3A_714 : vector<16xi32>
    %dma_start3A_716 = arith.constant 0 : i32
    %dma_start3A_717 = tpu.memref_slice %arg6[%dma_start3A_716] : memref<2048xf32, #tpu.memory_space<hbm>> -> memref<2048xf32, #tpu.memory_space<hbm>>
    tpu.enqueue_indirect_dma source(%dma_start3A_717 : memref<2048xf32, #tpu.memory_space<hbm>>) target(%arg14 : memref<16xf32, #tpu.memory_space<vmem>>) offsets(%add3A_715 : vector<16xi32>) semaphore(%arg20 : memref<!tpu.dma_semaphore, #tpu.memory_space<semaphore_mem>>)
    %dma_wait3A_718 = arith.constant 0 : i32
    %dma_wait3A_719 = tpu.memref_slice %arg6[%dma_wait3A_718] : memref<2048xf32, #tpu.memory_space<hbm>> -> memref<2048xf32, #tpu.memory_space<hbm>>
    tpu.wait_indirect_dma semaphore(%arg20 : memref<!tpu.dma_semaphore, #tpu.memory_space<semaphore_mem>>) src(%dma_wait3A_719 : memref<2048xf32, #tpu.memory_space<hbm>>) dst(%arg14 : memref<16xf32, #tpu.memory_space<vmem>>)
    %get3A_720 = arith.constant 0 : index
    %get3A_721 = tpu.vector_load %arg14[%get3A_720] {strides = array<i32>} : memref<16xf32, #tpu.memory_space<vmem>>, vector<16xf32>,
    %swap3A_722 = arith.constant 0 : index
    %swap3A_723 = tpu.vector_load %arg14[%swap3A_722] {strides = array<i32>} : memref<16xf32, #tpu.memory_space<vmem>>, vector<16xf32>,
    tpu.vector_store %arg14[%swap3A_722], %get3A_721 {strides = array<i32>} : memref<16xf32, #tpu.memory_space<vmem>>, vector<16xf32>,
    %add3A_724 = arith.constant 3072 : i32
    %add3A_725 = arith.addi %add3A_724, %add3A_582 : i32
    "tpu.region"() ({
      %run_scoped3A = tpu.sem_alloc : memref<!tpu.dma_semaphore, #tpu.memory_space<semaphore_mem>>
      %dma_start3A_743 = tpu.memref_slice %arg8[%add3A_725] : memref<4608xf32, #tpu.memory_space<hbm>> -> memref<16xf32, #tpu.memory_space<hbm>>
      %dma_start3A_744 = tpu.memref_slice %arg8[%add3A_725] : memref<4608xf32, #tpu.memory_space<hbm>> -> memref<16xf32, #tpu.memory_space<hbm>>
      tpu.enqueue_dma source(%arg14 : memref<16xf32, #tpu.memory_space<vmem>>) target(%dma_start3A_744 : memref<16xf32, #tpu.memory_space<hbm>>) target_semaphore(%run_scoped3A : memref<!tpu.dma_semaphore, #tpu.memory_space<semaphore_mem>>)
      %dma_wait3A_745 = tpu.memref_slice %arg8[%add3A_725] : memref<4608xf32, #tpu.memory_space<hbm>> -> memref<16xf32, #tpu.memory_space<hbm>>
      %dma_wait3A_746 = tpu.memref_slice %arg8[%add3A_725] : memref<4608xf32, #tpu.memory_space<hbm>> -> memref<16xf32, #tpu.memory_space<hbm>>
      tpu.wait_dma2 semaphore(%run_scoped3A : memref<!tpu.dma_semaphore, #tpu.memory_space<semaphore_mem>>) src(%arg14 : memref<16xf32, #tpu.memory_space<vmem>>) dst(%dma_wait3A_746 : memref<16xf32, #tpu.memory_space<hbm>>)
      tpu.yield
    }) : () -> ()
    %add3A_726 = arith.constant 1536 : i32
    %add3A_727 = vector.broadcast %add3A_726 : i32 to vector<16xi32>
    %add3A_728 = arith.addi %min3A_620, %add3A_727 : vector<16xi32>
    %dma_start3A_729 = arith.constant 0 : i32
    %dma_start3A_730 = tpu.memref_slice %arg6[%dma_start3A_729] : memref<2048xf32, #tpu.memory_space<hbm>> -> memref<2048xf32, #tpu.memory_space<hbm>>
    tpu.enqueue_indirect_dma source(%dma_start3A_730 : memref<2048xf32, #tpu.memory_space<hbm>>) target(%arg14 : memref<16xf32, #tpu.memory_space<vmem>>) offsets(%add3A_728 : vector<16xi32>) semaphore(%arg20 : memref<!tpu.dma_semaphore, #tpu.memory_space<semaphore_mem>>)
    %dma_wait3A_731 = arith.constant 0 : i32
    %dma_wait3A_732 = tpu.memref_slice %arg6[%dma_wait3A_731] : memref<2048xf32, #tpu.memory_space<hbm>> -> memref<2048xf32, #tpu.memory_space<hbm>>
    tpu.wait_indirect_dma semaphore(%arg20 : memref<!tpu.dma_semaphore, #tpu.memory_space<semaphore_mem>>) src(%dma_wait3A_732 : memref<2048xf32, #tpu.memory_space<hbm>>) dst(%arg14 : memref<16xf32, #tpu.memory_space<vmem>>)
    %get3A_733 = arith.constant 0 : index
    %get3A_734 = tpu.vector_load %arg14[%get3A_733] {strides = array<i32>} : memref<16xf32, #tpu.memory_space<vmem>>, vector<16xf32>,
    %swap3A_735 = arith.constant 0 : index
    %swap3A_736 = tpu.vector_load %arg14[%swap3A_735] {strides = array<i32>} : memref<16xf32, #tpu.memory_space<vmem>>, vector<16xf32>,
    tpu.vector_store %arg14[%swap3A_735], %get3A_734 {strides = array<i32>} : memref<16xf32, #tpu.memory_space<vmem>>, vector<16xf32>,
    %add3A_737 = arith.constant 3584 : i32
    %add3A_738 = arith.addi %add3A_737, %add3A_582 : i32
    "tpu.region"() ({
      %run_scoped3A = tpu.sem_alloc : memref<!tpu.dma_semaphore, #tpu.memory_space<semaphore_mem>>
      %dma_start3A_743 = tpu.memref_slice %arg8[%add3A_738] : memref<4608xf32, #tpu.memory_space<hbm>> -> memref<16xf32, #tpu.memory_space<hbm>>
      %dma_start3A_744 = tpu.memref_slice %arg8[%add3A_738] : memref<4608xf32, #tpu.memory_space<hbm>> -> memref<16xf32, #tpu.memory_space<hbm>>
      tpu.enqueue_dma source(%arg14 : memref<16xf32, #tpu.memory_space<vmem>>) target(%dma_start3A_744 : memref<16xf32, #tpu.memory_space<hbm>>) target_semaphore(%run_scoped3A : memref<!tpu.dma_semaphore, #tpu.memory_space<semaphore_mem>>)
      %dma_wait3A_745 = tpu.memref_slice %arg8[%add3A_738] : memref<4608xf32, #tpu.memory_space<hbm>> -> memref<16xf32, #tpu.memory_space<hbm>>
      %dma_wait3A_746 = tpu.memref_slice %arg8[%add3A_738] : memref<4608xf32, #tpu.memory_space<hbm>> -> memref<16xf32, #tpu.memory_space<hbm>>
      tpu.wait_dma2 semaphore(%run_scoped3A : memref<!tpu.dma_semaphore, #tpu.memory_space<semaphore_mem>>) src(%arg14 : memref<16xf32, #tpu.memory_space<vmem>>) dst(%dma_wait3A_746 : memref<16xf32, #tpu.memory_space<hbm>>)
      tpu.yield
    }) : () -> ()
    %swap3A_739 = arith.constant 0 : index
    %swap3A_740 = tpu.vector_load %arg14[%swap3A_739] {strides = array<i32>} : memref<16xf32, #tpu.memory_space<vmem>>, vector<16xf32>,
    tpu.vector_store %arg14[%swap3A_739], %get3A_608 {strides = array<i32>} : memref<16xf32, #tpu.memory_space<vmem>>, vector<16xf32>,
    %add3A_741 = arith.constant 4096 : i32
    %add3A_742 = arith.addi %add3A_741, %add3A_582 : i32
    "tpu.region"() ({
      %run_scoped3A = tpu.sem_alloc : memref<!tpu.dma_semaphore, #tpu.memory_space<semaphore_mem>>
      %dma_start3A_743 = tpu.memref_slice %arg8[%add3A_742] : memref<4608xf32, #tpu.memory_space<hbm>> -> memref<16xf32, #tpu.memory_space<hbm>>
      %dma_start3A_744 = tpu.memref_slice %arg8[%add3A_742] : memref<4608xf32, #tpu.memory_space<hbm>> -> memref<16xf32, #tpu.memory_space<hbm>>
      tpu.enqueue_dma source(%arg14 : memref<16xf32, #tpu.memory_space<vmem>>) target(%dma_start3A_744 : memref<16xf32, #tpu.memory_space<hbm>>) target_semaphore(%run_scoped3A : memref<!tpu.dma_semaphore, #tpu.memory_space<semaphore_mem>>)
      %dma_wait3A_745 = tpu.memref_slice %arg8[%add3A_742] : memref<4608xf32, #tpu.memory_space<hbm>> -> memref<16xf32, #tpu.memory_space<hbm>>
      %dma_wait3A_746 = tpu.memref_slice %arg8[%add3A_742] : memref<4608xf32, #tpu.memory_space<hbm>> -> memref<16xf32, #tpu.memory_space<hbm>>
      tpu.wait_dma2 semaphore(%run_scoped3A : memref<!tpu.dma_semaphore, #tpu.memory_space<semaphore_mem>>) src(%arg14 : memref<16xf32, #tpu.memory_space<vmem>>) dst(%dma_wait3A_746 : memref<16xf32, #tpu.memory_space<hbm>>)
      tpu.yield
    }) : () -> ()
    return
  }
}

module attributes {stable_mosaic.version = 14 : i64} {
  func.func @_match_body(%arg0: i32, %arg1: memref<8x1024xf32, #tpu.memory_space<vmem>>, %arg2: memref<512x8xf32, #tpu.memory_space<vmem>>, %arg3: memref<1x1024xf32, #tpu.memory_space<vmem>>, %arg4: memref<1x1024xi32, #tpu.memory_space<vmem>>) attributes {dimension_semantics = [#tpu.dimension_semantics<arbitrary>], iteration_bounds = array<i64: 100>, scalar_prefetch = 0 : i64, scratch_operands = 0 : i64, tpu.core_type = #tpu.core_type<tc>, window_params = [{transform_indices = @transform_0, window_bounds = array<i64: 8, 1024>}, {pipeline_mode = #tpu.pipeline_mode<synchronous>, transform_indices = @transform_1, window_bounds = array<i64: 512, 8>}, {transform_indices = @transform_2, window_bounds = array<i64: 1, 1024>}, {transform_indices = @transform_3, window_bounds = array<i64: 1, 1024>}]} {
    %get3A = arith.constant 0 : index
    %get3A_0 = arith.constant 0 : index
    %get3A_1 = vector.load %arg1[%get3A, %get3A_0] : memref<8x1024xf32, #tpu.memory_space<vmem>>, vector<1x1024xf32>
    %get3A_2 = arith.constant 1 : index
    %get3A_3 = arith.constant 0 : index
    %get3A_4 = vector.load %arg1[%get3A_2, %get3A_3] : memref<8x1024xf32, #tpu.memory_space<vmem>>, vector<1x1024xf32>
    %get3A_5 = arith.constant 2 : index
    %get3A_6 = arith.constant 0 : index
    %get3A_7 = vector.load %arg1[%get3A_5, %get3A_6] : memref<8x1024xf32, #tpu.memory_space<vmem>>, vector<1x1024xf32>
    %get3A_8 = arith.constant 3 : index
    %get3A_9 = arith.constant 0 : index
    %get3A_10 = vector.load %arg1[%get3A_8, %get3A_9] : memref<8x1024xf32, #tpu.memory_space<vmem>>, vector<1x1024xf32>
    %get3A_11 = arith.constant 0 : index
    %get3A_12 = arith.constant 0 : index
    %get3A_13 = vector.load %arg2[%get3A_11, %get3A_12] : memref<512x8xf32, #tpu.memory_space<vmem>>, vector<512x1xf32>
    %get3A_14 = arith.constant 0 : index
    %get3A_15 = arith.constant 1 : index
    %get3A_16 = vector.load %arg2[%get3A_14, %get3A_15] : memref<512x8xf32, #tpu.memory_space<vmem>>, vector<512x1xf32>
    %get3A_17 = arith.constant 0 : index
    %get3A_18 = arith.constant 2 : index
    %get3A_19 = vector.load %arg2[%get3A_17, %get3A_18] : memref<512x8xf32, #tpu.memory_space<vmem>>, vector<512x1xf32>
    %get3A_20 = arith.constant 0 : index
    %get3A_21 = arith.constant 3 : index
    %get3A_22 = vector.load %arg2[%get3A_20, %get3A_21] : memref<512x8xf32, #tpu.memory_space<vmem>>, vector<512x1xf32>
    %get3A_23 = arith.constant 0 : index
    %get3A_24 = arith.constant 4 : index
    %get3A_25 = vector.load %arg2[%get3A_23, %get3A_24] : memref<512x8xf32, #tpu.memory_space<vmem>>, vector<512x1xf32>
    %sub3A = arith.subf %get3A_7, %get3A_1 : vector<1x1024xf32>
    %sub3A_26 = arith.subf %get3A_10, %get3A_4 : vector<1x1024xf32>
    %mul3A = arith.mulf %sub3A, %sub3A_26 : vector<1x1024xf32>
    %min3A = vector.broadcast %get3A_19 : vector<512x1xf32> to vector<512x1024xf32>
    %min3A_27 = vector.broadcast %get3A_7 : vector<1x1024xf32> to vector<512x1024xf32>
    %min3A_28 = arith.minimumf %min3A, %min3A_27 : vector<512x1024xf32>
    %max3A = vector.broadcast %get3A_13 : vector<512x1xf32> to vector<512x1024xf32>
    %max3A_29 = vector.broadcast %get3A_1 : vector<1x1024xf32> to vector<512x1024xf32>
    %max3A_30 = arith.maximumf %max3A, %max3A_29 : vector<512x1024xf32>
    %sub3A_31 = arith.subf %min3A_28, %max3A_30 : vector<512x1024xf32>
    %jit3A = arith.constant 0.000000e+00 : f32
    %max3A_32 = vector.broadcast %jit3A : f32 to vector<512x1024xf32>
    %max3A_33 = arith.maximumf %max3A_32, %sub3A_31 : vector<512x1024xf32>
    %min3A_34 = vector.broadcast %get3A_22 : vector<512x1xf32> to vector<512x1024xf32>
    %min3A_35 = vector.broadcast %get3A_10 : vector<1x1024xf32> to vector<512x1024xf32>
    %min3A_36 = arith.minimumf %min3A_34, %min3A_35 : vector<512x1024xf32>
    %max3A_37 = vector.broadcast %get3A_16 : vector<512x1xf32> to vector<512x1024xf32>
    %max3A_38 = vector.broadcast %get3A_4 : vector<1x1024xf32> to vector<512x1024xf32>
    %max3A_39 = arith.maximumf %max3A_37, %max3A_38 : vector<512x1024xf32>
    %sub3A_40 = arith.subf %min3A_36, %max3A_39 : vector<512x1024xf32>
    %jit3A_41 = arith.constant 0.000000e+00 : f32
    %max3A_42 = vector.broadcast %jit3A_41 : f32 to vector<512x1024xf32>
    %max3A_43 = arith.maximumf %max3A_42, %sub3A_40 : vector<512x1024xf32>
    %mul3A_44 = arith.mulf %max3A_33, %max3A_43 : vector<512x1024xf32>
    %add3A = vector.broadcast %get3A_25 : vector<512x1xf32> to vector<512x1024xf32>
    %add3A_45 = vector.broadcast %mul3A : vector<1x1024xf32> to vector<512x1024xf32>
    %add3A_46 = arith.addf %add3A, %add3A_45 : vector<512x1024xf32>
    %sub3A_47 = arith.subf %add3A_46, %mul3A_44 : vector<512x1024xf32>
    %div3A = arith.divf %mul3A_44, %sub3A_47 : vector<512x1024xf32>
    %reduce_max3A = arith.constant dense<0xFF800000> : vector<1024xf32>
    %reduce_max3A_48 = vector.multi_reduction <maximumf>, %div3A, %reduce_max3A [0] : vector<512x1024xf32> to vector<1024xf32>
    %broadcast_in_dim3A = vector.shape_cast %reduce_max3A_48 : vector<1024xf32> to vector<1x1024xf32>
    %iota3A = tpu.iota {dimensions = array<i32: 0>} : vector<512x1024xi32>
    %eq3A = vector.broadcast %broadcast_in_dim3A : vector<1x1024xf32> to vector<512x1024xf32>
    %eq3A_49 = arith.cmpf oeq, %div3A, %eq3A : vector<512x1024xf32>
    %jit3A_50 = arith.constant 512 : i32
    %broadcast_in_dim3A_51 = vector.broadcast %jit3A_50 : i32 to vector<512x1024xi32>
    %select_n3A = arith.select %eq3A_49, %iota3A, %broadcast_in_dim3A_51 : vector<512x1024xi1>, vector<512x1024xi32>
    %reduce_min3A = arith.constant dense<2147483647> : vector<1024xi32>
    %reduce_min3A_52 = vector.multi_reduction <minsi>, %select_n3A, %reduce_min3A [0] : vector<512x1024xi32> to vector<1024xi32>
    %broadcast_in_dim3A_53 = vector.shape_cast %reduce_min3A_52 : vector<1024xi32> to vector<1x1024xi32>
    %swap3A = arith.constant 0 : index
    %swap3A_54 = arith.constant 0 : index
    %swap3A_55 = vector.load %arg3[%swap3A, %swap3A_54] : memref<1x1024xf32, #tpu.memory_space<vmem>>, vector<1x1024xf32>
    tpu.vector_store %arg3[%swap3A, %swap3A_54], %broadcast_in_dim3A {strides = array<i32>} : memref<1x1024xf32, #tpu.memory_space<vmem>>, vector<1x1024xf32>,
    %swap3A_56 = arith.constant 0 : index
    %swap3A_57 = arith.constant 0 : index
    %swap3A_58 = vector.load %arg4[%swap3A_56, %swap3A_57] : memref<1x1024xi32, #tpu.memory_space<vmem>>, vector<1x1024xi32>
    tpu.vector_store %arg4[%swap3A_56, %swap3A_57], %broadcast_in_dim3A_53 {strides = array<i32>} : memref<1x1024xi32, #tpu.memory_space<vmem>>, vector<1x1024xi32>,
    return
  }
  func.func @transform_0(%arg0: i32) -> (i32, i32) {
    %c0_i32 = arith.constant 0 : i32
    %c0_i32_0 = arith.constant 0 : i32
    return %c0_i32, %arg0 : i32, i32
  }
  func.func @transform_1(%arg0: i32) -> (i32, i32) {
    %c0_i32 = arith.constant 0 : i32
    %c0_i32_0 = arith.constant 0 : i32
    %c0_i32_1 = arith.constant 0 : i32
    return %c0_i32, %c0_i32_0 : i32, i32
  }
  func.func @transform_2(%arg0: i32) -> (i32, i32) {
    %c0_i32 = arith.constant 0 : i32
    %c0_i32_0 = arith.constant 0 : i32
    return %c0_i32, %arg0 : i32, i32
  }
  func.func @transform_3(%arg0: i32) -> (i32, i32) {
    %c0_i32 = arith.constant 0 : i32
    %c0_i32_0 = arith.constant 0 : i32
    return %c0_i32, %arg0 : i32, i32
  }
}

</mosaic_0001>

<sc_bundles>
// kernel: kernel.4.cloned.1.call-start
scs
__scs_entry_jumppad:
0x0: {  	(pc) =	sbr.rel $0x88, $3  }
0x1: {  	(tag) =	ssettag $0x0;
	lr =	simm.s32 $0x1  }
0x2: {  	[smem:$0x3F9E] =	sst lr;
	_ =	strace $0xD0000000  }
0x3: {  	_ = 	snop  }
0x4: {  	_ = 	snop  }
0x5: {  	_ = 	snop  }
0x6: {  	_ = 	snop  }
0x7: {  	_ = 	snop  }
__scs_overlays_trampoline_lowered:
0x8: {  	[smem:$0x3FAD] =	sst s0  }
0x9: {  	[smem:$0x3FAE] =	sst s1  }
0xa: {  	[smem:$0x3FAF] =	sst s2  }
0xb: {  	[smem:$0x3FB0] =	sst s3  }
0xc: {  	[smem:$0x3FB1] =	sst s4  }
0xd: {  	[smem:$0x3FB2] =	sst s5  }
0xe: {  	[smem:$0x3FB3] =	sst s6  }
0xf: {  	[smem:$0x3FB4] =	sst s7  }
0x10: {  	[smem:$0x3FB5] =	sst s8  }
0x11: {  	[smem:$0x3FB6] =	sst s9;
	s0 =	simm.s32 @!p0 $0x0  }
0x12: {  	s1 =	sld [smem:$0x3F9C];
	s0 =	simm.s32 @p0 $0x1  }
0x13: {  	[smem:$0x3FB7] =	sst s0;
	s0 =	simm.s32 @!p1 $0x0  }
0x14: {  	s2 =	sld [smem:$0x3F9B];
	s0 =	simm.s32 @p1 $0x1  }
0x15: {  	[smem:$0x3FB8] =	sst s0;
	s0 =	simm.s32 @!p2 $0x0  }
0x16: {  	s3 =	sld [smem:$0x3FDB];
	s0 =	simm.s32 @p2 $0x1  }
0x17: {  	s4 =	simm.s32 $0x1BF5;
	[smem:$0x3FBA] =	sst s0  }
0x18: {  	s0 =	sld [smem:$0x3F9D];
	_ =	swait.ge [sflag:s4], $0x0  }
0x19: {  	s7 =	sld [smem:$0x3F9E]  }
0x1a: {  	s8 =	sadd.s32 $0xFFFFE003, lr  }
0x1b: {  	s9 =	sadd.s32 $0xFFFFFEF7, lr;
	s5 =	simm.s32 $0xFFFFFFFF;
	p2 =	slt.u32 s8, $0xFFFFF086  }
0x1c: {  	p1 =	slt.u32 s9, $0xF7A;
	s5 =	simm.s32 @!p2 $0x0  }
0x1d: {  	s5 =	simm.s32 @p1 $0x1;
	p0 =	seq.s32 s7, s2  }
0x1e: {  	s7 =	smul.u32 @!p0 $0xF7A, s2;
	p2 =	seq.s32 @!p0 s5, $0x0  }
0x1f: {  	s9 =	smul.u32 $0xF7A, s1;
	s8 =	simm.s32 @!p0 $0x1BF5;
	p2 =	por !p2, p0  }
0x20: {  	[sflag:s8] =	ssyncset.s32 @!p0 $0xFFFFF086;
	s6 =	sadd.s32 @!p0 s3, s7;
	s7 =	simm.s32 @!p0 $0x108  }
0x21: {  	s3 =	sadd.s32 s3, s9;
	s6 =	sadd.s32 @!p0 $0x88, s6;
	s7 =	simm.s32 @p2 $0x1082  }
0x22: {  	[simem:s7], [sflag:s8] =	dma.local @!p0 [hbm:s6], $0xF7A  }
0x23: {  	s9 =	sor.u32 $0xD0000000, s2;
	s6 =	simm.s32 $0x108;
	_ =	swait.ge @!p0 [sflag:s8], $0x0  }
0x24: {  	s3 =	sadd.s32 $0x88, s3;
	s6 =	simm.s32 @!p1 $0x1082;
	[sflag:s4] =	ssyncset.s32 $0xFFFFF086  }
0x25: {  	[simem:s6], [sflag:s4] =	dma.local [hbm:s3], $0xF7A  }
0x26: {  	[smem:$0x3F9E] =	sst s1;
	(tag) =	ssettag s2;
	_ =	strace s9  }
0x27: {  	s1 =	sld [smem:$0x3FAE]  }
0x28: {  	s2 =	sld [smem:$0x3FAF]  }
0x29: {  	s4 =	sld [smem:$0x3FB1]  }
0x2a: {  	p0 =	seq.s32 s5, $0x0;
	s5 =	sld [smem:$0x3FB2]  }
0x2b: {  	s6 =	sld [smem:$0x3FB3]  }
0x2c: {  	s7 =	sld [smem:$0x3FB4]  }
0x2d: {  	s3 =	simm.s32 $0x108;
	s8 =	sld [smem:$0x3FB5]  }
0x2e: {  	s3 =	simm.s32 @!p0 $0x1082;
	s9 =	sld [smem:$0x3FB6]  }
0x2f: {  	lr =	sadd.s32 s0, s3;
	s0 =	sld [smem:$0x3FAD]  }
0x30: {  	s3 =	sld [smem:$0x3FB0]  }
0x31: {  	[smem:$0x3FB9] =	sst s10  }
0x32: {  	s10 =	sld [smem:$0x3FB7];
	_ =	sdelay $0x3  }
0x33: {  	p0 =	seq.s32 s10, $0x1;
	s10 =	sld [smem:$0x3FB9];
	_ =	sdelay $0x3  }
0x34: {  	[smem:$0x3FB9] =	sst s10  }
0x35: {  	s10 =	sld [smem:$0x3FB8];
	_ =	sdelay $0x3  }
0x36: {  	p1 =	seq.s32 s10, $0x1;
	s10 =	sld [smem:$0x3FB9];
	_ =	sdelay $0x3  }
0x37: {  	[smem:$0x3FB9] =	sst s10  }
0x38: {  	s10 =	sld [smem:$0x3FBA]  }
0x39: {  	_ = 	snop;
	(pc) =	sbr.ind lr, $3  }
0x3a: {  	_ = 	snop  }
0x3b: {  	_ = 	snop  }
0x3c: {  	p2 =	seq.s32 s10, $0x1;
	s10 =	sld [smem:$0x3FB9]  }
0x3d: {  	_ =	shalt  }
0x3e: {  	_ =	shalt  }
0x3f: {  	_ =	shalt  }
0x40: {  	_ =	shalt  }
0x41: {  	_ =	shalt  }
0x42: {  	_ =	shalt  }
0x43: {  	_ =	shalt  }
0x44: {  	_ =	shalt  }
0x45: {  	_ =	shalt  }
0x46: {  	_ =	shalt  }
0x47: {  	_ =	shalt  }
0x48: {  	_ =	shalt  }
0x49: {  	_ =	shalt  }
0x4a: {  	_ =	shalt  }
0x4b: {  	_ =	shalt  }
0x4c: {  	_ =	shalt  }
0x4d: {  	_ =	shalt  }
0x4e: {  	_ =	shalt  }
0x4f: {  	_ =	shalt  }
0x50: {  	_ =	shalt  }
0x51: {  	_ =	shalt  }
0x52: {  	_ =	shalt  }
0x53: {  	_ =	shalt  }
0x54: {  	_ =	shalt  }
0x55: {  	_ =	shalt  }
0x56: {  	_ =	shalt  }
0x57: {  	_ =	shalt  }
0x58: {  	_ =	shalt  }
0x59: {  	_ =	shalt  }
0x5a: {  	_ =	shalt  }
0x5b: {  	_ =	shalt  }
0x5c: {  	_ =	shalt  }
0x5d: {  	_ =	shalt  }
0x5e: {  	_ =	shalt  }
0x5f: {  	_ =	shalt  }
0x60: {  	_ =	shalt  }
0x61: {  	_ =	shalt  }
0x62: {  	_ =	shalt  }
0x63: {  	_ =	shalt  }
0x64: {  	_ =	shalt  }
0x65: {  	_ =	shalt  }
0x66: {  	_ =	shalt  }
0x67: {  	_ =	shalt  }
0x68: {  	_ =	shalt  }
0x69: {  	_ =	shalt  }
0x6a: {  	_ =	shalt  }
0x6b: {  	_ =	shalt  }
0x6c: {  	_ =	shalt  }
0x6d: {  	_ =	shalt  }
0x6e: {  	_ =	shalt  }
0x6f: {  	_ =	shalt  }
0x70: {  	_ =	shalt  }
0x71: {  	_ =	shalt  }
0x72: {  	_ =	shalt  }
0x73: {  	_ =	shalt  }
0x74: {  	_ =	shalt  }
0x75: {  	_ =	shalt  }
0x76: {  	_ =	shalt  }
0x77: {  	_ =	shalt  }
0x78: {  	_ =	shalt  }
0x79: {  	_ =	shalt  }
0x7a: {  	_ =	shalt  }
0x7b: {  	_ =	shalt  }
0x7c: {  	_ =	shalt  }
0x7d: {  	_ =	shalt  }
0x7e: {  	_ =	shalt  }
0x7f: {  	_ =	shalt  }
0x80: {  	_ =	shalt  }
0x81: {  	_ =	shalt  }
0x82: {  	_ =	shalt  }
0x83: {  	_ =	shalt  }
0x84: {  	_ =	shalt  }
0x85: {  	_ =	shalt  }
0x86: {  	_ =	shalt  }
0x87: {  	_ =	shalt  }
.Lfunc_end0:
.L_simem_size_0:
called_computation_lowered:
.L_overlay_start_0:
0x88: {  	s2 =	sld [smem:$0x3FD9]  }
0x89: {  	s3 =	sld [smem:$0x3FFE];
	_ =	sdelay $0x1  }
0x8a: {  	s1 =	srdreg.scid  }
0x8b: {  	s0 =	sand.u32 $0x1, s1  }
0x8c: {  	s14 =	sshll.u32 s0, $0xA;
	s2 =	sadd.s32 s3, s2  }
0x8d: {  	s2 =	sadd.s32 s2, s14  }
0x8e: {  	[smem:$0x3FC5] =	sst s2  }
0x8f: {  	_ = 	snop  }
0x90: {  	s2 =	sld [smem:$0x3FD0];
	_ =	sdelay $0x2  }
0x91: {  	s15 =	simm.s32 $0xA;
	s4 =	simm.s32 $0x10  }
0x92: {  	[smem:s4], [sflag:s15] =	dma.local [hbm:s2], $0x1  }
0x93: {  	_ =	swait.eq [sflag:s15], $0x1  }
0x94: {  	s16 =	sld [smem:$0x10];
	[sflag:s15] =	ssyncset.done $0x0  }
0x95: {  	s17 =	sld [smem:$0x11];
	[sflag:s15] =	ssyncadd.s32 $0xFFFFFFFF  }
0x96: {  	s18 =	sld [smem:$0x12];
	(tm) =	ssettm $0x1  }
0x97: {  	s5 =	sld [smem:$0x3FFB];
	_ =	sdelay $0x3  }
0x98: {  	_ =	strace s5  }
0x99: {  	s5 =	sld [smem:$0x3FFC];
	_ =	sdelay $0x3  }
0x9a: {  	_ =	strace s5  }
0x9b: {  	s5 =	sld [smem:$0x3FFD];
	_ =	sdelay $0x3  }
0x9c: {  	_ =	strace s5  }
0x9d: {  	_ =	strace $0x8FFFFFFF  }
0x9e: {  	s19 =	sld [smem:$0x3FDB];
	_ =	sdelay $0x1  }
0x9f: {  	s6 =	simm.s32 $_scs_section_size  }
0xa0: {  	s7 =	simm.s32 $_size__tile_overlayer_lowered;
	s8 =	simm.s32 $_tile_overlayer_lowered  }
0xa1: {  	s22 =	simm.s32 $0x1BFF;
	s21 =	sshll.u32 s8, $0x1;
	s5 =	sadd.s32 s6, s19  }
0xa2: {  	s9 =	simm.s32 $0x0;
	s20 =	sshll.u32 s7, $0x1;
	s7 =	sadd.s32 s21, s5  }
0xa3: {  	[timem:s9], [sflag:s22] =	dma.local [hbm:s7], s20  }
0xa4: {  	_ =	swait.ge [sflag:s22], s20  }
0xa5: {  	s6 =	ssub.s32 $0x0, s20;
	[sflag:s22] =	ssyncset.done $0x0  }
0xa6: {  	[sflag:s22] =	ssyncadd.s32 s6;
	_ =	sdelay $0x1  }
0xa7: {  	s23 =	simm.s32 $0x1B8B  }
0xa8: {  	_ =	swait.ge [sflag:s23], $0x1  }
0xa9: {  	[sflag:s23] =	ssyncset.done $0x0  }
0xaa: {  	s25 =	simm.s32 $0x1B8E;
	s24 =	sld [smem:$0x3FFE];
	[sflag:s23] =	ssyncadd.s32 $0xFFFFFFFF  }
0xab: {  	s26 =	simm.s32 $execute0_lowered;
	[smem:$0x3FD2] =	sst s25  }
0xac: {  	s7 =	sshll.u32 s26, $0x1;
	_ =	strace $0x80000046;
	[dreg:$0x1] =	wrdreg $0xFFFFFFFF  }
0xad: {  	s28 =	simm.s32 $_size_execute0_lowered;
	s5 =	sadd.s32 s5, s7;
	[dreg:$0x0] =	wrdreg $0x0  }
0xae: {  	s7 =	sshll.u32 s28, $0x1;
	[dreg:$0x2] =	wrdreg s5  }
0xaf: {  	[dreg:$0x3] =	wrdreg s7  }
0xb0: {  	[dreg:$0x4] =	wrdreg $0xC0  }
0xb1: {  	_ =	task [dreg:s9], $0x5FFFF  }
0xb2: {  	[dreg:$0x1] =	wrdreg $0xFFFFFFFF  }
0xb3: {  	[dreg:$0x0] =	wrdreg $0x60  }
0xb4: {  	[dreg:$0x2] =	wrdreg s24  }
0xb5: {  	[dreg:$0x3] =	wrdreg s16  }
0xb6: {  	[dreg:$0x4] =	wrdreg s17  }
0xb7: {  	[dreg:$0x5] =	wrdreg s18  }
0xb8: {  	[dreg:$0x6] =	wrdreg $0x3E000  }
0xb9: {  	[dreg:$0x7] =	wrdreg $0x3E100  }
0xba: {  	[dreg:$0x8] =	wrdreg $0x9  }
0xbb: {  	_ =	task.clear_ibuf [dreg:s9], $0x9FFFF;
	_ =	strace $0x90000046  }
0xbc: {  	s29 =	simm.s32 $0x9;
	_ =	strace $0x80000048  }
0xbd: {  	_ =	swait.ge [sflag:s29], $0x1  }
0xbe: {  	[sflag:s29] =	ssyncadd.s32 $0xFFFFFFFF  }
0xbf: {  	_ =	strace $0x90000048  }
0xc0: {  	_ =	sfence  }
0xc1: {  	s30 =	sld [smem:$0x0];
	_ =	sdelay $0x2  }
0xc2: {  	s31 =	sshll.u32 s1, $0xD;
	s1 =	sshrl.u32 s1, $0x2  }
0xc3: {  	s3 =	sand.u32 $0x4000, s31;
	s1 =	sadd.s32 s1, s30  }
0xc4: {  	s0 =	sor.u32 s3, s0;
	s1 =	sshll.u32 s1, $0x11  }
0xc5: {  	s0 =	sor.u32 s1, s0  }
0xc6: {  	s0 =	sadd.s32 $0x8F2B, s0  }
0xc7: {  	[sflag:s0] =	ssyncadd.remote.s32 $0x1  }
0xc8: {  	_ =	sfence.sel $0xFFFF  }
0xc9: {  	[dreg:$0x0] =	wrdreg $0xFFFFFFFF;
	(pc) =	sbr.abs _section_cstart, $3  }
0xca: {  	[dreg:$0x1] =	wrdreg $0xFFFFFFFF  }
0xcb: {  	_ =	task.clear_ibuf [dreg:s9], $0x2FFFF;
	_ =	strace $0x9FFFFFFF  }
0xcc: {  	(tm) =	ssettm $0x7FFFFFFF  }
0xcd: {  	_ =	shalt  }
tec
execute0_lowered:
.L_overlay_start_1:
0x0: {  	(tag) =	ssettag $0x1  }
0x1: {  	s0 =	rddreg [dreg:$0x0]  }
0x2: {  	s1 =	rddreg [dreg:$0x1]  }
0x3: {  	s2 =	rddreg [dreg:$0x2]  }
0x4: {  	s4 =	rddreg [dreg:$0x3]  }
0x5: {  	s25 =	rddreg [dreg:$0x4]  }
0x6: {  	s8 =	rddreg [dreg:$0x5];
	s3 =	simm.s32 $0x0;
	s9 =	srdreg.scid  }
0x7: {  	s15 =	stileid.u32;
	[smem:$0x7FF] =	sst s3  }
0x8: {  	s5 =	sadd.s32 $0xE000, s0;
	s6 =	sadd.s32 $0x11200, s0;
	s7 =	sadd.s32 $0x14600, s0  }
0x9: {  	s11 =	sand.u32 $0x1, s9;
	s13 =	smul.u32 $0x1900, s15;
	s9 =	sadd.s32 $0x1800, s0  }
0xa: {  	s10 =	sadd.s32 $0x14400, s0;
	s14 =	smul.u32 $0x840, s15;
	s0 =	sadd.s32 $0x17800, s0  }
0xb: {  	s17 =	sshll.u32 s15, $0x5;
	s20 =	sshll.u32 s15, $0x2;
	p3 =	seq.s32 s15, $0xF  }
0xc: {  	_ =	strace $0x80000047;
	s11 =	ssub.s32 $0x2, s11;
	s18 =	sor.u32 $0x210, s17  }
0xd: {  	s22 =	sor.u32 $0x2, s20;
	s21 =	sadd.s32 s4, s20;
	[dreg:$0x7] =	wrdreg s13  }
0xe: {  	s23 =	sadd.s32 s0, s20;
	s16 =	sshrl.u32 s14, $0x2;
	[dreg:$0x8] =	wrdreg s21  }
0xf: {  	s14 =	sadd.s32 s17, s8;
	s4 =	sadd.s32 s4, s22;
	[dreg:$0x9] =	wrdreg s23  }
0x10: {  	s30 =	sadd.s32 s18, s8;
	s24 =	sadd.s32 s2, s22;
	[dreg:$0xb] =	wrdreg s4  }
0x11: {  	s29 =	sadd.s32 s16, s8;
	s8 =	sadd.s32 s0, s22;
	[dreg:$0xa] =	wrdreg s24  }
0x12: {  	s19 =	sadd.s32 s2, s20;
	s16 =	sadd.s32 $0x630, s14;
	[dreg:$0xc] =	wrdreg s8  }
0x13: {  	s12 =	sshrl.u32 s11, $0x1;
	s20 =	sadd.s32 $0xA50, s14;
	[dreg:$0xe] =	wrdreg s16  }
0x14: {  	s13 =	sshrl.u32 s13, $0x3;
	s22 =	sadd.s32 $0xC60, s14;
	[dreg:$0x11] =	wrdreg s20  }
0x15: {  	s11 =	ssub.s32 s11, s12;
	s2 =	sadd.s32 $0xE70, s14;
	[dreg:$0x12] =	wrdreg s22  }
0x16: {  	s26 =	sadd.s32 s7, s13;
	s4 =	sadd.s32 $0x1080, s14;
	[dreg:$0x13] =	wrdreg s2  }
0x17: {  	s13 =	sshll.u32 s15, $0x7;
	s12 =	sadd.s32 $0x16B0, s14;
	[dreg:$0x14] =	wrdreg s4  }
0x18: {  	s28 =	sadd.s32 s13, s25;
	s17 =	smax.u32 s11, $0x1;
	[dreg:$0x17] =	wrdreg s12  }
0x19: {  	s13 =	sshrl.u32 s18, $0x3;
	s18 =	sadd.s32 $0x840, s14;
	[dreg:$0xf] =	wrdreg s17  }
0x1a: {  	p4 =	sgt.u32 s15, $0xD;
	s8 =	sadd.s32 $0x1290, s14;
	[dreg:$0x10] =	wrdreg s18  }
0x1b: {  	p5 =	sgt.u32 s15, $0xC;
	s11 =	sadd.s32 $0x14A0, s14;
	[dreg:$0x15] =	wrdreg s8  }
0x1c: {  	p6 =	sgt.u32 s15, $0xB;
	s16 =	sadd.s32 $0x1CE0, s14;
	[dreg:$0x16] =	wrdreg s11  }
0x1d: {  	p0 =	sgt.u32 s15, $0xA;
	s20 =	sadd.s32 $0x80, s23;
	[dreg:$0x1a] =	wrdreg s16  }
0x1e: {  	p1 =	sgt.u32 s15, $0x9;
	s22 =	sadd.s32 $0xC0, s23;
	[dreg:$0x1d] =	wrdreg s20  }
0x1f: {  	s31 =	sadd.s32 $0x420, s14;
	s2 =	sadd.s32 $0x100, s23;
	[dreg:$0x1e] =	wrdreg s22  }
0x20: {  	s4 =	sadd.s32 $0x140, s23;
	s12 =	sadd.s32 $0x200, s23;
	[dreg:$0x1f] =	wrdreg s2  }
0x21: {  	s0 =	sadd.s32 s0, s13;
	s13 =	sadd.s32 $0x18C0, s14;
	[smem:$0x7F2] =	sst s4  }
0x22: {  	s17 =	sadd.s32 $0x1EF0, s14;
	s18 =	sadd.s32 $0x40, s23;
	[smem:$0x7F5] =	sst s12  }
0x23: {  	s8 =	sadd.s32 $0x180, s23;
	s11 =	sadd.s32 $0x1C0, s23;
	[dreg:$0xd] =	wrdreg s0  }
0x24: {  	s16 =	sadd.s32 $0x102, s23;
	s20 =	sadd.s32 $0x1C2, s23;
	[dreg:$0x18] =	wrdreg s13  }
0x25: {  	s22 =	sadd.s32 $0x202, s23;
	s4 =	simm.s32 $0x80;
	[dreg:$0x1b] =	wrdreg s17  }
0x26: {  	s2 =	simm.s32 $0x3200;
	s0 =	simm.s32 @!p1 $0x0;
	[dreg:$0x1c] =	wrdreg s18  }
0x27: {  	[smem:$0x7F3] =	sst s8;
	s0 =	simm.s32 @p1 $0x1;
	p1 =	sgt.u32 s15, $0x8  }
0x28: {  	s12 =	simm.s32 $0x3D80;
	[smem:$0x7E8] =	sst s0;
	s0 =	simm.s32 @!p1 $0x0  }
0x29: {  	[smem:$0x7F4] =	sst s11;
	s0 =	simm.s32 @p1 $0x1;
	p1 =	sgt.u32 s15, $0x7  }
0x2a: {  	s13 =	sadd.s32 $0x82, s23;
	[smem:$0x7E9] =	sst s0;
	s0 =	simm.s32 @!p1 $0x0  }
0x2b: {  	[smem:$0x7F8] =	sst s16;
	s0 =	simm.s32 @p1 $0x1;
	p1 =	sgt.u32 s15, $0x6  }
0x2c: {  	s17 =	sadd.s32 $0x142, s23;
	[smem:$0x7EA] =	sst s0;
	s0 =	simm.s32 @!p1 $0x0  }
0x2d: {  	[smem:$0x7FB] =	sst s20;
	s0 =	simm.s32 @p1 $0x1;
	p1 =	sgt.u32 s15, $0x5  }
0x2e: {  	s18 =	sadd.s32 $0x182, s23;
	[smem:$0x7EB] =	sst s0;
	s0 =	simm.s32 @!p1 $0x0  }
0x2f: {  	[smem:$0x7FC] =	sst s22;
	s0 =	simm.s32 @p1 $0x1;
	p1 =	sgt.u32 s15, $0x4  }
0x30: {  	s8 =	simm.s32 $0x1;
	[smem:$0x7EC] =	sst s0;
	s0 =	simm.s32 @!p1 $0x0  }
0x31: {  	[smem:$0x7F6] =	sst s13;
	s0 =	simm.s32 @p1 $0x1;
	p1 =	sgt.u32 s15, $0x3  }
0x32: {  	s11 =	simm.s32 $0x3B00;
	[smem:$0x7ED] =	sst s0;
	s0 =	simm.s32 @!p1 $0x0  }
0x33: {  	[smem:$0x7F9] =	sst s17;
	s0 =	simm.s32 @p1 $0x1;
	p1 =	sgt.u32 s15, $0x2  }
0x34: {  	s16 =	simm.s32 @!p0 $0x0;
	[smem:$0x7EE] =	sst s0;
	s0 =	simm.s32 @!p1 $0x0  }
0x35: {  	[smem:$0x7FA] =	sst s18;
	s0 =	simm.s32 @p1 $0x1;
	p1 =	sgt.u32 s15, $0x1  }
0x36: {  	s16 =	simm.s32 @p0 $0x1;
	[smem:$0x7EF] =	sst s0;
	s0 =	simm.s32 @!p1 $0x0  }
.Ltmp0:
0x37: {  	[smem:$0x7FD] =	sst s16;
	s0 =	simm.s32 @p1 $0x1;
	(pc) =	sbr.rel .LBB2_1-.Ltmp0, $4  }
0x38: {  	p1 =	seq.s32 s15, $0x0;
	s15 =	sadd.s32 $0x1AD0, s14;
	[smem:$0x7F0] =	sst s0  }
0x39: {  	s0 =	simm.s32 @!p1 $0x0;
	[dreg:$0x19] =	wrdreg s15;
	s15 =	sadd.s32 $0xC2, s23  }
0x3a: {  	v0 =	vimm.s32 $0x0;
	vm0 =	vcmask $0x300;
	v1 =	vlaneseq.u32;
	s13 =	simm.s32 $0x3280;
	s0 =	simm.s32 @p1 $0x1;
	[smem:$0x7F7] =	sst s15  }
0x3b: {  	vm1 =	vcmask $0x704;
	vm2 =	vmmov $0xffff;
	v2 =	vor.u32 $0x200, v1;
	s15 =	simm.s32 $0x0;
	[smem:$0x7F1] =	sst s0;
	s0 =	simm.s32 $0x2  }
.LBB2_7:
0x3c: {  	s16 =	smov.u32 s23  }
0x3d: {  	s24 =	smov.u32 s17;
	s17 =	smov.u32 s20;
	s18 =	smov.u32 s22  }
.LBB2_14:
0x3e: {  	vm5 =	vmor @p1 vm3, vm4;
	v4 =	vsel @p1 vm4, v4, v2  }
0x3f: {  	v3 =	vsel @p1 vm3, v3, v4;
	_ =	sdelay $0x1  }
0x40: {  	s16 =	sadd.s32 @p2 $0x10, s16;
	s21 =	smov.u32 s23  }
0x41: {  	s21 =	smov.u32 @p2 s16  }
0x42: {  	v4 =	vor.u32 @p1 s21, v1  }
0x43: {  	s24 =	sshra.s32 s24, $0x2;
	[tilespmem:v3+s11+$0x0] =	vst.idx.msk @p1 vm5, v4  }
0x44: {  	v3 =	vld [tilespmem:s24+$0x1900];
	_ =	sdelay $0x4  }
0x45: {  	vm3 =	vge.f32 v3, $5.000000000e-01  }
0x46: {  	v3 =	vsel vm3, $0x1, v0  }
0x47: {  	(xrf0) =	vadd.scan.msk.s32 $0xffff, v3;
	_ =	sdelay $0x1  }
0x48: {  	vm14 =	vmneg vm3  }
0x49: {  	v3 =	vsel vm14, $0x1, v0;
	_ =	sdelay $0x2  }
0x4a: {  	s16 =	spop @p1 (v2sf);
	(xrf0) =	vadd.scan.msk.s32 $0xffff, v3;
	v3, _, _ =	vpop (xrf0)  }
0x4b: {  	s18 =	ssub.s32 @p1 s18, s16;
	(v2sf) =	vpush v3, $0xF  }
0x4c: {  	s16 =	sadd.s32 @p1 s17, s16;
	s17 =	sadd.s32 @p1 $0x10, s18  }
0x4d: {  	s20 =	smov.u32 @p1 s16;
	s22 =	smov.u32 @p1 s17  }
0x4e: {  	v61 =	vmov s20;
	v5 =	vmov s22  }
0x4f: {  	v4 =	vadd.s32 $0xFFFFFFFF, v61;
	v5 =	vadd.s32 $0x7F, v5  }
0x50: {  	v4 =	vbroadcast v4, $0x0;
	v5 =	vbroadcast v5, $0x0  }
0x51: {  	v6, _, _ =	vpop (xrf0)  }
0x52: {  	v3 =	vadd.s32 v3, v4;
	v62 =	vadd.s32 v6, v5  }
0x53: {  	vm15 =	vlt.s32 v3, $0x80;
	vm6 =	vlt.s32 v62, $0x200  }
0x54: {  	vm3 =	vmand vm3, vm15;
	vm4 =	vmand vm6, vm14  }
0x55: {  	vm5 =	vmor vm3, vm4;
	v4 =	vsel vm4, v62, v2  }
0x56: {  	v3 =	vsel vm3, v3, v4  }
0x57: {  	s16 =	sadd.s32 @p1 $0x10, s21  }
0x58: {  	s23 =	smov.u32 @p1 s16;
	s16 =	sld [smem:$0x7FD]  }
0x59: {  	p3 =	por p4, p4;
	p4 =	por p5, p5;
	s21 =	rddreg [dreg:$0x8]  }
0x5a: {  	p5 =	por p6, p6;
	v63 =	vor.u32 s23, v1;
	s23 =	rddreg [dreg:$0x9];
	s24 =	spop (v2sf)  }
0x5b: {  	p6 =	por p0, p0;
	p0 =	seq.s32 s16, $0x1;
	[tilespmem:v3+s11+$0x0] =	vst.idx.msk vm5, v63;
	s24 =	rddreg [dreg:$0xa]  }
.LBB2_15:
0x5c: {  	[spmem:s29] =	stream.linear.scatter [tilespmem:s11], [sflag:$0x2], $0x210, $0x38;
	[tilespmem:$0x4020] =	vst v63  }
0x5d: {  	_ =	swait.ge [sflag:s0], $0x210  }
0x5e: {  	[sflag:s0] =	ssyncset.done $0x0  }
0x5f: {  	[sflag:s0] =	ssyncadd.s32 $0xFFFFFDF0  }
0x60: {  	[bflag:$0x0] =	sbarrier.arrive $0xFFFF  }
0x61: {  	[tilespmem:s12], [sflag:$0x2] =	stream.linear.gather [spmem:s14], $0x20, $0x38;
	[tilespmem:$0x4020] =	vst v63  }
0x62: {  	_ =	swait.ge [sflag:s0], $0x20  }
0x63: {  	[sflag:s0] =	ssyncset.done $0x0  }
0x64: {  	[sflag:s0] =	ssyncadd.s32 $0xFFFFFFE0  }
0x65: {  	v17 =	vld [tilespmem:$0x3D80]  }
0x66: {  	v3 =	vld [tilespmem:$0x3D90];
	[tilespmem:s12], [sflag:$0x2] =	stream.linear.gather [spmem:s30], $0x20, $0x38  }
0x67: {  	_ =	swait.ge [sflag:s0], $0x20  }
0x68: {  	[sflag:s0] =	ssyncset.done $0x0  }
0x69: {  	[sflag:s0] =	ssyncadd.s32 $0xFFFFFFE0  }
0x6a: {  	v18 =	vld [tilespmem:$0x3D80]  }
0x6b: {  	v4 =	vld [tilespmem:$0x3D90];
	[tilespmem:s12], [sflag:$0x2] =	stream.linear.gather [spmem:s31], $0x20, $0x38  }
0x6c: {  	_ =	swait.ge [sflag:s0], $0x20  }
0x6d: {  	[sflag:s0] =	ssyncset.done $0x0  }
0x6e: {  	[sflag:s0] =	ssyncadd.s32 $0xFFFFFFE0  }
0x6f: {  	s16 =	rddreg [dreg:$0xe];
	v19 =	vld [tilespmem:$0x3D80]  }
0x70: {  	v5 =	vld [tilespmem:$0x3D90];
	[tilespmem:s12], [sflag:$0x2] =	stream.linear.gather [spmem:s16], $0x20, $0x38  }
0x71: {  	_ =	swait.ge [sflag:s0], $0x20  }
0x72: {  	[sflag:s0] =	ssyncset.done $0x0  }
0x73: {  	[sflag:s0] =	ssyncadd.s32 $0xFFFFFFE0  }
0x74: {  	s18 =	rddreg [dreg:$0x10];
	v20 =	vld [tilespmem:$0x3D80]  }
0x75: {  	v6 =	vld [tilespmem:$0x3D90];
	[tilespmem:s12], [sflag:$0x2] =	stream.linear.gather [spmem:s18], $0x20, $0x38  }
0x76: {  	_ =	swait.ge [sflag:s0], $0x20  }
0x77: {  	[sflag:s0] =	ssyncset.done $0x0  }
0x78: {  	[sflag:s0] =	ssyncadd.s32 $0xFFFFFFE0  }
0x79: {  	s20 =	rddreg [dreg:$0x11];
	v21 =	vld [tilespmem:$0x3D80]  }
0x7a: {  	v7 =	vld [tilespmem:$0x3D90];
	[tilespmem:s12], [sflag:$0x2] =	stream.linear.gather [spmem:s20], $0x20, $0x38  }
0x7b: {  	_ =	swait.ge [sflag:s0], $0x20  }
0x7c: {  	[sflag:s0] =	ssyncset.done $0x0  }
0x7d: {  	[sflag:s0] =	ssyncadd.s32 $0xFFFFFFE0  }
0x7e: {  	s22 =	rddreg [dreg:$0x12];
	v22 =	vld [tilespmem:$0x3D80]  }
0x7f: {  	v8 =	vld [tilespmem:$0x3D90];
	[tilespmem:s12], [sflag:$0x2] =	stream.linear.gather [spmem:s22], $0x20, $0x38  }
0x80: {  	_ =	swait.ge [sflag:s0], $0x20  }
0x81: {  	[sflag:s0] =	ssyncset.done $0x0  }
0x82: {  	[sflag:s0] =	ssyncadd.s32 $0xFFFFFFE0  }
0x83: {  	s17 =	rddreg [dreg:$0x13];
	v23 =	vld [tilespmem:$0x3D80]  }
0x84: {  	v9 =	vld [tilespmem:$0x3D90];
	[tilespmem:s12], [sflag:$0x2] =	stream.linear.gather [spmem:s17], $0x20, $0x38  }
0x85: {  	_ =	swait.ge [sflag:s0], $0x20  }
0x86: {  	[sflag:s0] =	ssyncset.done $0x0  }
0x87: {  	[sflag:s0] =	ssyncadd.s32 $0xFFFFFFE0  }
0x88: {  	s18 =	rddreg [dreg:$0x14];
	v24 =	vld [tilespmem:$0x3D80]  }
0x89: {  	v10 =	vld [tilespmem:$0x3D90];
	[tilespmem:s12], [sflag:$0x2] =	stream.linear.gather [spmem:s18], $0x20, $0x38  }
0x8a: {  	_ =	swait.ge [sflag:s0], $0x20  }
0x8b: {  	[sflag:s0] =	ssyncset.done $0x0  }
0x8c: {  	[sflag:s0] =	ssyncadd.s32 $0xFFFFFFE0  }
0x8d: {  	s20 =	rddreg [dreg:$0x15];
	v25 =	vld [tilespmem:$0x3D80]  }
0x8e: {  	v11 =	vld [tilespmem:$0x3D90];
	[tilespmem:s12], [sflag:$0x2] =	stream.linear.gather [spmem:s20], $0x20, $0x38  }
0x8f: {  	_ =	swait.ge [sflag:s0], $0x20  }
0x90: {  	[sflag:s0] =	ssyncset.done $0x0  }
0x91: {  	[sflag:s0] =	ssyncadd.s32 $0xFFFFFFE0  }
0x92: {  	s22 =	rddreg [dreg:$0x16];
	v26 =	vld [tilespmem:$0x3D80]  }
0x93: {  	v12 =	vld [tilespmem:$0x3D90];
	[tilespmem:s12], [sflag:$0x2] =	stream.linear.gather [spmem:s22], $0x20, $0x38  }
0x94: {  	_ =	swait.ge [sflag:s0], $0x20  }
0x95: {  	[sflag:s0] =	ssyncset.done $0x0  }
0x96: {  	[sflag:s0] =	ssyncadd.s32 $0xFFFFFFE0  }
0x97: {  	s17 =	rddreg [dreg:$0x17];
	v27 =	vld [tilespmem:$0x3D80]  }
0x98: {  	v13 =	vld [tilespmem:$0x3D90];
	[tilespmem:s12], [sflag:$0x2] =	stream.linear.gather [spmem:s17], $0x20, $0x38  }
0x99: {  	_ =	swait.ge [sflag:s0], $0x20  }
0x9a: {  	[sflag:s0] =	ssyncset.done $0x0  }
0x9b: {  	[sflag:s0] =	ssyncadd.s32 $0xFFFFFFE0  }
0x9c: {  	s18 =	rddreg [dreg:$0x18];
	v28 =	vld [tilespmem:$0x3D80]  }
0x9d: {  	v14 =	vld [tilespmem:$0x3D90];
	[tilespmem:s12], [sflag:$0x2] =	stream.linear.gather [spmem:s18], $0x20, $0x38  }
0x9e: {  	_ =	swait.ge [sflag:s0], $0x20  }
0x9f: {  	[sflag:s0] =	ssyncset.done $0x0  }
0xa0: {  	[sflag:s0] =	ssyncadd.s32 $0xFFFFFFE0  }
0xa1: {  	s20 =	rddreg [dreg:$0x19];
	v29 =	vld [tilespmem:$0x3D80]  }
0xa2: {  	v15 =	vld [tilespmem:$0x3D90];
	[tilespmem:s12], [sflag:$0x2] =	stream.linear.gather [spmem:s20], $0x20, $0x38  }
0xa3: {  	_ =	swait.ge [sflag:s0], $0x20  }
0xa4: {  	[sflag:s0] =	ssyncset.done $0x0  }
0xa5: {  	[sflag:s0] =	ssyncadd.s32 $0xFFFFFFE0  }
0xa6: {  	s22 =	rddreg [dreg:$0x1a];
	v30 =	vld [tilespmem:$0x3D80]  }
0xa7: {  	v17 =	vadd.s32 v17, v18;
	v16 =	vld [tilespmem:$0x3D90];
	[tilespmem:s12], [sflag:$0x2] =	stream.linear.gather [spmem:s22], $0x20, $0x38  }
0xa8: {  	v17 =	vadd.s32 v19, v17;
	_ =	swait.ge [sflag:s0], $0x20  }
0xa9: {  	v17 =	vadd.s32 v20, v17;
	[sflag:s0] =	ssyncset.done $0x0  }
0xaa: {  	v17 =	vadd.s32 v21, v17;
	[sflag:s0] =	ssyncadd.s32 $0xFFFFFFE0  }
0xab: {  	v46 =	vadd.s32 v22, v17;
	s17 =	rddreg [dreg:$0x1b];
	v45 =	vld [tilespmem:$0x3D80]  }
0xac: {  	v19 =	vadd.s32 v23, v46;
	v47 =	vld [tilespmem:$0x3D90];
	[tilespmem:s12], [sflag:$0x2] =	stream.linear.gather [spmem:s17], $0x20, $0x38  }
0xad: {  	v19 =	vadd.s32 v24, v19;
	_ =	swait.ge [sflag:s0], $0x20  }
0xae: {  	v19 =	vadd.s32 v25, v19;
	[sflag:s0] =	ssyncset.done $0x0  }
0xaf: {  	v19 =	vadd.s32 v26, v19;
	[sflag:s0] =	ssyncadd.s32 $0xFFFFFFE0  }
0xb0: {  	v19 =	vadd.s32 v27, v19;
	v48 =	vld [tilespmem:$0x3D80]  }
0xb1: {  	v19 =	vadd.s32 v28, v19  }
0xb2: {  	v19 =	vadd.s32 v29, v19  }
0xb3: {  	v19 =	vadd.s32 v30, v19  }
0xb4: {  	v18 =	vadd.s32 v45, v19  }
0xb5: {  	v18 =	vadd.s32 v48, v18  }
0xb6: {  	vm3 =	vgt.s32 v18, $0x0  }
0xb7: {  	v18 =	vnsel vm3, $0x0, v18  }
0xb8: {  	v18 =	vmin.u32 v18, $0x18FFF;
	_ =	sdelay $0x4  }
0xb9: {  	v49 =	vld [tilespmem:$0x3D90];
	[tilespmem:s2], [sflag:$0x1] =	stream.indirect_vreg.gather [hbm4b:s7+s3], $0x1, v18, vm2, $0xb8  }
0xba: {  	_ =	swait.ge [sflag:s8], $0x10  }
0xbb: {  	[sflag:s8] =	ssyncset.done $0x0  }
0xbc: {  	[sflag:s8] =	ssyncadd.s32 $0xFFFFFFF0  }
0xbd: {  	v50 =	vld [tilespmem:$0x3200];
	_ =	sdelay $0x4  }
0xbe: {  	vm3 =	vgt.s32 v50, $0x0  }
0xbf: {  	v18 =	vnsel vm3, $0x0, v50  }
0xc0: {  	v18 =	vmin.u32 v18, $0x18FFF  }
0xc1: {  	[tilespmem:$0x3200] =	vst v18  }
0xc2: {  	[hbm4b:s19+s3] =	stream.linear.scatter [tilespmem:s2], [sflag:$0x2], $0x10, $0x38;
	[tilespmem:$0x4020] =	vst v63  }
0xc3: {  	_ =	swait.ge [sflag:s0], $0x10  }
0xc4: {  	[sflag:s0] =	ssyncset.done $0x0  }
0xc5: {  	[sflag:s0] =	ssyncadd.s32 $0xFFFFFFF0  }
0xc6: {  	[tilespmem:s13], [sflag:$0x1] =	stream.indirect_vreg.gather [hbm4b:s5+s3], $0x1, v18, vm2, $0xb8;
	[tilespmem:$0x4020] =	vst v63  }
0xc7: {  	_ =	swait.ge [sflag:s8], $0x10  }
0xc8: {  	[sflag:s8] =	ssyncset.done $0x0  }
0xc9: {  	[sflag:s8] =	ssyncadd.s32 $0xFFFFFFF0  }
0xca: {  	v51 =	vld [tilespmem:$0x3280];
	[tilespmem:s2], [sflag:$0x1] =	stream.indirect_vreg.gather [hbm4b:s6+s3], $0x1, v18, vm2, $0xb8  }
0xcb: {  	_ =	swait.ge [sflag:s8], $0x10  }
0xcc: {  	[sflag:s8] =	ssyncset.done $0x0  }
0xcd: {  	[sflag:s8] =	ssyncadd.s32 $0xFFFFFFF0  }
0xce: {  	v52 =	vld [tilespmem:$0x3200];
	_ =	sdelay $0x4  }
0xcf: {  	vm3 =	vgt.s32 v52, $0x0  }
0xd0: {  	v21 =	vnsel vm3, $0x0, v52  }
0xd1: {  	v21 =	vmin.u32 v21, $0x1FF;
	_ =	sdelay $0x4  }
0xd2: {  	[tilespmem:s2], [sflag:$0x1] =	stream.indirect_vreg.gather [hbm4b:s10+s3], $0x1, v21, vm2, $0xb8;
	[tilespmem:$0x4020] =	vst v63  }
0xd3: {  	_ =	swait.ge [sflag:s8], $0x10  }
0xd4: {  	[sflag:s8] =	ssyncset.done $0x0  }
0xd5: {  	[sflag:s8] =	ssyncadd.s32 $0xFFFFFFF0  }
0xd6: {  	v53 =	vld [tilespmem:$0x3200];
	_ =	sdelay $0x3  }
0xd7: {  	vm3 =	vge.f32 v51, $5.000000000e-01  }
0xd8: {  	v22 =	vnsel vm3, $0x50, v53  }
0xd9: {  	[tilespmem:$0x3200] =	vst v22  }
0xda: {  	[hbm4b:s21+s3] =	stream.linear.scatter [tilespmem:s2], [sflag:$0x2], $0x10, $0x38;
	[tilespmem:$0x4020] =	vst v63  }
0xdb: {  	_ =	swait.ge [sflag:s0], $0x10  }
0xdc: {  	[sflag:s0] =	ssyncset.done $0x0  }
0xdd: {  	[sflag:s0] =	ssyncadd.s32 $0xFFFFFFF0  }
0xde: {  	[tilespmem:s13], [sflag:$0x1] =	stream.indirect_vreg.gather [hbm4b:s9+s3], $0x1, v18, vm2, $0xb8;
	[tilespmem:$0x4020] =	vst v63  }
0xdf: {  	_ =	swait.ge [sflag:s8], $0x10  }
0xe0: {  	[sflag:s8] =	ssyncset.done $0x0  }
0xe1: {  	v54 =	vadd.s32 $0x19000, v18;
	[sflag:s8] =	ssyncadd.s32 $0xFFFFFFF0  }
0xe2: {  	[hbm4b:s23+s3] =	stream.linear.scatter [tilespmem:s13], [sflag:$0x2], $0x10, $0x38;
	[tilespmem:$0x4020] =	vst v63  }
0xe3: {  	_ =	swait.ge [sflag:s0], $0x10  }
0xe4: {  	[sflag:s0] =	ssyncset.done $0x0  }
0xe5: {  	[sflag:s0] =	ssyncadd.s32 $0xFFFFFFF0  }
0xe6: {  	[tilespmem:s13], [sflag:$0x1] =	stream.indirect_vreg.gather [hbm4b:s9+s3], $0x1, v54, vm2, $0xb8;
	[tilespmem:$0x4020] =	vst v63  }
0xe7: {  	_ =	swait.ge [sflag:s8], $0x10  }
0xe8: {  	[sflag:s8] =	ssyncset.done $0x0  }
0xe9: {  	v55 =	vadd.s32 $0x32000, v18;
	s18 =	rddreg [dreg:$0x1c];
	[sflag:s8] =	ssyncadd.s32 $0xFFFFFFF0  }
0xea: {  	[hbm4b:s18+s3] =	stream.linear.scatter [tilespmem:s13], [sflag:$0x2], $0x10, $0x38;
	[tilespmem:$0x4020] =	vst v63  }
0xeb: {  	_ =	swait.ge [sflag:s0], $0x10  }
0xec: {  	[sflag:s0] =	ssyncset.done $0x0  }
0xed: {  	[sflag:s0] =	ssyncadd.s32 $0xFFFFFFF0  }
0xee: {  	[tilespmem:s13], [sflag:$0x1] =	stream.indirect_vreg.gather [hbm4b:s9+s3], $0x1, v55, vm2, $0xb8;
	[tilespmem:$0x4020] =	vst v63  }
0xef: {  	_ =	swait.ge [sflag:s8], $0x10  }
0xf0: {  	[sflag:s8] =	ssyncset.done $0x0  }
0xf1: {  	v18 =	vadd.s32 $0x4B000, v18;
	s20 =	rddreg [dreg:$0x1d];
	[sflag:s8] =	ssyncadd.s32 $0xFFFFFFF0  }
0xf2: {  	[hbm4b:s20+s3] =	stream.linear.scatter [tilespmem:s13], [sflag:$0x2], $0x10, $0x38;
	[tilespmem:$0x4020] =	vst v63  }
0xf3: {  	_ =	swait.ge [sflag:s0], $0x10  }
0xf4: {  	[sflag:s0] =	ssyncset.done $0x0  }
0xf5: {  	[sflag:s0] =	ssyncadd.s32 $0xFFFFFFF0  }
0xf6: {  	[tilespmem:s13], [sflag:$0x1] =	stream.indirect_vreg.gather [hbm4b:s9+s3], $0x1, v18, vm2, $0xb8;
	[tilespmem:$0x4020] =	vst v63  }
0xf7: {  	_ =	swait.ge [sflag:s8], $0x10  }
0xf8: {  	[sflag:s8] =	ssyncset.done $0x0  }
0xf9: {  	s22 =	rddreg [dreg:$0x1e];
	[sflag:s8] =	ssyncadd.s32 $0xFFFFFFF0  }
0xfa: {  	[hbm4b:s22+s3] =	stream.linear.scatter [tilespmem:s13], [sflag:$0x2], $0x10, $0x38;
	[tilespmem:$0x4020] =	vst v63  }
0xfb: {  	_ =	swait.ge [sflag:s0], $0x10  }
0xfc: {  	[sflag:s0] =	ssyncset.done $0x0  }
0xfd: {  	[sflag:s0] =	ssyncadd.s32 $0xFFFFFFF0  }
0xfe: {  	[tilespmem:s13], [sflag:$0x1] =	stream.indirect_vreg.gather [hbm4b:s1+s3], $0x1, v21, vm2, $0xb8;
	[tilespmem:$0x4020] =	vst v63  }
0xff: {  	_ =	swait.ge [sflag:s8], $0x10  }
0x100: {  	[sflag:s8] =	ssyncset.done $0x0  }
0x101: {  	v56 =	vor.u32 $0x200, v21;
	s17 =	rddreg [dreg:$0x1f];
	[sflag:s8] =	ssyncadd.s32 $0xFFFFFFF0  }
0x102: {  	[hbm4b:s17+s3] =	stream.linear.scatter [tilespmem:s13], [sflag:$0x2], $0x10, $0x38;
	[tilespmem:$0x4020] =	vst v63  }
0x103: {  	_ =	swait.ge [sflag:s0], $0x10  }
0x104: {  	[sflag:s0] =	ssyncset.done $0x0  }
0x105: {  	[sflag:s0] =	ssyncadd.s32 $0xFFFFFFF0  }
0x106: {  	[tilespmem:s13], [sflag:$0x1] =	stream.indirect_vreg.gather [hbm4b:s1+s3], $0x1, v56, vm2, $0xb8;
	[tilespmem:$0x4020] =	vst v63  }
0x107: {  	_ =	swait.ge [sflag:s8], $0x10  }
0x108: {  	s18 =	sld [smem:$0x7F2]  }
0x109: {  	[sflag:s8] =	ssyncset.done $0x0  }
0x10a: {  	v57 =	vor.u32 $0x400, v21;
	[sflag:s8] =	ssyncadd.s32 $0xFFFFFFF0  }
0x10b: {  	[hbm4b:s18+s3] =	stream.linear.scatter [tilespmem:s13], [sflag:$0x2], $0x10, $0x38;
	[tilespmem:$0x4020] =	vst v63  }
0x10c: {  	_ =	swait.ge [sflag:s0], $0x10  }
0x10d: {  	[sflag:s0] =	ssyncset.done $0x0  }
0x10e: {  	[sflag:s0] =	ssyncadd.s32 $0xFFFFFFF0  }
0x10f: {  	[tilespmem:s13], [sflag:$0x1] =	stream.indirect_vreg.gather [hbm4b:s1+s3], $0x1, v57, vm2, $0xb8;
	[tilespmem:$0x4020] =	vst v63  }
0x110: {  	v3 =	vadd.s32 v3, v4;
	_ =	swait.ge [sflag:s8], $0x10  }
0x111: {  	v3 =	vadd.s32 v5, v3;
	s20 =	sld [smem:$0x7F3]  }
0x112: {  	v3 =	vadd.s32 v6, v3;
	[sflag:s8] =	ssyncset.done $0x0  }
0x113: {  	v3 =	vadd.s32 v7, v3;
	v58 =	vor.u32 $0x600, v21;
	[sflag:s8] =	ssyncadd.s32 $0xFFFFFFF0  }
0x114: {  	v3 =	vadd.s32 v8, v3;
	[hbm4b:s20+s3] =	stream.linear.scatter [tilespmem:s13], [sflag:$0x2], $0x10, $0x38;
	[tilespmem:$0x4020] =	vst v63  }
0x115: {  	v3 =	vadd.s32 v9, v3;
	_ =	swait.ge [sflag:s0], $0x10  }
0x116: {  	v3 =	vadd.s32 v10, v3;
	[sflag:s0] =	ssyncset.done $0x0  }
0x117: {  	v3 =	vadd.s32 v11, v3;
	[sflag:s0] =	ssyncadd.s32 $0xFFFFFFF0  }
0x118: {  	v3 =	vadd.s32 v12, v3;
	[tilespmem:s13], [sflag:$0x1] =	stream.indirect_vreg.gather [hbm4b:s1+s3], $0x1, v58, vm2, $0xb8;
	[tilespmem:$0x4020] =	vst v63  }
0x119: {  	v3 =	vadd.s32 v13, v3;
	_ =	swait.ge [sflag:s8], $0x10  }
0x11a: {  	v3 =	vadd.s32 v14, v3;
	s22 =	sld [smem:$0x7F4]  }
0x11b: {  	v3 =	vadd.s32 v15, v3;
	[sflag:s8] =	ssyncset.done $0x0  }
0x11c: {  	v3 =	vadd.s32 v16, v3;
	[sflag:s8] =	ssyncadd.s32 $0xFFFFFFF0  }
0x11d: {  	v3 =	vadd.s32 v47, v3;
	[hbm4b:s22+s3] =	stream.linear.scatter [tilespmem:s13], [sflag:$0x2], $0x10, $0x38;
	[tilespmem:$0x4020] =	vst v63  }
0x11e: {  	v3 =	vadd.s32 v49, v3;
	_ =	swait.ge [sflag:s0], $0x10  }
0x11f: {  	vm3 =	vgt.s32 v3, $0x0;
	[sflag:s0] =	ssyncset.done $0x0;
	s17 =	sld [smem:$0x7F5]  }
0x120: {  	v3 =	vnsel vm3, $0x0, v3;
	[sflag:s0] =	ssyncadd.s32 $0xFFFFFFF0  }
0x121: {  	v3 =	vmin.u32 v3, $0x18FFF;
	[tilespmem:$0x3280] =	vst v51  }
0x122: {  	[hbm4b:s17+s3] =	stream.linear.scatter [tilespmem:s13], [sflag:$0x2], $0x10, $0x38;
	[tilespmem:$0x4020] =	vst v63  }
0x123: {  	_ =	swait.ge [sflag:s0], $0x10  }
0x124: {  	[sflag:s0] =	ssyncset.done $0x0  }
0x125: {  	[sflag:s0] =	ssyncadd.s32 $0xFFFFFFF0  }
0x126: {  	[tilespmem:s2], [sflag:$0x1] =	stream.indirect_vreg.gather [hbm4b:s7+s3], $0x1, v3, vm2, $0xb8;
	[tilespmem:$0x4020] =	vst v63  }
0x127: {  	_ =	swait.ge [sflag:s8], $0x10  }
0x128: {  	[sflag:s8] =	ssyncset.done $0x0  }
0x129: {  	[sflag:s8] =	ssyncadd.s32 $0xFFFFFFF0  }
0x12a: {  	v3 =	vld [tilespmem:$0x3200];
	_ =	sdelay $0x4  }
0x12b: {  	vm3 =	vgt.s32 v3, $0x0  }
0x12c: {  	v3 =	vnsel vm3, $0x0, v3  }
0x12d: {  	v3 =	vmin.u32 v3, $0x18FFF  }
0x12e: {  	[tilespmem:$0x3200] =	vst v3  }
0x12f: {  	[hbm4b:s24+s3] =	stream.linear.scatter [tilespmem:s2], [sflag:$0x2], $0x10, $0x38;
	[tilespmem:$0x4020] =	vst v63  }
0x130: {  	_ =	swait.ge [sflag:s0], $0x10  }
0x131: {  	[sflag:s0] =	ssyncset.done $0x0  }
0x132: {  	[sflag:s0] =	ssyncadd.s32 $0xFFFFFFF0  }
0x133: {  	[tilespmem:s13], [sflag:$0x1] =	stream.indirect_vreg.gather [hbm4b:s5+s3], $0x1, v3, vm2, $0xb8;
	[tilespmem:$0x4020] =	vst v63  }
0x134: {  	_ =	swait.ge [sflag:s8], $0x10  }
0x135: {  	[sflag:s8] =	ssyncset.done $0x0  }
0x136: {  	[sflag:s8] =	ssyncadd.s32 $0xFFFFFFF0  }
0x137: {  	v59 =	vld [tilespmem:$0x3280];
	[tilespmem:s2], [sflag:$0x1] =	stream.indirect_vreg.gather [hbm4b:s6+s3], $0x1, v3, vm2, $0xb8  }
0x138: {  	_ =	swait.ge [sflag:s8], $0x10  }
0x139: {  	[sflag:s8] =	ssyncset.done $0x0  }
0x13a: {  	[sflag:s8] =	ssyncadd.s32 $0xFFFFFFF0  }
0x13b: {  	v60 =	vld [tilespmem:$0x3200];
	_ =	sdelay $0x4  }
0x13c: {  	vm3 =	vgt.s32 v60, $0x0  }
0x13d: {  	v5 =	vnsel vm3, $0x0, v60  }
0x13e: {  	v5 =	vmin.u32 v5, $0x1FF;
	_ =	sdelay $0x4  }
0x13f: {  	[tilespmem:s2], [sflag:$0x1] =	stream.indirect_vreg.gather [hbm4b:s10+s3], $0x1, v5, vm2, $0xb8;
	[tilespmem:$0x4020] =	vst v63  }
0x140: {  	_ =	swait.ge [sflag:s8], $0x10  }
0x141: {  	[sflag:s8] =	ssyncset.done $0x0  }
0x142: {  	[sflag:s8] =	ssyncadd.s32 $0xFFFFFFF0  }
0x143: {  	v61 =	vld [tilespmem:$0x3200];
	_ =	sdelay $0x3  }
0x144: {  	vm3 =	vge.f32 v59, $5.000000000e-01  }
0x145: {  	v6 =	vnsel vm3, $0x50, v61  }
0x146: {  	s18 =	rddreg [dreg:$0xb];
	[tilespmem:$0x3200] =	vst v6  }
0x147: {  	[hbm4b:s18+s3] =	stream.linear.scatter [tilespmem:s2], [sflag:$0x2], $0x10, $0x38;
	[tilespmem:$0x4020] =	vst v63  }
0x148: {  	_ =	swait.ge [sflag:s0], $0x10  }
0x149: {  	[sflag:s0] =	ssyncset.done $0x0  }
0x14a: {  	[sflag:s0] =	ssyncadd.s32 $0xFFFFFFF0  }
0x14b: {  	[tilespmem:s13], [sflag:$0x1] =	stream.indirect_vreg.gather [hbm4b:s9+s3], $0x1, v3, vm2, $0xb8;
	[tilespmem:$0x4020] =	vst v63  }
0x14c: {  	_ =	swait.ge [sflag:s8], $0x10  }
0x14d: {  	[sflag:s8] =	ssyncset.done $0x0  }
0x14e: {  	v62 =	vadd.s32 $0x19000, v3;
	s20 =	rddreg [dreg:$0xc];
	[sflag:s8] =	ssyncadd.s32 $0xFFFFFFF0  }
0x14f: {  	[hbm4b:s20+s3] =	stream.linear.scatter [tilespmem:s13], [sflag:$0x2], $0x10, $0x38;
	[tilespmem:$0x4020] =	vst v63  }
0x150: {  	_ =	swait.ge [sflag:s0], $0x10  }
0x151: {  	[sflag:s0] =	ssyncset.done $0x0  }
0x152: {  	[sflag:s0] =	ssyncadd.s32 $0xFFFFFFF0  }
0x153: {  	[tilespmem:s13], [sflag:$0x1] =	stream.indirect_vreg.gather [hbm4b:s9+s3], $0x1, v62, vm2, $0xb8;
	[tilespmem:$0x4020] =	vst v63  }
0x154: {  	_ =	swait.ge [sflag:s8], $0x10  }
0x155: {  	[sflag:s8] =	ssyncset.done $0x0  }
0x156: {  	v63 =	vadd.s32 $0x32000, v3;
	s22 =	rddreg [dreg:$0xd];
	[sflag:s8] =	ssyncadd.s32 $0xFFFFFFF0  }
0x157: {  	[hbm4b:s22+s3] =	stream.linear.scatter [tilespmem:s13], [sflag:$0x2], $0x10, $0x38;
	[tilespmem:$0x4020] =	vst v63  }
0x158: {  	_ =	swait.ge [sflag:s0], $0x10  }
0x159: {  	[sflag:s0] =	ssyncset.done $0x0  }
0x15a: {  	[sflag:s0] =	ssyncadd.s32 $0xFFFFFFF0  }
0x15b: {  	[tilespmem:s13], [sflag:$0x1] =	stream.indirect_vreg.gather [hbm4b:s9+s3], $0x1, v63, vm2, $0xb8;
	[tilespmem:$0x4020] =	vst v63  }
0x15c: {  	_ =	swait.ge [sflag:s8], $0x10  }
0x15d: {  	s17 =	sld [smem:$0x7F6]  }
0x15e: {  	[sflag:s8] =	ssyncset.done $0x0  }
0x15f: {  	v3 =	vadd.s32 $0x4B000, v3;
	[sflag:s8] =	ssyncadd.s32 $0xFFFFFFF0  }
0x160: {  	[hbm4b:s17+s3] =	stream.linear.scatter [tilespmem:s13], [sflag:$0x2], $0x10, $0x38;
	[tilespmem:$0x4020] =	vst v63  }
0x161: {  	_ =	swait.ge [sflag:s0], $0x10  }
0x162: {  	[sflag:s0] =	ssyncset.done $0x0  }
0x163: {  	[sflag:s0] =	ssyncadd.s32 $0xFFFFFFF0  }
0x164: {  	[tilespmem:s13], [sflag:$0x1] =	stream.indirect_vreg.gather [hbm4b:s9+s3], $0x1, v3, vm2, $0xb8;
	[tilespmem:$0x4020] =	vst v63  }
0x165: {  	_ =	swait.ge [sflag:s8], $0x10  }
0x166: {  	s18 =	sld [smem:$0x7F7]  }
0x167: {  	[sflag:s8] =	ssyncset.done $0x0  }
0x168: {  	[sflag:s8] =	ssyncadd.s32 $0xFFFFFFF0  }
0x169: {  	[hbm4b:s18+s3] =	stream.linear.scatter [tilespmem:s13], [sflag:$0x2], $0x10, $0x38;
	[tilespmem:$0x4020] =	vst v63  }
0x16a: {  	_ =	swait.ge [sflag:s0], $0x10  }
0x16b: {  	[sflag:s0] =	ssyncset.done $0x0  }
0x16c: {  	[sflag:s0] =	ssyncadd.s32 $0xFFFFFFF0  }
0x16d: {  	[tilespmem:s13], [sflag:$0x1] =	stream.indirect_vreg.gather [hbm4b:s1+s3], $0x1, v5, vm2, $0xb8;
	[tilespmem:$0x4020] =	vst v63  }
0x16e: {  	_ =	swait.ge [sflag:s8], $0x10  }
0x16f: {  	s20 =	sld [smem:$0x7F8]  }
0x170: {  	[sflag:s8] =	ssyncset.done $0x0  }
0x171: {  	v3 =	vor.u32 $0x200, v5;
	[sflag:s8] =	ssyncadd.s32 $0xFFFFFFF0  }
0x172: {  	[hbm4b:s20+s3] =	stream.linear.scatter [tilespmem:s13], [sflag:$0x2], $0x10, $0x38;
	[tilespmem:$0x4020] =	vst v63  }
0x173: {  	_ =	swait.ge [sflag:s0], $0x10  }
0x174: {  	[sflag:s0] =	ssyncset.done $0x0  }
0x175: {  	[sflag:s0] =	ssyncadd.s32 $0xFFFFFFF0  }
0x176: {  	[tilespmem:s13], [sflag:$0x1] =	stream.indirect_vreg.gather [hbm4b:s1+s3], $0x1, v3, vm2, $0xb8;
	[tilespmem:$0x4020] =	vst v63  }
0x177: {  	_ =	swait.ge [sflag:s8], $0x10  }
0x178: {  	s22 =	sld [smem:$0x7F9]  }
0x179: {  	[sflag:s8] =	ssyncset.done $0x0  }
0x17a: {  	v3 =	vor.u32 $0x400, v5;
	[sflag:s8] =	ssyncadd.s32 $0xFFFFFFF0  }
0x17b: {  	[hbm4b:s22+s3] =	stream.linear.scatter [tilespmem:s13], [sflag:$0x2], $0x10, $0x38;
	[tilespmem:$0x4020] =	vst v63  }
0x17c: {  	_ =	swait.ge [sflag:s0], $0x10  }
0x17d: {  	[sflag:s0] =	ssyncset.done $0x0  }
0x17e: {  	[sflag:s0] =	ssyncadd.s32 $0xFFFFFFF0  }
0x17f: {  	[tilespmem:s13], [sflag:$0x1] =	stream.indirect_vreg.gather [hbm4b:s1+s3], $0x1, v3, vm2, $0xb8;
	[tilespmem:$0x4020] =	vst v63  }
0x180: {  	_ =	swait.ge [sflag:s8], $0x10  }
0x181: {  	s17 =	sld [smem:$0x7FA]  }
0x182: {  	[sflag:s8] =	ssyncset.done $0x0  }
0x183: {  	v3 =	vor.u32 $0x600, v5;
	[sflag:s8] =	ssyncadd.s32 $0xFFFFFFF0  }
0x184: {  	[hbm4b:s17+s3] =	stream.linear.scatter [tilespmem:s13], [sflag:$0x2], $0x10, $0x38;
	[tilespmem:$0x4020] =	vst v63  }
0x185: {  	_ =	swait.ge [sflag:s0], $0x10  }
0x186: {  	[sflag:s0] =	ssyncset.done $0x0  }
0x187: {  	[sflag:s0] =	ssyncadd.s32 $0xFFFFFFF0  }
0x188: {  	[tilespmem:s13], [sflag:$0x1] =	stream.indirect_vreg.gather [hbm4b:s1+s3], $0x1, v3, vm2, $0xb8;
	[tilespmem:$0x4020] =	vst v63  }
0x189: {  	_ =	swait.ge [sflag:s8], $0x10  }
0x18a: {  	s18 =	sld [smem:$0x7FB]  }
0x18b: {  	[sflag:s8] =	ssyncset.done $0x0  }
0x18c: {  	[sflag:s8] =	ssyncadd.s32 $0xFFFFFFF0  }
0x18d: {  	[hbm4b:s18+s3] =	stream.linear.scatter [tilespmem:s13], [sflag:$0x2], $0x10, $0x38;
	[tilespmem:$0x4020] =	vst v63  }
0x18e: {  	_ =	swait.ge [sflag:s0], $0x10  }
0x18f: {  	[sflag:s0] =	ssyncset.done $0x0;
	s20 =	sld [smem:$0x7FC]  }
0x190: {  	[sflag:s0] =	ssyncadd.s32 $0xFFFFFFF0  }
0x191: {  	[tilespmem:$0x3280] =	vst v59  }
0x192: {  	[hbm4b:s20+s3] =	stream.linear.scatter [tilespmem:s13], [sflag:$0x2], $0x10, $0x38;
	[tilespmem:$0x4020] =	vst v63  }
0x193: {  	_ =	swait.ge [sflag:s0], $0x10  }
0x194: {  	s15 =	sadd.s32 $0x1, s15;
	s22 =	rddreg [dreg:$0xf]  }
0x195: {  	p1 =	sne.s32 s15, s22  }
.Ltmp1:
0x196: {  	_ = 	snop;
	(pc) =	sbr.rel @!p1 .LBB2_16-.Ltmp1, $3  }
0x197: {  	_ =	sdelay $0x1  }
0x198: {  	[sflag:s0] =	ssyncset.done $0x0  }
0x199: {  	[sflag:s0] =	ssyncadd.s32 $0xFFFFFFF0  }
.LBB2_1:
0x19a: {  	[tilespmem:s3], [sflag:$0x2] =	stream.linear.gather [hbm4b:s26+s3], $0x1900, $0x38;
	[tilespmem:$0x4020] =	vst v63  }
0x19b: {  	_ =	swait.ge [sflag:s0], $0x1900  }
0x19c: {  	[sflag:s0] =	ssyncset.done $0x0  }
0x19d: {  	s16 =	simm.s32 $0x0;
	s17 =	simm.s32 $0x1900;
	[sflag:s0] =	ssyncadd.s32 $0xFFFFE700  }
0x19e: {  	[tilespmem:s17], [sflag:$0x1] =	stream.indirect.gather [hbm4b:s5+s4], $0x1, s16, s4, $0xb8;
	[tilespmem:$0x4020] =	vst v63  }
0x19f: {  	s16 =	simm.s32 $0x200;
	_ =	swait.ge [sflag:s8], $0x80  }
.LBB2_2:
0x1a0: {  	s17 =	sshra.s32 s16, $0x2;
	[sflag:s8] =	ssyncset.done $0x0;
	p1 =	sne.s32 s16, $0x6200  }
.Ltmp2:
0x1a1: {  	s18 =	sadd.s32 $0x1900, s17;
	[sflag:s8] =	ssyncadd.s32 $0xFFFFFF80;
	(pc) =	sbr.rel @p1 .LBB2_2-.Ltmp2, $3  }
0x1a2: {  	[tilespmem:s18], [sflag:$0x1] =	stream.indirect.gather [hbm4b:s5+s4], $0x1, s17, s4, $0xb8;
	[tilespmem:$0x4020] =	vst v63  }
0x1a3: {  	s16 =	sadd.s32 $0x200, s16;
	_ =	sdelay $0x1  }
0x1a4: {  	_ =	swait.ge [sflag:s8], $0x80  }
0x1a5: {  	[sflag:s8] =	ssyncset.done $0x0  }
0x1a6: {  	s16 =	simm.s32 $0x0;
	[sflag:s8] =	ssyncadd.s32 $0xFFFFFF80  }
0x1a7: {  	v3 =	vld [tilespmem:s16+$0x1900]  }
0x1a8: {  	s18 =	simm.s32 $0x10  }
0x1a9: {  	s20 =	simm.s32 $0x20;
	v4 =	vld [tilespmem:s18+$0x1900]  }
0x1aa: {  	v5 =	vld [tilespmem:s20+$0x1900];
	_ =	sdelay $0x1  }
0x1ab: {  	vm3 =	vge.f32 v3, $5.000000000e-01  }
0x1ac: {  	v3 =	vsel vm3, $0x1, v0  }
0x1ad: {  	vm3 =	vge.f32 v4, $5.000000000e-01;
	(xrf0) =	vadd.scan.msk.s32 $0xffff, v3  }
0x1ae: {  	v3 =	vsel vm3, $0x1, v0;
	vm3 =	vge.f32 v5, $5.000000000e-01  }
0x1af: {  	(xrf0) =	vadd.scan.msk.s32 $0xffff, v3;
	v3 =	vsel vm3, $0x1, v0  }
0x1b0: {  	s22 =	simm.s32 $0x30;
	(xrf0) =	vadd.scan.msk.s32 $0xffff, v3  }
0x1b1: {  	v4 =	vld [tilespmem:s22+$0x1900];
	_ =	sdelay $0x1  }
0x1b2: {  	v3, _, _ =	vpop (xrf0)  }
0x1b3: {  	(v2sf) =	vpush v3, $0xF  }
0x1b4: {  	v3, _, _ =	vpop (xrf0)  }
0x1b5: {  	vm3 =	vge.f32 v4, $5.000000000e-01;
	(v2sf) =	vpush v3, $0xF;
	v4, _, _ =	vpop (xrf0)  }
0x1b6: {  	(v2sf) =	vpush v4, $0xF;
	_ =	sdelay $0x5  }
0x1b7: {  	s18 =	simm.s32 $0x40;
	v3 =	vsel vm3, $0x1, v0  }
0x1b8: {  	(xrf0) =	vadd.scan.msk.s32 $0xffff, v3;
	v3 =	vld [tilespmem:s18+$0x1900];
	_ =	sdelay $0x1  }
0x1b9: {  	s17 =	simm.s32 $0x140;
	s16 =	simm.s32 $0x0  }
.LBB2_4:
0x1ba: {  	p1 =	sne.s32 s17, $0x63C0  }
.Ltmp3:
0x1bb: {  	s18 =	sshra.s32 s17, $0x2;
	(pc) =	sbr.rel @p1 .LBB2_4-.Ltmp3, $4  }
0x1bc: {  	s17 =	sadd.s32 $0x40, s17;
	s20 =	spop (v2sf);
	vm3 =	vge.f32 v3, $5.000000000e-01  }
0x1bd: {  	s16 =	sadd.s32 s16, s20;
	v3 =	vld [tilespmem:s18+$0x1900];
	v5 =	vsel vm3, $0x1, v0  }
0x1be: {  	(xrf0) =	vadd.scan.msk.s32 $0xffff, v5;
	v4, _, _ =	vpop (xrf0)  }
0x1bf: {  	(v2sf) =	vpush v4, $0xF  }
0x1c0: {  	_ =	sdelay $0x1  }
0x1c1: {  	vm3 =	vge.f32 v3, $5.000000000e-01  }
0x1c2: {  	v3 =	vsel vm3, $0x1, v0  }
0x1c3: {  	(xrf0) =	vadd.scan.msk.s32 $0xffff, v3;
	_ =	sdelay $0x4  }
0x1c4: {  	v3, _, _ =	vpop (xrf0)  }
0x1c5: {  	(v2sf) =	vpush v3, $0xF;
	v3, _, _ =	vpop (xrf0)  }
0x1c6: {  	(v2sf) =	vpush v3, $0xF;
	_ =	sdelay $0xa  }
0x1c7: {  	s17 =	spop (v2sf)  }
0x1c8: {  	s16 =	sadd.s32 s16, s17;
	s22 =	spop (v2sf)  }
0x1c9: {  	s16 =	sadd.s32 s16, s22;
	s18 =	spop (v2sf)  }
0x1ca: {  	s16 =	sadd.s32 s16, s18;
	s20 =	spop (v2sf)  }
0x1cb: {  	s16 =	sadd.s32 s16, s20;
	s22 =	spop (v2sf)  }
0x1cc: {  	s16 =	sadd.s32 s16, s22  }
0x1cd: {  	v3 =	vmov s16  }
0x1ce: {  	s16 =	ssub.s32 $0x1900, s16;
	v3 =	vnsel vm0, $0x0, v3  }
0x1cf: {  	v3 =	vsel vm1, s16, v3  }
0x1d0: {  	[tilespmem:$0x3200] =	vst v3  }
0x1d1: {  	[spmem:s28] =	stream.linear.scatter [tilespmem:s2], [sflag:$0x2], $0x80, $0x38;
	[tilespmem:$0x4020] =	vst v63  }
0x1d2: {  	_ =	swait.ge [sflag:s0], $0x80  }
0x1d3: {  	[sflag:s0] =	ssyncset.done $0x0  }
0x1d4: {  	[sflag:s0] =	ssyncadd.s32 $0xFFFFFF80  }
0x1d5: {  	s18 =	simm.s32 $0x3300;
	[bflag:$0x0] =	sbarrier.arrive $0xFFFF  }
0x1d6: {  	[tilespmem:s18], [sflag:$0x2] =	stream.linear.gather [spmem:s25], $0x800, $0x38;
	[tilespmem:$0x4020] =	vst v63  }
0x1d7: {  	_ =	swait.ge [sflag:s0], $0x800  }
0x1d8: {  	[sflag:s0] =	ssyncset.done $0x0  }
0x1d9: {  	[sflag:s0] =	ssyncadd.s32 $0xFFFFF800  }
0x1da: {  	v3 =	vld [tilespmem:$0x3300]  }
0x1db: {  	s20 =	sld [smem:$0x7F1];
	v4 =	vld [tilespmem:$0x3380]  }
0x1dc: {  	s22 =	sld [smem:$0x7F0];
	v5 =	vld [tilespmem:$0x3400]  }
0x1dd: {  	s17 =	sld [smem:$0x7EF];
	v6 =	vld [tilespmem:$0x3480]  }
0x1de: {  	s18 =	sld [smem:$0x7EE];
	v7 =	vld [tilespmem:$0x3500]  }
0x1df: {  	v8 =	vld [tilespmem:$0x3580];
	p1 =	seq.s32 s20, $0x1;
	p2 =	seq.s32 s22, $0x1;
	s20 =	sld [smem:$0x7ED]  }
0x1e0: {  	v9 =	vld [tilespmem:$0x3600];
	s22 =	sld [smem:$0x7EC];
	v3 =	vpsel p1, $0x0, v3;
	v4 =	vpsel !p2, $0x0, v4;
	p2 =	seq.s32 s17, $0x1  }
0x1e1: {  	v44 =	vld [tilespmem:$0x3680];
	s17 =	sld [smem:$0x7EB];
	v3 =	vadd.s32 v3, v4;
	v43 =	vpsel !p2, $0x0, v5;
	p2 =	seq.s32 s18, $0x1  }
0x1e2: {  	v46 =	vld [tilespmem:$0x3700];
	s18 =	sld [smem:$0x7EA];
	v3 =	vadd.s32 v43, v3;
	v45 =	vpsel !p2, $0x0, v6;
	p2 =	seq.s32 s20, $0x1  }
0x1e3: {  	v48 =	vld [tilespmem:$0x3780];
	s20 =	sld [smem:$0x7E9];
	v3 =	vadd.s32 v45, v3;
	v47 =	vpsel !p2, $0x0, v7;
	p2 =	seq.s32 s22, $0x1  }
0x1e4: {  	v50 =	vld [tilespmem:$0x3800];
	s22 =	sld [smem:$0x7E8];
	v3 =	vadd.s32 v47, v3;
	v49 =	vpsel !p2, $0x0, v8;
	p2 =	seq.s32 s17, $0x1  }
0x1e5: {  	v52 =	vld [tilespmem:$0x3880];
	v3 =	vadd.s32 v49, v3;
	v51 =	vpsel !p2, $0x0, v9;
	p2 =	seq.s32 s18, $0x1  }
0x1e6: {  	[tilespmem:$0x3B00] =	vst v0;
	v54 =	vld [tilespmem:$0x3900];
	v3 =	vadd.s32 v51, v3;
	v53 =	vpsel !p2, $0x0, v44;
	p2 =	seq.s32 s20, $0x1  }
0x1e7: {  	[tilespmem:$0x3B10] =	vst v0;
	v56 =	vld [tilespmem:$0x3980];
	v3 =	vadd.s32 v53, v3;
	v55 =	vpsel !p2, $0x0, v46;
	p2 =	seq.s32 s22, $0x1  }
0x1e8: {  	[tilespmem:$0x3B20] =	vst v0;
	v58 =	vld [tilespmem:$0x3A00];
	v3 =	vadd.s32 v55, v3;
	v57 =	vpsel !p2, $0x0, v48  }
0x1e9: {  	[tilespmem:$0x3B30] =	vst v0;
	v59 =	vpsel !p0, $0x0, v50;
	v3 =	vadd.s32 v57, v3  }
0x1ea: {  	[tilespmem:$0x3B40] =	vst v0;
	v60 =	vpsel !p6, $0x0, v52;
	v3 =	vadd.s32 v59, v3  }
0x1eb: {  	[tilespmem:$0x3B50] =	vst v0;
	v61 =	vpsel !p5, $0x0, v54;
	v3 =	vadd.s32 v60, v3  }
0x1ec: {  	[tilespmem:$0x3B60] =	vst v0;
	v62 =	vpsel !p4, $0x0, v56;
	v3 =	vadd.s32 v61, v3  }
0x1ed: {  	[tilespmem:$0x3B70] =	vst v0;
	v63 =	vpsel !p3, $0x0, v58;
	v3 =	vadd.s32 v62, v3  }
0x1ee: {  	[tilespmem:$0x3B80] =	vst v0;
	v3 =	vadd.s32 v63, v3  }
0x1ef: {  	[tilespmem:$0x3B90] =	vst v0;
	(v2sf) =	vpush v3, $0x0  }
0x1f0: {  	[tilespmem:$0x3BA0] =	vst v0;
	(v2sf) =	vpush v3, $0x1  }
0x1f1: {  	[tilespmem:$0x3BB0] =	vst v0  }
0x1f2: {  	[tilespmem:$0x3BC0] =	vst v0  }
0x1f3: {  	[tilespmem:$0x3BD0] =	vst v0  }
0x1f4: {  	[tilespmem:$0x3BE0] =	vst v0  }
0x1f5: {  	[tilespmem:$0x3BF0] =	vst v0  }
0x1f6: {  	[tilespmem:$0x3C00] =	vst v0  }
0x1f7: {  	[tilespmem:$0x3C10] =	vst v0  }
0x1f8: {  	[tilespmem:$0x3C20] =	vst v0  }
0x1f9: {  	[tilespmem:$0x3C30] =	vst v0  }
0x1fa: {  	[tilespmem:$0x3C40] =	vst v0  }
0x1fb: {  	[tilespmem:$0x3C50] =	vst v0  }
0x1fc: {  	[tilespmem:$0x3C60] =	vst v0  }
0x1fd: {  	[tilespmem:$0x3C70] =	vst v0  }
0x1fe: {  	[tilespmem:$0x3C80] =	vst v0;
	s20 =	spop (v2sf)  }
0x1ff: {  	[tilespmem:$0x3C90] =	vst v0;
	s22 =	spop (v2sf);
	p1 =	slt.s32 s20, $0x80  }
0x200: {  	[tilespmem:$0x3CA0] =	vst v0;
	p2 =	sgt.s32 @!p1 s22, $0x17F  }
0x201: {  	[tilespmem:$0x3CB0] =	vst v0;
	p2 =	por p1, !p2  }
.Ltmp4:
0x202: {  	[tilespmem:$0x3CC0] =	vst v0;
	(pc) =	sbr.rel @!p2 .LBB2_15-.Ltmp4, $4  }
0x203: {  	[tilespmem:$0x3CD0] =	vst v0  }
0x204: {  	[tilespmem:$0x3CE0] =	vst v0  }
0x205: {  	[tilespmem:$0x3CF0] =	vst v0  }
0x206: {  	[tilespmem:$0x3D00] =	vst v0  }
0x207: {  	s17 =	simm.s32 $0x0  }
0x208: {  	p0 =	por p6, p6;
	p6 =	por p5, p5;
	s17 =	simm.s32 @p1 $0x0  }
0x209: {  	p5 =	por p4, p4;
	p4 =	por p3, p3;
	p3 =	sne.s32 s17, $0x63C0  }
.Ltmp5:
0x20a: {  	_ = 	snop;
	(pc) =	sbr.rel @!p3 .LBB2_7-.Ltmp5, $4  }
0x20b: {  	_ = 	snop  }
0x20c: {  	s23 =	rddreg [dreg:$0x7]  }
0x20d: {  	s22 =	smov.u32 @p1 s22;
	s20 =	smov.u32 @p1 s20;
	p2 =	por $0x0, $0x0  }
0x20e: {  	s23 =	smov.u32 @p1 s23;
	p1 =	por $0x0, $0x0;
	s24 =	sadd.s32 $0x40, s17  }
0x20f: {  	s16 =	sshra.s32 s17, $0x2  }
0x210: {  	v3 =	vld [tilespmem:s16+$0x1900];
	_ =	sdelay $0x4  }
0x211: {  	vm3 =	vge.f32 v3, $5.000000000e-01  }
0x212: {  	vm4 =	vmneg vm3;
	v3 =	vsel vm3, $0x1, v0  }
0x213: {  	v4 =	vsel vm4, $0x1, v0;
	(xrf0) =	vadd.scan.msk.s32 $0xffff, v3  }
0x214: {  	(xrf0) =	vadd.scan.msk.s32 $0xffff, v4;
	_ =	sdelay $0x2  }
0x215: {  	v3 =	vmov s20;
	v4 =	vmov s22  }
0x216: {  	p3 =	sne.s32 s24, $0x63C0;
	v3 =	vadd.s32 $0xFFFFFFFF, v3;
	v4 =	vadd.s32 $0x7F, v4  }
.Ltmp6:
0x217: {  	v3 =	vbroadcast v3, $0x0;
	v4 =	vbroadcast v4, $0x0;
	v5, _, _ =	vpop (xrf0);
	(pc) =	sbr.rel @!p3 .LBB2_9-.Ltmp6, $4  }
0x218: {  	v6, _, _ =	vpop (xrf0)  }
0x219: {  	v3 =	vadd.s32 v5, v3;
	v4 =	vadd.s32 v6, v4  }
0x21a: {  	vm5 =	vlt.s32 v3, $0x80;
	vm6 =	vlt.s32 v4, $0x200  }
0x21b: {  	s21 =	sadd.s32 $0x40, s24;
	p1 =	por $0x1, $0x1;
	(v2sf) =	vpush v5, $0xF;
	vm3 =	vmand vm3, vm5;
	vm4 =	vmand vm6, vm4  }
0x21c: {  	vm5 =	vmor vm3, vm4;
	v4 =	vsel vm4, v4, v2  }
0x21d: {  	v3 =	vsel vm3, v3, v4;
	_ =	sdelay $0x3  }
0x21e: {  	v4 =	vor.u32 s23, v1  }
0x21f: {  	s16 =	sshra.s32 s24, $0x2;
	[tilespmem:v3+s11+$0x0] =	vst.idx.msk vm5, v4  }
0x220: {  	v3 =	vld [tilespmem:s16+$0x1900];
	_ =	sdelay $0x4  }
0x221: {  	s1 =	smov.u32 s7;
	s7 =	smov.u32 s10;
	vm3 =	vge.f32 v3, $5.000000000e-01  }
0x222: {  	s10 =	smov.u32 s6;
	s6 =	smov.u32 s19;
	s19 =	smov.u32 s14;
	vm4 =	vmneg vm3;
	v3 =	vsel vm3, $0x1, v0  }
0x223: {  	s14 =	smov.u32 s31;
	s31 =	smov.u32 s29;
	s29 =	smov.u32 s28;
	v4 =	vsel vm4, $0x1, v0;
	(xrf0) =	vadd.scan.msk.s32 $0xffff, v3  }
0x224: {  	s28 =	smov.u32 s26;
	s26 =	smov.u32 s25;
	s25 =	spop (v2sf);
	(xrf0) =	vadd.scan.msk.s32 $0xffff, v4  }
0x225: {  	s18 =	ssub.s32 s22, s25  }
0x226: {  	s17 =	sadd.s32 s20, s25;
	s18 =	sadd.s32 $0x10, s18  }
0x227: {  	v3 =	vmov s17;
	v4 =	vmov s18  }
0x228: {  	p3 =	sne.s32 s21, $0x63C0;
	v3 =	vadd.s32 $0xFFFFFFFF, v3;
	v4 =	vadd.s32 $0x7F, v4  }
.Ltmp7:
0x229: {  	v3 =	vbroadcast v3, $0x0;
	v4 =	vbroadcast v4, $0x0;
	v5, _, _ =	vpop (xrf0);
	(pc) =	sbr.rel @!p3 .LBB2_11-.Ltmp7, $4  }
0x22a: {  	v6, _, _ =	vpop (xrf0);
	(v2sf) =	vpush v5, $0xF  }
0x22b: {  	v3 =	vadd.s32 v5, v3;
	v4 =	vadd.s32 v6, v4  }
0x22c: {  	vm5 =	vlt.s32 v3, $0x80;
	vm6 =	vlt.s32 v4, $0x200  }
0x22d: {  	s24 =	sadd.s32 $0x40, s21;
	p2 =	por $0x1, $0x1;
	s16 =	smov.u32 s23;
	vm3 =	vmand vm3, vm5;
	vm4 =	vmand vm6, vm4  }
.LBB2_12:
0x22e: {  	p3 =	sne.s32 s24, $0x63C0;
	vm5 =	vmor vm3, vm4;
	v4 =	vsel vm4, v4, v2  }
0x22f: {  	v3 =	vsel vm3, v3, v4;
	_ =	sdelay $0x2  }
0x230: {  	s16 =	sadd.s32 $0x10, s16  }
0x231: {  	v4 =	vor.u32 s16, v1  }
0x232: {  	s25 =	sshra.s32 s21, $0x2;
	s21 =	smov.u32 s24;
	[tilespmem:v3+s11+$0x0] =	vst.idx.msk vm5, v4  }
0x233: {  	v3 =	vld [tilespmem:s25+$0x1900];
	_ =	sdelay $0x3  }
0x234: {  	s25 =	spop (v2sf)  }
0x235: {  	vm3 =	vge.f32 v3, $5.000000000e-01;
	s17 =	sadd.s32 s17, s25;
	s18 =	ssub.s32 s18, s25  }
0x236: {  	vm4 =	vmneg vm3;
	v3 =	vsel vm3, $0x1, v0;
	s18 =	sadd.s32 $0x10, s18  }
0x237: {  	v4 =	vsel vm4, $0x1, v0;
	(xrf0) =	vadd.scan.msk.s32 $0xffff, v3  }
0x238: {  	(xrf0) =	vadd.scan.msk.s32 $0xffff, v4;
	_ =	sdelay $0x2  }
0x239: {  	v3 =	vmov s17;
	v4 =	vmov s18  }
0x23a: {  	v3 =	vadd.s32 $0xFFFFFFFF, v3;
	v4 =	vadd.s32 $0x7F, v4  }
.Ltmp8:
0x23b: {  	v3 =	vbroadcast v3, $0x0;
	v4 =	vbroadcast v4, $0x0;
	v5, _, _ =	vpop (xrf0);
	(pc) =	sbr.rel @p3 .LBB2_12-.Ltmp8, $4  }
0x23c: {  	v6, _, _ =	vpop (xrf0);
	(v2sf) =	vpush v5, $0xF  }
0x23d: {  	v3 =	vadd.s32 v5, v3;
	v4 =	vadd.s32 v6, v4  }
0x23e: {  	vm5 =	vlt.s32 v3, $0x80;
	vm6 =	vlt.s32 v4, $0x200  }
0x23f: {  	s24 =	sadd.s32 $0x40, s24;
	vm3 =	vmand vm3, vm5;
	vm4 =	vmand vm6, vm4  }
.Ltmp9:
0x240: {  	(pc) =	sbr.rel .LBB2_14-.Ltmp9, $4  }
0x241: {  	s24 =	smov.u32 s21;
	s25 =	smov.u32 s26;
	s26 =	smov.u32 s28  }
0x242: {  	s28 =	smov.u32 s29;
	s29 =	smov.u32 s31;
	s31 =	smov.u32 s14  }
0x243: {  	s14 =	smov.u32 s19;
	s19 =	smov.u32 s6;
	s6 =	smov.u32 s10  }
0x244: {  	s10 =	smov.u32 s7;
	s7 =	smov.u32 s1;
	s1 =	rddreg [dreg:$0x1]  }
.LBB2_9:
.Ltmp10:
0x245: {  	(pc) =	sbr.rel .LBB2_14-.Ltmp10, $2  }
0x246: {  	_ =	sdelay $0x2  }
0x247: {  	s16 =	smov.u32 s23;
	s17 =	smov.u32 s20;
	s18 =	smov.u32 s22  }
.LBB2_11:
.Ltmp11:
0x248: {  	s16 =	smov.u32 s23;
	(pc) =	sbr.rel .LBB2_14-.Ltmp11, $4  }
0x249: {  	s24 =	smov.u32 s21;
	s25 =	smov.u32 s26;
	s26 =	smov.u32 s28  }
0x24a: {  	s28 =	smov.u32 s29;
	s29 =	smov.u32 s31;
	s31 =	smov.u32 s14  }
0x24b: {  	s14 =	smov.u32 s19;
	s19 =	smov.u32 s6;
	s6 =	smov.u32 s10  }
0x24c: {  	s10 =	smov.u32 s7;
	s7 =	smov.u32 s1;
	s1 =	rddreg [dreg:$0x1]  }
.LBB2_16:
0x24d: {  	_ =	sfence.sel $0x180000  }
0x24e: {  	[bflag:$0x0] =	sbarrier.arrive $0xFFFF  }
0x24f: {  	_ =	strace $0x90000047  }
0x250: {  	s0 =	stileid.u32;
	[bflag:$0x2] =	sbarrier.arrive $0xFFFF  }
0x251: {  	p0 =	sne.s32 s0, $0x0;
	s0 =	rddreg [dreg:$0x6]  }
0x252: {  	s0 =	sadd.s32 @!p0 $0x100000, s0  }
0x253: {  	[sflag:s0] =	ssyncadd.tile.s32 @!p0 $0x1;
	_ =	shalt  }
.Lfunc_end2:
_tile_overlayer_lowered:
.L_overlay_start_2:
0x254: {  	(tag) =	ssettag $0x2  }
0x255: {  	s0 =	rddreg [dreg:$0x0];
	s2 =	stileid.u32  }
0x256: {  	s1 =	rddreg [dreg:$0x1];
	p0 =	sne.s32 s2, $0x0  }
0x257: {  	s3 =	rddreg [dreg:$0x2];
	[bflag:$0x3] =	sbarrier.arrive $0xFFFF;
	s2 =	simm.s32 @!p0 $0x1C02  }
0x258: {  	[timem:s3], [sflag:s2] =	dma.local @!p0 [hbm:s0], s1  }
0x259: {  	s0 =	simm.s32 @!p0 $0x2  }
0x25a: {  	_ =	swait.ge @!p0 [sflag:s0], s1  }
0x25b: {  	s1 =	ssub.s32 @!p0 $0x0, s1;
	[sflag:s0] =	ssyncset.done @!p0 $0x0  }
0x25c: {  	[sflag:s0] =	ssyncadd.s32 @!p0 s1  }
0x25d: {  	[bflag:$0x3] =	sbarrier.arrive $0xFFFF  }
0x25e: {  	_ =	shalt  }

</sc_bundles>
